<compile_context>
chip_gen: v7x
topology: tpu7x:2x2x1
jax: 0.10.2.dev20260603
libtpu: 0.0.44.dev20260713+nightly
codegen_flags: <defaults>
</compile_context>

<pallas_src>
import functools

import jax
import jax.numpy as jnp
from jax import lax
from jax.experimental import pallas as pl
from jax.experimental.pallas import tpu as pltpu
from jax.experimental.pallas import tpu_sc as plsc

B = 4
E = 16
H = 16
S = 512
D = 1024
HB = 4


def _tc_reduce_and_logits(mh, mm, wr, br2, wn, bn2, eps):
    grid = (B, H // HB)
    nh = H // HB

    def body(mh_ref, mm_ref, wr_ref, br_ref, wn_ref, bn_ref, eps_ref,
             noisy_ref, combo_ref, acc_ref):
        b = pl.program_id(0)
        h = pl.program_id(1)

        @pl.when((b == 0) & (h == 0))
        def _():
            acc_ref[...] = jnp.zeros_like(acc_ref)

        blk = mh_ref[0].reshape(HB * S, D)
        ones = jnp.ones((1, HB * S), jnp.float32)
        s = lax.dot_general(ones, blk, (((1,), (0,)), ((), ())),
                            preferred_element_type=jnp.float32)
        rows = lax.broadcasted_iota(jnp.int32, (B, D), 0)
        acc_ref[...] += jnp.where(rows == b, s, 0.0)

        @pl.when((b == B - 1) & (h == nh - 1))
        def _():
            x = acc_ref[...] * (1.0 / (H * S))
            r = lax.dot_general(x, wr_ref[...], (((1,), (1,)), ((), ())),
                                preferred_element_type=jnp.float32) + br_ref[...]
            logits = jax.nn.softmax(r, axis=-1)
            n = lax.dot_general(x, wn_ref[...], (((1,), (1,)), ((), ())),
                                preferred_element_type=jnp.float32) + bn_ref[...]
            noise = jax.nn.softmax(eps_ref[...] * jax.nn.softplus(n), axis=-1)
            noisy = logits + noise
            noisy_ref[...] = noisy
            mmf = mm_ref[...].astype(jnp.float32)
            mm16 = jnp.concatenate(
                [mmf, jnp.zeros((1, E - B), jnp.float32)], axis=1)
            combo_ref[...] = jnp.concatenate(
                [noisy, mm16, jnp.zeros((8 - B - 1, E), jnp.float32)], axis=0)

    return pl.pallas_call(
        body,
        grid=grid,
        in_specs=[
            pl.BlockSpec((1, HB, S, D), lambda b, h: (b, h, 0, 0)),
            pl.BlockSpec((1, B), lambda b, h: (0, 0)),
            pl.BlockSpec((E, D), lambda b, h: (0, 0)),
            pl.BlockSpec((1, E), lambda b, h: (0, 0)),
            pl.BlockSpec((E, D), lambda b, h: (0, 0)),
            pl.BlockSpec((1, E), lambda b, h: (0, 0)),
            pl.BlockSpec((B, E), lambda b, h: (0, 0)),
        ],
        out_specs=[
            pl.BlockSpec((B, E), lambda b, h: (0, 0)),
            pl.BlockSpec((8, E), lambda b, h: (0, 0)),
        ],
        out_shape=[
            jax.ShapeDtypeStruct((B, E), jnp.float32),
            jax.ShapeDtypeStruct((8, E), jnp.float32),
        ],
        scratch_shapes=[pltpu.VMEM((B, D), jnp.float32)],
        compiler_params=pltpu.CompilerParams(
            dimension_semantics=("arbitrary", "arbitrary")),
    )(mh, mm, wr, br2, wn, bn2, eps)


def _shuffle(x, lanes, s):
    return x.at[lanes ^ s].get(mode="promise_in_bounds")


def _allmax(x, lanes):
    for s in (8, 4, 2, 1):
        x = jnp.maximum(x, _shuffle(x, lanes, s))
    return x


def _allsum(x, lanes):
    for s in (8, 4, 2, 1):
        x = x + _shuffle(x, lanes, s)
    return x


def _sc_route(combo):
    mesh = plsc.VectorSubcoreMesh(core_axis_name="c", subcore_axis_name="s",
                                  num_cores=1, num_subcores=1)

    @functools.partial(
        pl.kernel,
        mesh=mesh,
        out_type=jax.ShapeDtypeStruct((B, E), jnp.float32),
        scratch_types=[
            pltpu.VMEM((8, E), jnp.float32),
            pltpu.VMEM((B, E), jnp.float32),
        ],
    )
    def k(combo_hbm, out_hbm, comb_v, out_v):
        pltpu.sync_copy(combo_hbm, comb_v)
        mm = comb_v[B]
        lanes = lax.iota(jnp.int32, 16)
        maxk = _allmax(mm, lanes)
        for b in range(B):
            nv = comb_v[b]
            kb = mm.at[jnp.full((E,), b, jnp.int32)].get(
                mode="promise_in_bounds")
            rank = jnp.zeros((E,), jnp.float32)
            for j in range(E):
                bj = nv.at[jnp.full((E,), j, jnp.int32)].get(
                    mode="promise_in_bounds")
                beats = (bj > nv) | ((bj == nv) & (j < lanes))
                rank = rank + jnp.where(beats, 1.0, 0.0)
            member = rank < kb
            sparse = jnp.where(member, nv, 0.0)
            zero0 = jnp.logical_and(lanes == 0, kb < maxk)
            sparse = jnp.where(zero0, 0.0, sparse)
            m = _allmax(sparse, lanes)
            ex = jnp.exp(sparse - m)
            ssum = _allsum(ex, lanes)
            out_v[b] = ex / ssum
        pltpu.sync_copy(out_v, out_hbm)

    return k(combo)


def kernel(mh_output, mis_mask, W_route, b_route, W_noise, b_noise):
    eps = jax.random.normal(jax.random.key(42), (B, E), dtype=jnp.float32)
    noisy, combo = _tc_reduce_and_logits(
        mh_output, mis_mask.reshape(1, B), W_route, b_route.reshape(1, E),
        W_noise, b_noise.reshape(1, E), eps)
    router = _sc_route(combo)
    return router, noisy

# --- scband reference (transcript-rebuilt; emitter-appended) ---
"""Pipeline reference for scband-noisy-topk-router-15659450761985 (READ-ONLY COPY).

The authoritative reference and input builder live on the scoring server;
editing this copy changes nothing except your own understanding.
"""

import jax, jax.numpy as jnp
import numpy as np

N_EMBED = 1024
NUM_EXPERTS = 16
BATCH = 4

def setup_inputs(seed: int = 0) -> dict:
    key = jax.random.key(seed)
    k1, k2, k3, k4, k5, k6 = jax.random.split(key, 6)
    mh_output = jax.random.normal(k1, (BATCH, 16, 512, N_EMBED), dtype=jnp.float32)
    mis_mask = jax.random.randint(k2, (BATCH,), 0, 16, dtype=jnp.int32)
    s = 1.0 / np.sqrt(N_EMBED)
    W_route = jax.random.uniform(k3, (NUM_EXPERTS, N_EMBED), dtype=jnp.float32, minval=-s, maxval=s)
    b_route = jax.random.uniform(k4, (NUM_EXPERTS,), dtype=jnp.float32, minval=-s, maxval=s)
    W_noise = jax.random.uniform(k5, (NUM_EXPERTS, N_EMBED), dtype=jnp.float32, minval=-s, maxval=s)
    b_noise = jax.random.uniform(k6, (NUM_EXPERTS,), dtype=jnp.float32, minval=-s, maxval=s)
    return {"mh_output": mh_output, "mis_mask": mis_mask, "W_route": W_route, "b_route": b_route, "W_noise": W_noise, "b_noise": b_noise}

def reference(mh_output, mis_mask, W_route, b_route, W_noise, b_noise):
    # mean over (heads, seq) dims -> [B, n_embed]
    x = mh_output.mean(axis=(1, 2))
    logits = jax.nn.softmax(x @ W_route.T + b_route, axis=-1)
    noise_logits = x @ W_noise.T + b_noise
    # torch.randn_like -> fixed deterministic gaussian sample
    eps = jax.random.normal(jax.random.key(42), logits.shape, dtype=logits.dtype)
    noise = eps * jax.nn.softplus(noise_logits)
    noise = jax.nn.softmax(noise, axis=-1)
    noisy_logits = logits + noise
    B, E = noisy_logits.shape
    # per-sample variable-k topk, emulating pad_sequence(padding 0.0 / index 0)
    vals, idxs = jax.lax.top_k(noisy_logits, E)
    j = jnp.arange(E)[None, :]
    k = mis_mask[:, None].astype(jnp.int32)
    max_k = jnp.max(mis_mask).astype(jnp.int32)
    real = j < k                      # true topk entries
    inscatter = j < max_k             # positions that exist after pad_sequence
    sc_vals = jnp.where(real, vals, 0.0)
    sc_idx = jnp.where(real, idxs, 0)         # padding index = 0 (scattered, as in torch code)
    sc_idx = jnp.where(inscatter, sc_idx, E)  # beyond max_k: out-of-range -> dropped
    rows = jnp.arange(B)[:, None]
    sparse_logits = jnp.zeros_like(noisy_logits).at[rows, sc_idx].set(sc_vals, mode='drop')
    router_output = jax.nn.softmax(sparse_logits, axis=-1)
    return router_output, noisy_logits

if __name__ == "__main__":
    import jax
    _d = setup_inputs()
    print(jax.jit(kernel)(*tuple(_d.values())))

</pallas_src>

<mosaic_0001>
#map = affine_map<(d0, d1) -> (0, 0)>
module attributes {stable_mosaic.version = 14 : i64} {
  func.func @k(%arg0: i32, %arg1: i32, %arg2: memref<8x16xf32, #tpu.memory_space<hbm>>, %arg3: memref<4x16xf32, #tpu.memory_space<hbm>>, %arg4: memref<8x16xf32, #tpu.memory_space<vmem>>, %arg5: memref<4x16xf32, #tpu.memory_space<vmem>>) attributes {dimension_semantics = [#tpu.dimension_semantics<core_parallel>, #tpu.dimension_semantics<subcore_parallel>], iteration_bounds = array<i64: 1, 1>, scalar_prefetch = 0 : i64, scratch_operands = 2 : i64, tpu.core_type = #tpu.core_type<sc_vector_subcore>, window_params = [{transform_indices = #map}, {transform_indices = #map}]} {
    "tpu.region"() ({
      %run_scoped3A = tpu.sem_alloc : memref<!tpu.dma_semaphore, #tpu.memory_space<semaphore_mem>>
      tpu.enqueue_dma source(%arg2 : memref<8x16xf32, #tpu.memory_space<hbm>>) target(%arg4 : memref<8x16xf32, #tpu.memory_space<vmem>>) target_semaphore(%run_scoped3A : memref<!tpu.dma_semaphore, #tpu.memory_space<semaphore_mem>>)
      tpu.wait_dma2 semaphore(%run_scoped3A : memref<!tpu.dma_semaphore, #tpu.memory_space<semaphore_mem>>) src(%arg2 : memref<8x16xf32, #tpu.memory_space<hbm>>) dst(%arg4 : memref<8x16xf32, #tpu.memory_space<vmem>>)
      tpu.yield
    }) : () -> ()
    %get3A = arith.constant 4 : i32
    %get3A_0 = arith.index_cast %get3A : i32 to index
    %get3A_1 = arith.constant 0 : index
    %get3A_2 = tpu.vector_load %arg4[%get3A_0, %get3A_1] {strides = array<i32>} : memref<8x16xf32, #tpu.memory_space<vmem>>, vector<1x16xf32>,
    %get3A_3 = vector.shape_cast %get3A_2 : vector<1x16xf32> to vector<16xf32>
    %iota3A = tpu.iota {dimensions = array<i32: 0>} : vector<16xi32>
    %xor3A = arith.constant 8 : i32
    %xor3A_4 = vector.broadcast %xor3A : i32 to vector<16xi32>
    %xor3A_5 = arith.xori %iota3A, %xor3A_4 : vector<16xi32>
    %lt3A = arith.constant 0 : i32
    %lt3A_6 = vector.broadcast %lt3A : i32 to vector<16xi32>
    %lt3A_7 = arith.cmpi slt, %xor3A_5, %lt3A_6 : vector<16xi32>
    %add3A = arith.constant 16 : i32
    %add3A_8 = vector.broadcast %add3A : i32 to vector<16xi32>
    %add3A_9 = arith.addi %xor3A_5, %add3A_8 : vector<16xi32>
    %select_n3A = arith.select %lt3A_7, %add3A_9, %xor3A_5 : vector<16xi1>, vector<16xi32>
    %broadcast_in_dim3A = vector.shape_cast %select_n3A : vector<16xi32> to vector<16x1xi32>
    %gather3A = vector.shape_cast %broadcast_in_dim3A : vector<16x1xi32> to vector<16xi32>
    %gather3A_10 = tpu.dynamic_gather %get3A_3[%gather3A] in [0] : vector<16xf32>, vector<16xi32> -> vector<16xf32>
    %max3A = arith.maximumf %get3A_3, %gather3A_10 : vector<16xf32>
    %xor3A_11 = arith.constant 4 : i32
    %xor3A_12 = vector.broadcast %xor3A_11 : i32 to vector<16xi32>
    %xor3A_13 = arith.xori %iota3A, %xor3A_12 : vector<16xi32>
    %lt3A_14 = arith.constant 0 : i32
    %lt3A_15 = vector.broadcast %lt3A_14 : i32 to vector<16xi32>
    %lt3A_16 = arith.cmpi slt, %xor3A_13, %lt3A_15 : vector<16xi32>
    %add3A_17 = arith.constant 16 : i32
    %add3A_18 = vector.broadcast %add3A_17 : i32 to vector<16xi32>
    %add3A_19 = arith.addi %xor3A_13, %add3A_18 : vector<16xi32>
    %select_n3A_20 = arith.select %lt3A_16, %add3A_19, %xor3A_13 : vector<16xi1>, vector<16xi32>
    %broadcast_in_dim3A_21 = vector.shape_cast %select_n3A_20 : vector<16xi32> to vector<16x1xi32>
    %gather3A_22 = vector.shape_cast %broadcast_in_dim3A_21 : vector<16x1xi32> to vector<16xi32>
    %gather3A_23 = tpu.dynamic_gather %max3A[%gather3A_22] in [0] : vector<16xf32>, vector<16xi32> -> vector<16xf32>
    %max3A_24 = arith.maximumf %max3A, %gather3A_23 : vector<16xf32>
    %xor3A_25 = arith.constant 2 : i32
    %xor3A_26 = vector.broadcast %xor3A_25 : i32 to vector<16xi32>
    %xor3A_27 = arith.xori %iota3A, %xor3A_26 : vector<16xi32>
    %lt3A_28 = arith.constant 0 : i32
    %lt3A_29 = vector.broadcast %lt3A_28 : i32 to vector<16xi32>
    %lt3A_30 = arith.cmpi slt, %xor3A_27, %lt3A_29 : vector<16xi32>
    %add3A_31 = arith.constant 16 : i32
    %add3A_32 = vector.broadcast %add3A_31 : i32 to vector<16xi32>
    %add3A_33 = arith.addi %xor3A_27, %add3A_32 : vector<16xi32>
    %select_n3A_34 = arith.select %lt3A_30, %add3A_33, %xor3A_27 : vector<16xi1>, vector<16xi32>
    %broadcast_in_dim3A_35 = vector.shape_cast %select_n3A_34 : vector<16xi32> to vector<16x1xi32>
    %gather3A_36 = vector.shape_cast %broadcast_in_dim3A_35 : vector<16x1xi32> to vector<16xi32>
    %gather3A_37 = tpu.dynamic_gather %max3A_24[%gather3A_36] in [0] : vector<16xf32>, vector<16xi32> -> vector<16xf32>
    %max3A_38 = arith.maximumf %max3A_24, %gather3A_37 : vector<16xf32>
    %xor3A_39 = arith.constant 1 : i32
    %xor3A_40 = vector.broadcast %xor3A_39 : i32 to vector<16xi32>
    %xor3A_41 = arith.xori %iota3A, %xor3A_40 : vector<16xi32>
    %lt3A_42 = arith.constant 0 : i32
    %lt3A_43 = vector.broadcast %lt3A_42 : i32 to vector<16xi32>
    %lt3A_44 = arith.cmpi slt, %xor3A_41, %lt3A_43 : vector<16xi32>
    %add3A_45 = arith.constant 16 : i32
    %add3A_46 = vector.broadcast %add3A_45 : i32 to vector<16xi32>
    %add3A_47 = arith.addi %xor3A_41, %add3A_46 : vector<16xi32>
    %select_n3A_48 = arith.select %lt3A_44, %add3A_47, %xor3A_41 : vector<16xi1>, vector<16xi32>
    %broadcast_in_dim3A_49 = vector.shape_cast %select_n3A_48 : vector<16xi32> to vector<16x1xi32>
    %gather3A_50 = vector.shape_cast %broadcast_in_dim3A_49 : vector<16x1xi32> to vector<16xi32>
    %gather3A_51 = tpu.dynamic_gather %max3A_38[%gather3A_50] in [0] : vector<16xf32>, vector<16xi32> -> vector<16xf32>
    %max3A_52 = arith.maximumf %max3A_38, %gather3A_51 : vector<16xf32>
    %get3A_53 = arith.constant 0 : i32
    %get3A_54 = arith.index_cast %get3A_53 : i32 to index
    %get3A_55 = arith.constant 0 : index
    %get3A_56 = tpu.vector_load %arg4[%get3A_54, %get3A_55] {strides = array<i32>} : memref<8x16xf32, #tpu.memory_space<vmem>>, vector<1x16xf32>,
    %get3A_57 = vector.shape_cast %get3A_56 : vector<1x16xf32> to vector<16xf32>
    %broadcast_in_dim3A_58 = arith.constant 0 : i32
    %broadcast_in_dim3A_59 = vector.broadcast %broadcast_in_dim3A_58 : i32 to vector<16xi32>
    %lt3A_60 = arith.constant 0 : i32
    %lt3A_61 = vector.broadcast %lt3A_60 : i32 to vector<16xi32>
    %lt3A_62 = arith.cmpi slt, %broadcast_in_dim3A_59, %lt3A_61 : vector<16xi32>
    %add3A_63 = arith.constant 16 : i32
    %add3A_64 = vector.broadcast %add3A_63 : i32 to vector<16xi32>
    %add3A_65 = arith.addi %broadcast_in_dim3A_59, %add3A_64 : vector<16xi32>
    %select_n3A_66 = arith.select %lt3A_62, %add3A_65, %broadcast_in_dim3A_59 : vector<16xi1>, vector<16xi32>
    %broadcast_in_dim3A_67 = vector.shape_cast %select_n3A_66 : vector<16xi32> to vector<16x1xi32>
    %gather3A_68 = vector.shape_cast %broadcast_in_dim3A_67 : vector<16x1xi32> to vector<16xi32>
    %gather3A_69 = tpu.dynamic_gather %get3A_3[%gather3A_68] in [0] : vector<16xf32>, vector<16xi32> -> vector<16xf32>
    %broadcast_in_dim3A_70 = arith.constant 0.000000e+00 : f32
    %broadcast_in_dim3A_71 = vector.broadcast %broadcast_in_dim3A_70 : f32 to vector<16xf32>
    %broadcast_in_dim3A_72 = arith.constant 0 : i32
    %broadcast_in_dim3A_73 = vector.broadcast %broadcast_in_dim3A_72 : i32 to vector<16xi32>
    %lt3A_74 = arith.constant 0 : i32
    %lt3A_75 = vector.broadcast %lt3A_74 : i32 to vector<16xi32>
    %lt3A_76 = arith.cmpi slt, %broadcast_in_dim3A_73, %lt3A_75 : vector<16xi32>
    %add3A_77 = arith.constant 16 : i32
    %add3A_78 = vector.broadcast %add3A_77 : i32 to vector<16xi32>
    %add3A_79 = arith.addi %broadcast_in_dim3A_73, %add3A_78 : vector<16xi32>
    %select_n3A_80 = arith.select %lt3A_76, %add3A_79, %broadcast_in_dim3A_73 : vector<16xi1>, vector<16xi32>
    %broadcast_in_dim3A_81 = vector.shape_cast %select_n3A_80 : vector<16xi32> to vector<16x1xi32>
    %gather3A_82 = vector.shape_cast %broadcast_in_dim3A_81 : vector<16x1xi32> to vector<16xi32>
    %gather3A_83 = tpu.dynamic_gather %get3A_57[%gather3A_82] in [0] : vector<16xf32>, vector<16xi32> -> vector<16xf32>
    %gt3A = arith.cmpf ogt, %gather3A_83, %get3A_57 : vector<16xf32>
    %eq3A = arith.cmpf oeq, %gather3A_83, %get3A_57 : vector<16xf32>
    %gt3A_84 = arith.constant 0 : i32
    %gt3A_85 = vector.broadcast %gt3A_84 : i32 to vector<16xi32>
    %gt3A_86 = arith.cmpi sgt, %iota3A, %gt3A_85 : vector<16xi32>
    %and3A = arith.andi %eq3A, %gt3A_86 : vector<16xi1>
    %or3A = arith.ori %gt3A, %and3A : vector<16xi1>
    %jit3A = arith.constant 1.000000e+00 : f32
    %jit3A_87 = arith.constant 0.000000e+00 : f32
    %broadcast_in_dim3A_88 = vector.broadcast %jit3A : f32 to vector<16xf32>
    %broadcast_in_dim3A_89 = vector.broadcast %jit3A_87 : f32 to vector<16xf32>
    %select_n3A_90 = arith.select %or3A, %broadcast_in_dim3A_88, %broadcast_in_dim3A_89 : vector<16xi1>, vector<16xf32>
    %add3A_91 = arith.addf %broadcast_in_dim3A_71, %select_n3A_90 : vector<16xf32>
    %broadcast_in_dim3A_92 = arith.constant 1 : i32
    %broadcast_in_dim3A_93 = vector.broadcast %broadcast_in_dim3A_92 : i32 to vector<16xi32>
    %lt3A_94 = arith.constant 0 : i32
    %lt3A_95 = vector.broadcast %lt3A_94 : i32 to vector<16xi32>
    %lt3A_96 = arith.cmpi slt, %broadcast_in_dim3A_93, %lt3A_95 : vector<16xi32>
    %add3A_97 = arith.constant 16 : i32
    %add3A_98 = vector.broadcast %add3A_97 : i32 to vector<16xi32>
    %add3A_99 = arith.addi %broadcast_in_dim3A_93, %add3A_98 : vector<16xi32>
    %select_n3A_100 = arith.select %lt3A_96, %add3A_99, %broadcast_in_dim3A_93 : vector<16xi1>, vector<16xi32>
    %broadcast_in_dim3A_101 = vector.shape_cast %select_n3A_100 : vector<16xi32> to vector<16x1xi32>
    %gather3A_102 = vector.shape_cast %broadcast_in_dim3A_101 : vector<16x1xi32> to vector<16xi32>
    %gather3A_103 = tpu.dynamic_gather %get3A_57[%gather3A_102] in [0] : vector<16xf32>, vector<16xi32> -> vector<16xf32>
    %gt3A_104 = arith.cmpf ogt, %gather3A_103, %get3A_57 : vector<16xf32>
    %eq3A_105 = arith.cmpf oeq, %gather3A_103, %get3A_57 : vector<16xf32>
    %gt3A_106 = arith.constant 1 : i32
    %gt3A_107 = vector.broadcast %gt3A_106 : i32 to vector<16xi32>
    %gt3A_108 = arith.cmpi sgt, %iota3A, %gt3A_107 : vector<16xi32>
    %and3A_109 = arith.andi %eq3A_105, %gt3A_108 : vector<16xi1>
    %or3A_110 = arith.ori %gt3A_104, %and3A_109 : vector<16xi1>
    %jit3A_111 = arith.constant 1.000000e+00 : f32
    %jit3A_112 = arith.constant 0.000000e+00 : f32
    %broadcast_in_dim3A_113 = vector.broadcast %jit3A_111 : f32 to vector<16xf32>
    %broadcast_in_dim3A_114 = vector.broadcast %jit3A_112 : f32 to vector<16xf32>
    %select_n3A_115 = arith.select %or3A_110, %broadcast_in_dim3A_113, %broadcast_in_dim3A_114 : vector<16xi1>, vector<16xf32>
    %add3A_116 = arith.addf %add3A_91, %select_n3A_115 : vector<16xf32>
    %broadcast_in_dim3A_117 = arith.constant 2 : i32
    %broadcast_in_dim3A_118 = vector.broadcast %broadcast_in_dim3A_117 : i32 to vector<16xi32>
    %lt3A_119 = arith.constant 0 : i32
    %lt3A_120 = vector.broadcast %lt3A_119 : i32 to vector<16xi32>
    %lt3A_121 = arith.cmpi slt, %broadcast_in_dim3A_118, %lt3A_120 : vector<16xi32>
    %add3A_122 = arith.constant 16 : i32
    %add3A_123 = vector.broadcast %add3A_122 : i32 to vector<16xi32>
    %add3A_124 = arith.addi %broadcast_in_dim3A_118, %add3A_123 : vector<16xi32>
    %select_n3A_125 = arith.select %lt3A_121, %add3A_124, %broadcast_in_dim3A_118 : vector<16xi1>, vector<16xi32>
    %broadcast_in_dim3A_126 = vector.shape_cast %select_n3A_125 : vector<16xi32> to vector<16x1xi32>
    %gather3A_127 = vector.shape_cast %broadcast_in_dim3A_126 : vector<16x1xi32> to vector<16xi32>
    %gather3A_128 = tpu.dynamic_gather %get3A_57[%gather3A_127] in [0] : vector<16xf32>, vector<16xi32> -> vector<16xf32>
    %gt3A_129 = arith.cmpf ogt, %gather3A_128, %get3A_57 : vector<16xf32>
    %eq3A_130 = arith.cmpf oeq, %gather3A_128, %get3A_57 : vector<16xf32>
    %gt3A_131 = arith.constant 2 : i32
    %gt3A_132 = vector.broadcast %gt3A_131 : i32 to vector<16xi32>
    %gt3A_133 = arith.cmpi sgt, %iota3A, %gt3A_132 : vector<16xi32>
    %and3A_134 = arith.andi %eq3A_130, %gt3A_133 : vector<16xi1>
    %or3A_135 = arith.ori %gt3A_129, %and3A_134 : vector<16xi1>
    %jit3A_136 = arith.constant 1.000000e+00 : f32
    %jit3A_137 = arith.constant 0.000000e+00 : f32
    %broadcast_in_dim3A_138 = vector.broadcast %jit3A_136 : f32 to vector<16xf32>
    %broadcast_in_dim3A_139 = vector.broadcast %jit3A_137 : f32 to vector<16xf32>
    %select_n3A_140 = arith.select %or3A_135, %broadcast_in_dim3A_138, %broadcast_in_dim3A_139 : vector<16xi1>, vector<16xf32>
    %add3A_141 = arith.addf %add3A_116, %select_n3A_140 : vector<16xf32>
    %broadcast_in_dim3A_142 = arith.constant 3 : i32
    %broadcast_in_dim3A_143 = vector.broadcast %broadcast_in_dim3A_142 : i32 to vector<16xi32>
    %lt3A_144 = arith.constant 0 : i32
    %lt3A_145 = vector.broadcast %lt3A_144 : i32 to vector<16xi32>
    %lt3A_146 = arith.cmpi slt, %broadcast_in_dim3A_143, %lt3A_145 : vector<16xi32>
    %add3A_147 = arith.constant 16 : i32
    %add3A_148 = vector.broadcast %add3A_147 : i32 to vector<16xi32>
    %add3A_149 = arith.addi %broadcast_in_dim3A_143, %add3A_148 : vector<16xi32>
    %select_n3A_150 = arith.select %lt3A_146, %add3A_149, %broadcast_in_dim3A_143 : vector<16xi1>, vector<16xi32>
    %broadcast_in_dim3A_151 = vector.shape_cast %select_n3A_150 : vector<16xi32> to vector<16x1xi32>
    %gather3A_152 = vector.shape_cast %broadcast_in_dim3A_151 : vector<16x1xi32> to vector<16xi32>
    %gather3A_153 = tpu.dynamic_gather %get3A_57[%gather3A_152] in [0] : vector<16xf32>, vector<16xi32> -> vector<16xf32>
    %gt3A_154 = arith.cmpf ogt, %gather3A_153, %get3A_57 : vector<16xf32>
    %eq3A_155 = arith.cmpf oeq, %gather3A_153, %get3A_57 : vector<16xf32>
    %gt3A_156 = arith.constant 3 : i32
    %gt3A_157 = vector.broadcast %gt3A_156 : i32 to vector<16xi32>
    %gt3A_158 = arith.cmpi sgt, %iota3A, %gt3A_157 : vector<16xi32>
    %and3A_159 = arith.andi %eq3A_155, %gt3A_158 : vector<16xi1>
    %or3A_160 = arith.ori %gt3A_154, %and3A_159 : vector<16xi1>
    %jit3A_161 = arith.constant 1.000000e+00 : f32
    %jit3A_162 = arith.constant 0.000000e+00 : f32
    %broadcast_in_dim3A_163 = vector.broadcast %jit3A_161 : f32 to vector<16xf32>
    %broadcast_in_dim3A_164 = vector.broadcast %jit3A_162 : f32 to vector<16xf32>
    %select_n3A_165 = arith.select %or3A_160, %broadcast_in_dim3A_163, %broadcast_in_dim3A_164 : vector<16xi1>, vector<16xf32>
    %add3A_166 = arith.addf %add3A_141, %select_n3A_165 : vector<16xf32>
    %broadcast_in_dim3A_167 = arith.constant 4 : i32
    %broadcast_in_dim3A_168 = vector.broadcast %broadcast_in_dim3A_167 : i32 to vector<16xi32>
    %lt3A_169 = arith.constant 0 : i32
    %lt3A_170 = vector.broadcast %lt3A_169 : i32 to vector<16xi32>
    %lt3A_171 = arith.cmpi slt, %broadcast_in_dim3A_168, %lt3A_170 : vector<16xi32>
    %add3A_172 = arith.constant 16 : i32
    %add3A_173 = vector.broadcast %add3A_172 : i32 to vector<16xi32>
    %add3A_174 = arith.addi %broadcast_in_dim3A_168, %add3A_173 : vector<16xi32>
    %select_n3A_175 = arith.select %lt3A_171, %add3A_174, %broadcast_in_dim3A_168 : vector<16xi1>, vector<16xi32>
    %broadcast_in_dim3A_176 = vector.shape_cast %select_n3A_175 : vector<16xi32> to vector<16x1xi32>
    %gather3A_177 = vector.shape_cast %broadcast_in_dim3A_176 : vector<16x1xi32> to vector<16xi32>
    %gather3A_178 = tpu.dynamic_gather %get3A_57[%gather3A_177] in [0] : vector<16xf32>, vector<16xi32> -> vector<16xf32>
    %gt3A_179 = arith.cmpf ogt, %gather3A_178, %get3A_57 : vector<16xf32>
    %eq3A_180 = arith.cmpf oeq, %gather3A_178, %get3A_57 : vector<16xf32>
    %gt3A_181 = arith.constant 4 : i32
    %gt3A_182 = vector.broadcast %gt3A_181 : i32 to vector<16xi32>
    %gt3A_183 = arith.cmpi sgt, %iota3A, %gt3A_182 : vector<16xi32>
    %and3A_184 = arith.andi %eq3A_180, %gt3A_183 : vector<16xi1>
    %or3A_185 = arith.ori %gt3A_179, %and3A_184 : vector<16xi1>
    %jit3A_186 = arith.constant 1.000000e+00 : f32
    %jit3A_187 = arith.constant 0.000000e+00 : f32
    %broadcast_in_dim3A_188 = vector.broadcast %jit3A_186 : f32 to vector<16xf32>
    %broadcast_in_dim3A_189 = vector.broadcast %jit3A_187 : f32 to vector<16xf32>
    %select_n3A_190 = arith.select %or3A_185, %broadcast_in_dim3A_188, %broadcast_in_dim3A_189 : vector<16xi1>, vector<16xf32>
    %add3A_191 = arith.addf %add3A_166, %select_n3A_190 : vector<16xf32>
    %broadcast_in_dim3A_192 = arith.constant 5 : i32
    %broadcast_in_dim3A_193 = vector.broadcast %broadcast_in_dim3A_192 : i32 to vector<16xi32>
    %lt3A_194 = arith.constant 0 : i32
    %lt3A_195 = vector.broadcast %lt3A_194 : i32 to vector<16xi32>
    %lt3A_196 = arith.cmpi slt, %broadcast_in_dim3A_193, %lt3A_195 : vector<16xi32>
    %add3A_197 = arith.constant 16 : i32
    %add3A_198 = vector.broadcast %add3A_197 : i32 to vector<16xi32>
    %add3A_199 = arith.addi %broadcast_in_dim3A_193, %add3A_198 : vector<16xi32>
    %select_n3A_200 = arith.select %lt3A_196, %add3A_199, %broadcast_in_dim3A_193 : vector<16xi1>, vector<16xi32>
    %broadcast_in_dim3A_201 = vector.shape_cast %select_n3A_200 : vector<16xi32> to vector<16x1xi32>
    %gather3A_202 = vector.shape_cast %broadcast_in_dim3A_201 : vector<16x1xi32> to vector<16xi32>
    %gather3A_203 = tpu.dynamic_gather %get3A_57[%gather3A_202] in [0] : vector<16xf32>, vector<16xi32> -> vector<16xf32>
    %gt3A_204 = arith.cmpf ogt, %gather3A_203, %get3A_57 : vector<16xf32>
    %eq3A_205 = arith.cmpf oeq, %gather3A_203, %get3A_57 : vector<16xf32>
    %gt3A_206 = arith.constant 5 : i32
    %gt3A_207 = vector.broadcast %gt3A_206 : i32 to vector<16xi32>
    %gt3A_208 = arith.cmpi sgt, %iota3A, %gt3A_207 : vector<16xi32>
    %and3A_209 = arith.andi %eq3A_205, %gt3A_208 : vector<16xi1>
    %or3A_210 = arith.ori %gt3A_204, %and3A_209 : vector<16xi1>
    %jit3A_211 = arith.constant 1.000000e+00 : f32
    %jit3A_212 = arith.constant 0.000000e+00 : f32
    %broadcast_in_dim3A_213 = vector.broadcast %jit3A_211 : f32 to vector<16xf32>
    %broadcast_in_dim3A_214 = vector.broadcast %jit3A_212 : f32 to vector<16xf32>
    %select_n3A_215 = arith.select %or3A_210, %broadcast_in_dim3A_213, %broadcast_in_dim3A_214 : vector<16xi1>, vector<16xf32>
    %add3A_216 = arith.addf %add3A_191, %select_n3A_215 : vector<16xf32>
    %broadcast_in_dim3A_217 = arith.constant 6 : i32
    %broadcast_in_dim3A_218 = vector.broadcast %broadcast_in_dim3A_217 : i32 to vector<16xi32>
    %lt3A_219 = arith.constant 0 : i32
    %lt3A_220 = vector.broadcast %lt3A_219 : i32 to vector<16xi32>
    %lt3A_221 = arith.cmpi slt, %broadcast_in_dim3A_218, %lt3A_220 : vector<16xi32>
    %add3A_222 = arith.constant 16 : i32
    %add3A_223 = vector.broadcast %add3A_222 : i32 to vector<16xi32>
    %add3A_224 = arith.addi %broadcast_in_dim3A_218, %add3A_223 : vector<16xi32>
    %select_n3A_225 = arith.select %lt3A_221, %add3A_224, %broadcast_in_dim3A_218 : vector<16xi1>, vector<16xi32>
    %broadcast_in_dim3A_226 = vector.shape_cast %select_n3A_225 : vector<16xi32> to vector<16x1xi32>
    %gather3A_227 = vector.shape_cast %broadcast_in_dim3A_226 : vector<16x1xi32> to vector<16xi32>
    %gather3A_228 = tpu.dynamic_gather %get3A_57[%gather3A_227] in [0] : vector<16xf32>, vector<16xi32> -> vector<16xf32>
    %gt3A_229 = arith.cmpf ogt, %gather3A_228, %get3A_57 : vector<16xf32>
    %eq3A_230 = arith.cmpf oeq, %gather3A_228, %get3A_57 : vector<16xf32>
    %gt3A_231 = arith.constant 6 : i32
    %gt3A_232 = vector.broadcast %gt3A_231 : i32 to vector<16xi32>
    %gt3A_233 = arith.cmpi sgt, %iota3A, %gt3A_232 : vector<16xi32>
    %and3A_234 = arith.andi %eq3A_230, %gt3A_233 : vector<16xi1>
    %or3A_235 = arith.ori %gt3A_229, %and3A_234 : vector<16xi1>
    %jit3A_236 = arith.constant 1.000000e+00 : f32
    %jit3A_237 = arith.constant 0.000000e+00 : f32
    %broadcast_in_dim3A_238 = vector.broadcast %jit3A_236 : f32 to vector<16xf32>
    %broadcast_in_dim3A_239 = vector.broadcast %jit3A_237 : f32 to vector<16xf32>
    %select_n3A_240 = arith.select %or3A_235, %broadcast_in_dim3A_238, %broadcast_in_dim3A_239 : vector<16xi1>, vector<16xf32>
    %add3A_241 = arith.addf %add3A_216, %select_n3A_240 : vector<16xf32>
    %broadcast_in_dim3A_242 = arith.constant 7 : i32
    %broadcast_in_dim3A_243 = vector.broadcast %broadcast_in_dim3A_242 : i32 to vector<16xi32>
    %lt3A_244 = arith.constant 0 : i32
    %lt3A_245 = vector.broadcast %lt3A_244 : i32 to vector<16xi32>
    %lt3A_246 = arith.cmpi slt, %broadcast_in_dim3A_243, %lt3A_245 : vector<16xi32>
    %add3A_247 = arith.constant 16 : i32
    %add3A_248 = vector.broadcast %add3A_247 : i32 to vector<16xi32>
    %add3A_249 = arith.addi %broadcast_in_dim3A_243, %add3A_248 : vector<16xi32>
    %select_n3A_250 = arith.select %lt3A_246, %add3A_249, %broadcast_in_dim3A_243 : vector<16xi1>, vector<16xi32>
    %broadcast_in_dim3A_251 = vector.shape_cast %select_n3A_250 : vector<16xi32> to vector<16x1xi32>
    %gather3A_252 = vector.shape_cast %broadcast_in_dim3A_251 : vector<16x1xi32> to vector<16xi32>
    %gather3A_253 = tpu.dynamic_gather %get3A_57[%gather3A_252] in [0] : vector<16xf32>, vector<16xi32> -> vector<16xf32>
    %gt3A_254 = arith.cmpf ogt, %gather3A_253, %get3A_57 : vector<16xf32>
    %eq3A_255 = arith.cmpf oeq, %gather3A_253, %get3A_57 : vector<16xf32>
    %gt3A_256 = arith.constant 7 : i32
    %gt3A_257 = vector.broadcast %gt3A_256 : i32 to vector<16xi32>
    %gt3A_258 = arith.cmpi sgt, %iota3A, %gt3A_257 : vector<16xi32>
    %and3A_259 = arith.andi %eq3A_255, %gt3A_258 : vector<16xi1>
    %or3A_260 = arith.ori %gt3A_254, %and3A_259 : vector<16xi1>
    %jit3A_261 = arith.constant 1.000000e+00 : f32
    %jit3A_262 = arith.constant 0.000000e+00 : f32
    %broadcast_in_dim3A_263 = vector.broadcast %jit3A_261 : f32 to vector<16xf32>
    %broadcast_in_dim3A_264 = vector.broadcast %jit3A_262 : f32 to vector<16xf32>
    %select_n3A_265 = arith.select %or3A_260, %broadcast_in_dim3A_263, %broadcast_in_dim3A_264 : vector<16xi1>, vector<16xf32>
    %add3A_266 = arith.addf %add3A_241, %select_n3A_265 : vector<16xf32>
    %broadcast_in_dim3A_267 = arith.constant 8 : i32
    %broadcast_in_dim3A_268 = vector.broadcast %broadcast_in_dim3A_267 : i32 to vector<16xi32>
    %lt3A_269 = arith.constant 0 : i32
    %lt3A_270 = vector.broadcast %lt3A_269 : i32 to vector<16xi32>
    %lt3A_271 = arith.cmpi slt, %broadcast_in_dim3A_268, %lt3A_270 : vector<16xi32>
    %add3A_272 = arith.constant 16 : i32
    %add3A_273 = vector.broadcast %add3A_272 : i32 to vector<16xi32>
    %add3A_274 = arith.addi %broadcast_in_dim3A_268, %add3A_273 : vector<16xi32>
    %select_n3A_275 = arith.select %lt3A_271, %add3A_274, %broadcast_in_dim3A_268 : vector<16xi1>, vector<16xi32>
    %broadcast_in_dim3A_276 = vector.shape_cast %select_n3A_275 : vector<16xi32> to vector<16x1xi32>
    %gather3A_277 = vector.shape_cast %broadcast_in_dim3A_276 : vector<16x1xi32> to vector<16xi32>
    %gather3A_278 = tpu.dynamic_gather %get3A_57[%gather3A_277] in [0] : vector<16xf32>, vector<16xi32> -> vector<16xf32>
    %gt3A_279 = arith.cmpf ogt, %gather3A_278, %get3A_57 : vector<16xf32>
    %eq3A_280 = arith.cmpf oeq, %gather3A_278, %get3A_57 : vector<16xf32>
    %gt3A_281 = arith.constant 8 : i32
    %gt3A_282 = vector.broadcast %gt3A_281 : i32 to vector<16xi32>
    %gt3A_283 = arith.cmpi sgt, %iota3A, %gt3A_282 : vector<16xi32>
    %and3A_284 = arith.andi %eq3A_280, %gt3A_283 : vector<16xi1>
    %or3A_285 = arith.ori %gt3A_279, %and3A_284 : vector<16xi1>
    %jit3A_286 = arith.constant 1.000000e+00 : f32
    %jit3A_287 = arith.constant 0.000000e+00 : f32
    %broadcast_in_dim3A_288 = vector.broadcast %jit3A_286 : f32 to vector<16xf32>
    %broadcast_in_dim3A_289 = vector.broadcast %jit3A_287 : f32 to vector<16xf32>
    %select_n3A_290 = arith.select %or3A_285, %broadcast_in_dim3A_288, %broadcast_in_dim3A_289 : vector<16xi1>, vector<16xf32>
    %add3A_291 = arith.addf %add3A_266, %select_n3A_290 : vector<16xf32>
    %broadcast_in_dim3A_292 = arith.constant 9 : i32
    %broadcast_in_dim3A_293 = vector.broadcast %broadcast_in_dim3A_292 : i32 to vector<16xi32>
    %lt3A_294 = arith.constant 0 : i32
    %lt3A_295 = vector.broadcast %lt3A_294 : i32 to vector<16xi32>
    %lt3A_296 = arith.cmpi slt, %broadcast_in_dim3A_293, %lt3A_295 : vector<16xi32>
    %add3A_297 = arith.constant 16 : i32
    %add3A_298 = vector.broadcast %add3A_297 : i32 to vector<16xi32>
    %add3A_299 = arith.addi %broadcast_in_dim3A_293, %add3A_298 : vector<16xi32>
    %select_n3A_300 = arith.select %lt3A_296, %add3A_299, %broadcast_in_dim3A_293 : vector<16xi1>, vector<16xi32>
    %broadcast_in_dim3A_301 = vector.shape_cast %select_n3A_300 : vector<16xi32> to vector<16x1xi32>
    %gather3A_302 = vector.shape_cast %broadcast_in_dim3A_301 : vector<16x1xi32> to vector<16xi32>
    %gather3A_303 = tpu.dynamic_gather %get3A_57[%gather3A_302] in [0] : vector<16xf32>, vector<16xi32> -> vector<16xf32>
    %gt3A_304 = arith.cmpf ogt, %gather3A_303, %get3A_57 : vector<16xf32>
    %eq3A_305 = arith.cmpf oeq, %gather3A_303, %get3A_57 : vector<16xf32>
    %gt3A_306 = arith.constant 9 : i32
    %gt3A_307 = vector.broadcast %gt3A_306 : i32 to vector<16xi32>
    %gt3A_308 = arith.cmpi sgt, %iota3A, %gt3A_307 : vector<16xi32>
    %and3A_309 = arith.andi %eq3A_305, %gt3A_308 : vector<16xi1>
    %or3A_310 = arith.ori %gt3A_304, %and3A_309 : vector<16xi1>
    %jit3A_311 = arith.constant 1.000000e+00 : f32
    %jit3A_312 = arith.constant 0.000000e+00 : f32
    %broadcast_in_dim3A_313 = vector.broadcast %jit3A_311 : f32 to vector<16xf32>
    %broadcast_in_dim3A_314 = vector.broadcast %jit3A_312 : f32 to vector<16xf32>
    %select_n3A_315 = arith.select %or3A_310, %broadcast_in_dim3A_313, %broadcast_in_dim3A_314 : vector<16xi1>, vector<16xf32>
    %add3A_316 = arith.addf %add3A_291, %select_n3A_315 : vector<16xf32>
    %broadcast_in_dim3A_317 = arith.constant 10 : i32
    %broadcast_in_dim3A_318 = vector.broadcast %broadcast_in_dim3A_317 : i32 to vector<16xi32>
    %lt3A_319 = arith.constant 0 : i32
    %lt3A_320 = vector.broadcast %lt3A_319 : i32 to vector<16xi32>
    %lt3A_321 = arith.cmpi slt, %broadcast_in_dim3A_318, %lt3A_320 : vector<16xi32>
    %add3A_322 = arith.constant 16 : i32
    %add3A_323 = vector.broadcast %add3A_322 : i32 to vector<16xi32>
    %add3A_324 = arith.addi %broadcast_in_dim3A_318, %add3A_323 : vector<16xi32>
    %select_n3A_325 = arith.select %lt3A_321, %add3A_324, %broadcast_in_dim3A_318 : vector<16xi1>, vector<16xi32>
    %broadcast_in_dim3A_326 = vector.shape_cast %select_n3A_325 : vector<16xi32> to vector<16x1xi32>
    %gather3A_327 = vector.shape_cast %broadcast_in_dim3A_326 : vector<16x1xi32> to vector<16xi32>
    %gather3A_328 = tpu.dynamic_gather %get3A_57[%gather3A_327] in [0] : vector<16xf32>, vector<16xi32> -> vector<16xf32>
    %gt3A_329 = arith.cmpf ogt, %gather3A_328, %get3A_57 : vector<16xf32>
    %eq3A_330 = arith.cmpf oeq, %gather3A_328, %get3A_57 : vector<16xf32>
    %gt3A_331 = arith.constant 10 : i32
    %gt3A_332 = vector.broadcast %gt3A_331 : i32 to vector<16xi32>
    %gt3A_333 = arith.cmpi sgt, %iota3A, %gt3A_332 : vector<16xi32>
    %and3A_334 = arith.andi %eq3A_330, %gt3A_333 : vector<16xi1>
    %or3A_335 = arith.ori %gt3A_329, %and3A_334 : vector<16xi1>
    %jit3A_336 = arith.constant 1.000000e+00 : f32
    %jit3A_337 = arith.constant 0.000000e+00 : f32
    %broadcast_in_dim3A_338 = vector.broadcast %jit3A_336 : f32 to vector<16xf32>
    %broadcast_in_dim3A_339 = vector.broadcast %jit3A_337 : f32 to vector<16xf32>
    %select_n3A_340 = arith.select %or3A_335, %broadcast_in_dim3A_338, %broadcast_in_dim3A_339 : vector<16xi1>, vector<16xf32>
    %add3A_341 = arith.addf %add3A_316, %select_n3A_340 : vector<16xf32>
    %broadcast_in_dim3A_342 = arith.constant 11 : i32
    %broadcast_in_dim3A_343 = vector.broadcast %broadcast_in_dim3A_342 : i32 to vector<16xi32>
    %lt3A_344 = arith.constant 0 : i32
    %lt3A_345 = vector.broadcast %lt3A_344 : i32 to vector<16xi32>
    %lt3A_346 = arith.cmpi slt, %broadcast_in_dim3A_343, %lt3A_345 : vector<16xi32>
    %add3A_347 = arith.constant 16 : i32
    %add3A_348 = vector.broadcast %add3A_347 : i32 to vector<16xi32>
    %add3A_349 = arith.addi %broadcast_in_dim3A_343, %add3A_348 : vector<16xi32>
    %select_n3A_350 = arith.select %lt3A_346, %add3A_349, %broadcast_in_dim3A_343 : vector<16xi1>, vector<16xi32>
    %broadcast_in_dim3A_351 = vector.shape_cast %select_n3A_350 : vector<16xi32> to vector<16x1xi32>
    %gather3A_352 = vector.shape_cast %broadcast_in_dim3A_351 : vector<16x1xi32> to vector<16xi32>
    %gather3A_353 = tpu.dynamic_gather %get3A_57[%gather3A_352] in [0] : vector<16xf32>, vector<16xi32> -> vector<16xf32>
    %gt3A_354 = arith.cmpf ogt, %gather3A_353, %get3A_57 : vector<16xf32>
    %eq3A_355 = arith.cmpf oeq, %gather3A_353, %get3A_57 : vector<16xf32>
    %gt3A_356 = arith.constant 11 : i32
    %gt3A_357 = vector.broadcast %gt3A_356 : i32 to vector<16xi32>
    %gt3A_358 = arith.cmpi sgt, %iota3A, %gt3A_357 : vector<16xi32>
    %and3A_359 = arith.andi %eq3A_355, %gt3A_358 : vector<16xi1>
    %or3A_360 = arith.ori %gt3A_354, %and3A_359 : vector<16xi1>
    %jit3A_361 = arith.constant 1.000000e+00 : f32
    %jit3A_362 = arith.constant 0.000000e+00 : f32
    %broadcast_in_dim3A_363 = vector.broadcast %jit3A_361 : f32 to vector<16xf32>
    %broadcast_in_dim3A_364 = vector.broadcast %jit3A_362 : f32 to vector<16xf32>
    %select_n3A_365 = arith.select %or3A_360, %broadcast_in_dim3A_363, %broadcast_in_dim3A_364 : vector<16xi1>, vector<16xf32>
    %add3A_366 = arith.addf %add3A_341, %select_n3A_365 : vector<16xf32>
    %broadcast_in_dim3A_367 = arith.constant 12 : i32
    %broadcast_in_dim3A_368 = vector.broadcast %broadcast_in_dim3A_367 : i32 to vector<16xi32>
    %lt3A_369 = arith.constant 0 : i32
    %lt3A_370 = vector.broadcast %lt3A_369 : i32 to vector<16xi32>
    %lt3A_371 = arith.cmpi slt, %broadcast_in_dim3A_368, %lt3A_370 : vector<16xi32>
    %add3A_372 = arith.constant 16 : i32
    %add3A_373 = vector.broadcast %add3A_372 : i32 to vector<16xi32>
    %add3A_374 = arith.addi %broadcast_in_dim3A_368, %add3A_373 : vector<16xi32>
    %select_n3A_375 = arith.select %lt3A_371, %add3A_374, %broadcast_in_dim3A_368 : vector<16xi1>, vector<16xi32>
    %broadcast_in_dim3A_376 = vector.shape_cast %select_n3A_375 : vector<16xi32> to vector<16x1xi32>
    %gather3A_377 = vector.shape_cast %broadcast_in_dim3A_376 : vector<16x1xi32> to vector<16xi32>
    %gather3A_378 = tpu.dynamic_gather %get3A_57[%gather3A_377] in [0] : vector<16xf32>, vector<16xi32> -> vector<16xf32>
    %gt3A_379 = arith.cmpf ogt, %gather3A_378, %get3A_57 : vector<16xf32>
    %eq3A_380 = arith.cmpf oeq, %gather3A_378, %get3A_57 : vector<16xf32>
    %gt3A_381 = arith.constant 12 : i32
    %gt3A_382 = vector.broadcast %gt3A_381 : i32 to vector<16xi32>
    %gt3A_383 = arith.cmpi sgt, %iota3A, %gt3A_382 : vector<16xi32>
    %and3A_384 = arith.andi %eq3A_380, %gt3A_383 : vector<16xi1>
    %or3A_385 = arith.ori %gt3A_379, %and3A_384 : vector<16xi1>
    %jit3A_386 = arith.constant 1.000000e+00 : f32
    %jit3A_387 = arith.constant 0.000000e+00 : f32
    %broadcast_in_dim3A_388 = vector.broadcast %jit3A_386 : f32 to vector<16xf32>
    %broadcast_in_dim3A_389 = vector.broadcast %jit3A_387 : f32 to vector<16xf32>
    %select_n3A_390 = arith.select %or3A_385, %broadcast_in_dim3A_388, %broadcast_in_dim3A_389 : vector<16xi1>, vector<16xf32>
    %add3A_391 = arith.addf %add3A_366, %select_n3A_390 : vector<16xf32>
    %broadcast_in_dim3A_392 = arith.constant 13 : i32
    %broadcast_in_dim3A_393 = vector.broadcast %broadcast_in_dim3A_392 : i32 to vector<16xi32>
    %lt3A_394 = arith.constant 0 : i32
    %lt3A_395 = vector.broadcast %lt3A_394 : i32 to vector<16xi32>
    %lt3A_396 = arith.cmpi slt, %broadcast_in_dim3A_393, %lt3A_395 : vector<16xi32>
    %add3A_397 = arith.constant 16 : i32
    %add3A_398 = vector.broadcast %add3A_397 : i32 to vector<16xi32>
    %add3A_399 = arith.addi %broadcast_in_dim3A_393, %add3A_398 : vector<16xi32>
    %select_n3A_400 = arith.select %lt3A_396, %add3A_399, %broadcast_in_dim3A_393 : vector<16xi1>, vector<16xi32>
    %broadcast_in_dim3A_401 = vector.shape_cast %select_n3A_400 : vector<16xi32> to vector<16x1xi32>
    %gather3A_402 = vector.shape_cast %broadcast_in_dim3A_401 : vector<16x1xi32> to vector<16xi32>
    %gather3A_403 = tpu.dynamic_gather %get3A_57[%gather3A_402] in [0] : vector<16xf32>, vector<16xi32> -> vector<16xf32>
    %gt3A_404 = arith.cmpf ogt, %gather3A_403, %get3A_57 : vector<16xf32>
    %eq3A_405 = arith.cmpf oeq, %gather3A_403, %get3A_57 : vector<16xf32>
    %gt3A_406 = arith.constant 13 : i32
    %gt3A_407 = vector.broadcast %gt3A_406 : i32 to vector<16xi32>
    %gt3A_408 = arith.cmpi sgt, %iota3A, %gt3A_407 : vector<16xi32>
    %and3A_409 = arith.andi %eq3A_405, %gt3A_408 : vector<16xi1>
    %or3A_410 = arith.ori %gt3A_404, %and3A_409 : vector<16xi1>
    %jit3A_411 = arith.constant 1.000000e+00 : f32
    %jit3A_412 = arith.constant 0.000000e+00 : f32
    %broadcast_in_dim3A_413 = vector.broadcast %jit3A_411 : f32 to vector<16xf32>
    %broadcast_in_dim3A_414 = vector.broadcast %jit3A_412 : f32 to vector<16xf32>
    %select_n3A_415 = arith.select %or3A_410, %broadcast_in_dim3A_413, %broadcast_in_dim3A_414 : vector<16xi1>, vector<16xf32>
    %add3A_416 = arith.addf %add3A_391, %select_n3A_415 : vector<16xf32>
    %broadcast_in_dim3A_417 = arith.constant 14 : i32
    %broadcast_in_dim3A_418 = vector.broadcast %broadcast_in_dim3A_417 : i32 to vector<16xi32>
    %lt3A_419 = arith.constant 0 : i32
    %lt3A_420 = vector.broadcast %lt3A_419 : i32 to vector<16xi32>
    %lt3A_421 = arith.cmpi slt, %broadcast_in_dim3A_418, %lt3A_420 : vector<16xi32>
    %add3A_422 = arith.constant 16 : i32
    %add3A_423 = vector.broadcast %add3A_422 : i32 to vector<16xi32>
    %add3A_424 = arith.addi %broadcast_in_dim3A_418, %add3A_423 : vector<16xi32>
    %select_n3A_425 = arith.select %lt3A_421, %add3A_424, %broadcast_in_dim3A_418 : vector<16xi1>, vector<16xi32>
    %broadcast_in_dim3A_426 = vector.shape_cast %select_n3A_425 : vector<16xi32> to vector<16x1xi32>
    %gather3A_427 = vector.shape_cast %broadcast_in_dim3A_426 : vector<16x1xi32> to vector<16xi32>
    %gather3A_428 = tpu.dynamic_gather %get3A_57[%gather3A_427] in [0] : vector<16xf32>, vector<16xi32> -> vector<16xf32>
    %gt3A_429 = arith.cmpf ogt, %gather3A_428, %get3A_57 : vector<16xf32>
    %eq3A_430 = arith.cmpf oeq, %gather3A_428, %get3A_57 : vector<16xf32>
    %gt3A_431 = arith.constant 14 : i32
    %gt3A_432 = vector.broadcast %gt3A_431 : i32 to vector<16xi32>
    %gt3A_433 = arith.cmpi sgt, %iota3A, %gt3A_432 : vector<16xi32>
    %and3A_434 = arith.andi %eq3A_430, %gt3A_433 : vector<16xi1>
    %or3A_435 = arith.ori %gt3A_429, %and3A_434 : vector<16xi1>
    %jit3A_436 = arith.constant 1.000000e+00 : f32
    %jit3A_437 = arith.constant 0.000000e+00 : f32
    %broadcast_in_dim3A_438 = vector.broadcast %jit3A_436 : f32 to vector<16xf32>
    %broadcast_in_dim3A_439 = vector.broadcast %jit3A_437 : f32 to vector<16xf32>
    %select_n3A_440 = arith.select %or3A_435, %broadcast_in_dim3A_438, %broadcast_in_dim3A_439 : vector<16xi1>, vector<16xf32>
    %add3A_441 = arith.addf %add3A_416, %select_n3A_440 : vector<16xf32>
    %broadcast_in_dim3A_442 = arith.constant 15 : i32
    %broadcast_in_dim3A_443 = vector.broadcast %broadcast_in_dim3A_442 : i32 to vector<16xi32>
    %lt3A_444 = arith.constant 0 : i32
    %lt3A_445 = vector.broadcast %lt3A_444 : i32 to vector<16xi32>
    %lt3A_446 = arith.cmpi slt, %broadcast_in_dim3A_443, %lt3A_445 : vector<16xi32>
    %add3A_447 = arith.constant 16 : i32
    %add3A_448 = vector.broadcast %add3A_447 : i32 to vector<16xi32>
    %add3A_449 = arith.addi %broadcast_in_dim3A_443, %add3A_448 : vector<16xi32>
    %select_n3A_450 = arith.select %lt3A_446, %add3A_449, %broadcast_in_dim3A_443 : vector<16xi1>, vector<16xi32>
    %broadcast_in_dim3A_451 = vector.shape_cast %select_n3A_450 : vector<16xi32> to vector<16x1xi32>
    %gather3A_452 = vector.shape_cast %broadcast_in_dim3A_451 : vector<16x1xi32> to vector<16xi32>
    %gather3A_453 = tpu.dynamic_gather %get3A_57[%gather3A_452] in [0] : vector<16xf32>, vector<16xi32> -> vector<16xf32>
    %gt3A_454 = arith.cmpf ogt, %gather3A_453, %get3A_57 : vector<16xf32>
    %eq3A_455 = arith.cmpf oeq, %gather3A_453, %get3A_57 : vector<16xf32>
    %gt3A_456 = arith.constant 15 : i32
    %gt3A_457 = vector.broadcast %gt3A_456 : i32 to vector<16xi32>
    %gt3A_458 = arith.cmpi sgt, %iota3A, %gt3A_457 : vector<16xi32>
    %and3A_459 = arith.andi %eq3A_455, %gt3A_458 : vector<16xi1>
    %or3A_460 = arith.ori %gt3A_454, %and3A_459 : vector<16xi1>
    %jit3A_461 = arith.constant 1.000000e+00 : f32
    %jit3A_462 = arith.constant 0.000000e+00 : f32
    %broadcast_in_dim3A_463 = vector.broadcast %jit3A_461 : f32 to vector<16xf32>
    %broadcast_in_dim3A_464 = vector.broadcast %jit3A_462 : f32 to vector<16xf32>
    %select_n3A_465 = arith.select %or3A_460, %broadcast_in_dim3A_463, %broadcast_in_dim3A_464 : vector<16xi1>, vector<16xf32>
    %add3A_466 = arith.addf %add3A_441, %select_n3A_465 : vector<16xf32>
    %lt3A_467 = arith.cmpf olt, %add3A_466, %gather3A_69 : vector<16xf32>
    %jit3A_468 = arith.constant 0.000000e+00 : f32
    %broadcast_in_dim3A_469 = vector.broadcast %jit3A_468 : f32 to vector<16xf32>
    %select_n3A_470 = arith.select %lt3A_467, %get3A_57, %broadcast_in_dim3A_469 : vector<16xi1>, vector<16xf32>
    %eq3A_471 = arith.constant 0 : i32
    %eq3A_472 = vector.broadcast %eq3A_471 : i32 to vector<16xi32>
    %eq3A_473 = arith.cmpi eq, %iota3A, %eq3A_472 : vector<16xi32>
    %lt3A_474 = arith.cmpf olt, %gather3A_69, %max3A_52 : vector<16xf32>
    %and3A_475 = arith.andi %eq3A_473, %lt3A_474 : vector<16xi1>
    %jit3A_476 = arith.constant 0.000000e+00 : f32
    %broadcast_in_dim3A_477 = vector.broadcast %jit3A_476 : f32 to vector<16xf32>
    %select_n3A_478 = arith.select %and3A_475, %broadcast_in_dim3A_477, %select_n3A_470 : vector<16xi1>, vector<16xf32>
    %xor3A_479 = arith.constant 8 : i32
    %xor3A_480 = vector.broadcast %xor3A_479 : i32 to vector<16xi32>
    %xor3A_481 = arith.xori %iota3A, %xor3A_480 : vector<16xi32>
    %lt3A_482 = arith.constant 0 : i32
    %lt3A_483 = vector.broadcast %lt3A_482 : i32 to vector<16xi32>
    %lt3A_484 = arith.cmpi slt, %xor3A_481, %lt3A_483 : vector<16xi32>
    %add3A_485 = arith.constant 16 : i32
    %add3A_486 = vector.broadcast %add3A_485 : i32 to vector<16xi32>
    %add3A_487 = arith.addi %xor3A_481, %add3A_486 : vector<16xi32>
    %select_n3A_488 = arith.select %lt3A_484, %add3A_487, %xor3A_481 : vector<16xi1>, vector<16xi32>
    %broadcast_in_dim3A_489 = vector.shape_cast %select_n3A_488 : vector<16xi32> to vector<16x1xi32>
    %gather3A_490 = vector.shape_cast %broadcast_in_dim3A_489 : vector<16x1xi32> to vector<16xi32>
    %gather3A_491 = tpu.dynamic_gather %select_n3A_478[%gather3A_490] in [0] : vector<16xf32>, vector<16xi32> -> vector<16xf32>
    %max3A_492 = arith.maximumf %select_n3A_478, %gather3A_491 : vector<16xf32>
    %xor3A_493 = arith.constant 4 : i32
    %xor3A_494 = vector.broadcast %xor3A_493 : i32 to vector<16xi32>
    %xor3A_495 = arith.xori %iota3A, %xor3A_494 : vector<16xi32>
    %lt3A_496 = arith.constant 0 : i32
    %lt3A_497 = vector.broadcast %lt3A_496 : i32 to vector<16xi32>
    %lt3A_498 = arith.cmpi slt, %xor3A_495, %lt3A_497 : vector<16xi32>
    %add3A_499 = arith.constant 16 : i32
    %add3A_500 = vector.broadcast %add3A_499 : i32 to vector<16xi32>
    %add3A_501 = arith.addi %xor3A_495, %add3A_500 : vector<16xi32>
    %select_n3A_502 = arith.select %lt3A_498, %add3A_501, %xor3A_495 : vector<16xi1>, vector<16xi32>
    %broadcast_in_dim3A_503 = vector.shape_cast %select_n3A_502 : vector<16xi32> to vector<16x1xi32>
    %gather3A_504 = vector.shape_cast %broadcast_in_dim3A_503 : vector<16x1xi32> to vector<16xi32>
    %gather3A_505 = tpu.dynamic_gather %max3A_492[%gather3A_504] in [0] : vector<16xf32>, vector<16xi32> -> vector<16xf32>
    %max3A_506 = arith.maximumf %max3A_492, %gather3A_505 : vector<16xf32>
    %xor3A_507 = arith.constant 2 : i32
    %xor3A_508 = vector.broadcast %xor3A_507 : i32 to vector<16xi32>
    %xor3A_509 = arith.xori %iota3A, %xor3A_508 : vector<16xi32>
    %lt3A_510 = arith.constant 0 : i32
    %lt3A_511 = vector.broadcast %lt3A_510 : i32 to vector<16xi32>
    %lt3A_512 = arith.cmpi slt, %xor3A_509, %lt3A_511 : vector<16xi32>
    %add3A_513 = arith.constant 16 : i32
    %add3A_514 = vector.broadcast %add3A_513 : i32 to vector<16xi32>
    %add3A_515 = arith.addi %xor3A_509, %add3A_514 : vector<16xi32>
    %select_n3A_516 = arith.select %lt3A_512, %add3A_515, %xor3A_509 : vector<16xi1>, vector<16xi32>
    %broadcast_in_dim3A_517 = vector.shape_cast %select_n3A_516 : vector<16xi32> to vector<16x1xi32>
    %gather3A_518 = vector.shape_cast %broadcast_in_dim3A_517 : vector<16x1xi32> to vector<16xi32>
    %gather3A_519 = tpu.dynamic_gather %max3A_506[%gather3A_518] in [0] : vector<16xf32>, vector<16xi32> -> vector<16xf32>
    %max3A_520 = arith.maximumf %max3A_506, %gather3A_519 : vector<16xf32>
    %xor3A_521 = arith.constant 1 : i32
    %xor3A_522 = vector.broadcast %xor3A_521 : i32 to vector<16xi32>
    %xor3A_523 = arith.xori %iota3A, %xor3A_522 : vector<16xi32>
    %lt3A_524 = arith.constant 0 : i32
    %lt3A_525 = vector.broadcast %lt3A_524 : i32 to vector<16xi32>
    %lt3A_526 = arith.cmpi slt, %xor3A_523, %lt3A_525 : vector<16xi32>
    %add3A_527 = arith.constant 16 : i32
    %add3A_528 = vector.broadcast %add3A_527 : i32 to vector<16xi32>
    %add3A_529 = arith.addi %xor3A_523, %add3A_528 : vector<16xi32>
    %select_n3A_530 = arith.select %lt3A_526, %add3A_529, %xor3A_523 : vector<16xi1>, vector<16xi32>
    %broadcast_in_dim3A_531 = vector.shape_cast %select_n3A_530 : vector<16xi32> to vector<16x1xi32>
    %gather3A_532 = vector.shape_cast %broadcast_in_dim3A_531 : vector<16x1xi32> to vector<16xi32>
    %gather3A_533 = tpu.dynamic_gather %max3A_520[%gather3A_532] in [0] : vector<16xf32>, vector<16xi32> -> vector<16xf32>
    %max3A_534 = arith.maximumf %max3A_520, %gather3A_533 : vector<16xf32>
    %sub3A = arith.subf %select_n3A_478, %max3A_534 : vector<16xf32>
    %exp3A = math.exp %sub3A : vector<16xf32>
    %xor3A_535 = arith.constant 8 : i32
    %xor3A_536 = vector.broadcast %xor3A_535 : i32 to vector<16xi32>
    %xor3A_537 = arith.xori %iota3A, %xor3A_536 : vector<16xi32>
    %lt3A_538 = arith.constant 0 : i32
    %lt3A_539 = vector.broadcast %lt3A_538 : i32 to vector<16xi32>
    %lt3A_540 = arith.cmpi slt, %xor3A_537, %lt3A_539 : vector<16xi32>
    %add3A_541 = arith.constant 16 : i32
    %add3A_542 = vector.broadcast %add3A_541 : i32 to vector<16xi32>
    %add3A_543 = arith.addi %xor3A_537, %add3A_542 : vector<16xi32>
    %select_n3A_544 = arith.select %lt3A_540, %add3A_543, %xor3A_537 : vector<16xi1>, vector<16xi32>
    %broadcast_in_dim3A_545 = vector.shape_cast %select_n3A_544 : vector<16xi32> to vector<16x1xi32>
    %gather3A_546 = vector.shape_cast %broadcast_in_dim3A_545 : vector<16x1xi32> to vector<16xi32>
    %gather3A_547 = tpu.dynamic_gather %exp3A[%gather3A_546] in [0] : vector<16xf32>, vector<16xi32> -> vector<16xf32>
    %add3A_548 = arith.addf %exp3A, %gather3A_547 : vector<16xf32>
    %xor3A_549 = arith.constant 4 : i32
    %xor3A_550 = vector.broadcast %xor3A_549 : i32 to vector<16xi32>
    %xor3A_551 = arith.xori %iota3A, %xor3A_550 : vector<16xi32>
    %lt3A_552 = arith.constant 0 : i32
    %lt3A_553 = vector.broadcast %lt3A_552 : i32 to vector<16xi32>
    %lt3A_554 = arith.cmpi slt, %xor3A_551, %lt3A_553 : vector<16xi32>
    %add3A_555 = arith.constant 16 : i32
    %add3A_556 = vector.broadcast %add3A_555 : i32 to vector<16xi32>
    %add3A_557 = arith.addi %xor3A_551, %add3A_556 : vector<16xi32>
    %select_n3A_558 = arith.select %lt3A_554, %add3A_557, %xor3A_551 : vector<16xi1>, vector<16xi32>
    %broadcast_in_dim3A_559 = vector.shape_cast %select_n3A_558 : vector<16xi32> to vector<16x1xi32>
    %gather3A_560 = vector.shape_cast %broadcast_in_dim3A_559 : vector<16x1xi32> to vector<16xi32>
    %gather3A_561 = tpu.dynamic_gather %add3A_548[%gather3A_560] in [0] : vector<16xf32>, vector<16xi32> -> vector<16xf32>
    %add3A_562 = arith.addf %add3A_548, %gather3A_561 : vector<16xf32>
    %xor3A_563 = arith.constant 2 : i32
    %xor3A_564 = vector.broadcast %xor3A_563 : i32 to vector<16xi32>
    %xor3A_565 = arith.xori %iota3A, %xor3A_564 : vector<16xi32>
    %lt3A_566 = arith.constant 0 : i32
    %lt3A_567 = vector.broadcast %lt3A_566 : i32 to vector<16xi32>
    %lt3A_568 = arith.cmpi slt, %xor3A_565, %lt3A_567 : vector<16xi32>
    %add3A_569 = arith.constant 16 : i32
    %add3A_570 = vector.broadcast %add3A_569 : i32 to vector<16xi32>
    %add3A_571 = arith.addi %xor3A_565, %add3A_570 : vector<16xi32>
    %select_n3A_572 = arith.select %lt3A_568, %add3A_571, %xor3A_565 : vector<16xi1>, vector<16xi32>
    %broadcast_in_dim3A_573 = vector.shape_cast %select_n3A_572 : vector<16xi32> to vector<16x1xi32>
    %gather3A_574 = vector.shape_cast %broadcast_in_dim3A_573 : vector<16x1xi32> to vector<16xi32>
    %gather3A_575 = tpu.dynamic_gather %add3A_562[%gather3A_574] in [0] : vector<16xf32>, vector<16xi32> -> vector<16xf32>
    %add3A_576 = arith.addf %add3A_562, %gather3A_575 : vector<16xf32>
    %xor3A_577 = arith.constant 1 : i32
    %xor3A_578 = vector.broadcast %xor3A_577 : i32 to vector<16xi32>
    %xor3A_579 = arith.xori %iota3A, %xor3A_578 : vector<16xi32>
    %lt3A_580 = arith.constant 0 : i32
    %lt3A_581 = vector.broadcast %lt3A_580 : i32 to vector<16xi32>
    %lt3A_582 = arith.cmpi slt, %xor3A_579, %lt3A_581 : vector<16xi32>
    %add3A_583 = arith.constant 16 : i32
    %add3A_584 = vector.broadcast %add3A_583 : i32 to vector<16xi32>
    %add3A_585 = arith.addi %xor3A_579, %add3A_584 : vector<16xi32>
    %select_n3A_586 = arith.select %lt3A_582, %add3A_585, %xor3A_579 : vector<16xi1>, vector<16xi32>
    %broadcast_in_dim3A_587 = vector.shape_cast %select_n3A_586 : vector<16xi32> to vector<16x1xi32>
    %gather3A_588 = vector.shape_cast %broadcast_in_dim3A_587 : vector<16x1xi32> to vector<16xi32>
    %gather3A_589 = tpu.dynamic_gather %add3A_576[%gather3A_588] in [0] : vector<16xf32>, vector<16xi32> -> vector<16xf32>
    %add3A_590 = arith.addf %add3A_576, %gather3A_589 : vector<16xf32>
    %div3A = arith.divf %exp3A, %add3A_590 : vector<16xf32>
    %swap3A = arith.constant 0 : i32
    %swap3A_591 = arith.index_cast %swap3A : i32 to index
    %swap3A_592 = arith.constant 0 : index
    %swap3A_593 = tpu.vector_load %arg5[%swap3A_591, %swap3A_592] {strides = array<i32>} : memref<4x16xf32, #tpu.memory_space<vmem>>, vector<1x16xf32>,
    %swap3A_594 = vector.shape_cast %swap3A_593 : vector<1x16xf32> to vector<16xf32>
    %swap3A_595 = vector.shape_cast %div3A : vector<16xf32> to vector<1x16xf32>
    tpu.vector_store %arg5[%swap3A_591, %swap3A_592], %swap3A_595 {strides = array<i32>} : memref<4x16xf32, #tpu.memory_space<vmem>>, vector<1x16xf32>,
    %get3A_596 = arith.constant 1 : i32
    %get3A_597 = arith.index_cast %get3A_596 : i32 to index
    %get3A_598 = arith.constant 0 : index
    %get3A_599 = tpu.vector_load %arg4[%get3A_597, %get3A_598] {strides = array<i32>} : memref<8x16xf32, #tpu.memory_space<vmem>>, vector<1x16xf32>,
    %get3A_600 = vector.shape_cast %get3A_599 : vector<1x16xf32> to vector<16xf32>
    %broadcast_in_dim3A_601 = arith.constant 1 : i32
    %broadcast_in_dim3A_602 = vector.broadcast %broadcast_in_dim3A_601 : i32 to vector<16xi32>
    %lt3A_603 = arith.constant 0 : i32
    %lt3A_604 = vector.broadcast %lt3A_603 : i32 to vector<16xi32>
    %lt3A_605 = arith.cmpi slt, %broadcast_in_dim3A_602, %lt3A_604 : vector<16xi32>
    %add3A_606 = arith.constant 16 : i32
    %add3A_607 = vector.broadcast %add3A_606 : i32 to vector<16xi32>
    %add3A_608 = arith.addi %broadcast_in_dim3A_602, %add3A_607 : vector<16xi32>
    %select_n3A_609 = arith.select %lt3A_605, %add3A_608, %broadcast_in_dim3A_602 : vector<16xi1>, vector<16xi32>
    %broadcast_in_dim3A_610 = vector.shape_cast %select_n3A_609 : vector<16xi32> to vector<16x1xi32>
    %gather3A_611 = vector.shape_cast %broadcast_in_dim3A_610 : vector<16x1xi32> to vector<16xi32>
    %gather3A_612 = tpu.dynamic_gather %get3A_3[%gather3A_611] in [0] : vector<16xf32>, vector<16xi32> -> vector<16xf32>
    %broadcast_in_dim3A_613 = arith.constant 0.000000e+00 : f32
    %broadcast_in_dim3A_614 = vector.broadcast %broadcast_in_dim3A_613 : f32 to vector<16xf32>
    %broadcast_in_dim3A_615 = arith.constant 0 : i32
    %broadcast_in_dim3A_616 = vector.broadcast %broadcast_in_dim3A_615 : i32 to vector<16xi32>
    %lt3A_617 = arith.constant 0 : i32
    %lt3A_618 = vector.broadcast %lt3A_617 : i32 to vector<16xi32>
    %lt3A_619 = arith.cmpi slt, %broadcast_in_dim3A_616, %lt3A_618 : vector<16xi32>
    %add3A_620 = arith.constant 16 : i32
    %add3A_621 = vector.broadcast %add3A_620 : i32 to vector<16xi32>
    %add3A_622 = arith.addi %broadcast_in_dim3A_616, %add3A_621 : vector<16xi32>
    %select_n3A_623 = arith.select %lt3A_619, %add3A_622, %broadcast_in_dim3A_616 : vector<16xi1>, vector<16xi32>
    %broadcast_in_dim3A_624 = vector.shape_cast %select_n3A_623 : vector<16xi32> to vector<16x1xi32>
    %gather3A_625 = vector.shape_cast %broadcast_in_dim3A_624 : vector<16x1xi32> to vector<16xi32>
    %gather3A_626 = tpu.dynamic_gather %get3A_600[%gather3A_625] in [0] : vector<16xf32>, vector<16xi32> -> vector<16xf32>
    %gt3A_627 = arith.cmpf ogt, %gather3A_626, %get3A_600 : vector<16xf32>
    %eq3A_628 = arith.cmpf oeq, %gather3A_626, %get3A_600 : vector<16xf32>
    %gt3A_629 = arith.constant 0 : i32
    %gt3A_630 = vector.broadcast %gt3A_629 : i32 to vector<16xi32>
    %gt3A_631 = arith.cmpi sgt, %iota3A, %gt3A_630 : vector<16xi32>
    %and3A_632 = arith.andi %eq3A_628, %gt3A_631 : vector<16xi1>
    %or3A_633 = arith.ori %gt3A_627, %and3A_632 : vector<16xi1>
    %jit3A_634 = arith.constant 1.000000e+00 : f32
    %jit3A_635 = arith.constant 0.000000e+00 : f32
    %broadcast_in_dim3A_636 = vector.broadcast %jit3A_634 : f32 to vector<16xf32>
    %broadcast_in_dim3A_637 = vector.broadcast %jit3A_635 : f32 to vector<16xf32>
    %select_n3A_638 = arith.select %or3A_633, %broadcast_in_dim3A_636, %broadcast_in_dim3A_637 : vector<16xi1>, vector<16xf32>
    %add3A_639 = arith.addf %broadcast_in_dim3A_614, %select_n3A_638 : vector<16xf32>
    %broadcast_in_dim3A_640 = arith.constant 1 : i32
    %broadcast_in_dim3A_641 = vector.broadcast %broadcast_in_dim3A_640 : i32 to vector<16xi32>
    %lt3A_642 = arith.constant 0 : i32
    %lt3A_643 = vector.broadcast %lt3A_642 : i32 to vector<16xi32>
    %lt3A_644 = arith.cmpi slt, %broadcast_in_dim3A_641, %lt3A_643 : vector<16xi32>
    %add3A_645 = arith.constant 16 : i32
    %add3A_646 = vector.broadcast %add3A_645 : i32 to vector<16xi32>
    %add3A_647 = arith.addi %broadcast_in_dim3A_641, %add3A_646 : vector<16xi32>
    %select_n3A_648 = arith.select %lt3A_644, %add3A_647, %broadcast_in_dim3A_641 : vector<16xi1>, vector<16xi32>
    %broadcast_in_dim3A_649 = vector.shape_cast %select_n3A_648 : vector<16xi32> to vector<16x1xi32>
    %gather3A_650 = vector.shape_cast %broadcast_in_dim3A_649 : vector<16x1xi32> to vector<16xi32>
    %gather3A_651 = tpu.dynamic_gather %get3A_600[%gather3A_650] in [0] : vector<16xf32>, vector<16xi32> -> vector<16xf32>
    %gt3A_652 = arith.cmpf ogt, %gather3A_651, %get3A_600 : vector<16xf32>
    %eq3A_653 = arith.cmpf oeq, %gather3A_651, %get3A_600 : vector<16xf32>
    %gt3A_654 = arith.constant 1 : i32
    %gt3A_655 = vector.broadcast %gt3A_654 : i32 to vector<16xi32>
    %gt3A_656 = arith.cmpi sgt, %iota3A, %gt3A_655 : vector<16xi32>
    %and3A_657 = arith.andi %eq3A_653, %gt3A_656 : vector<16xi1>
    %or3A_658 = arith.ori %gt3A_652, %and3A_657 : vector<16xi1>
    %jit3A_659 = arith.constant 1.000000e+00 : f32
    %jit3A_660 = arith.constant 0.000000e+00 : f32
    %broadcast_in_dim3A_661 = vector.broadcast %jit3A_659 : f32 to vector<16xf32>
    %broadcast_in_dim3A_662 = vector.broadcast %jit3A_660 : f32 to vector<16xf32>
    %select_n3A_663 = arith.select %or3A_658, %broadcast_in_dim3A_661, %broadcast_in_dim3A_662 : vector<16xi1>, vector<16xf32>
    %add3A_664 = arith.addf %add3A_639, %select_n3A_663 : vector<16xf32>
    %broadcast_in_dim3A_665 = arith.constant 2 : i32
    %broadcast_in_dim3A_666 = vector.broadcast %broadcast_in_dim3A_665 : i32 to vector<16xi32>
    %lt3A_667 = arith.constant 0 : i32
    %lt3A_668 = vector.broadcast %lt3A_667 : i32 to vector<16xi32>
    %lt3A_669 = arith.cmpi slt, %broadcast_in_dim3A_666, %lt3A_668 : vector<16xi32>
    %add3A_670 = arith.constant 16 : i32
    %add3A_671 = vector.broadcast %add3A_670 : i32 to vector<16xi32>
    %add3A_672 = arith.addi %broadcast_in_dim3A_666, %add3A_671 : vector<16xi32>
    %select_n3A_673 = arith.select %lt3A_669, %add3A_672, %broadcast_in_dim3A_666 : vector<16xi1>, vector<16xi32>
    %broadcast_in_dim3A_674 = vector.shape_cast %select_n3A_673 : vector<16xi32> to vector<16x1xi32>
    %gather3A_675 = vector.shape_cast %broadcast_in_dim3A_674 : vector<16x1xi32> to vector<16xi32>
    %gather3A_676 = tpu.dynamic_gather %get3A_600[%gather3A_675] in [0] : vector<16xf32>, vector<16xi32> -> vector<16xf32>
    %gt3A_677 = arith.cmpf ogt, %gather3A_676, %get3A_600 : vector<16xf32>
    %eq3A_678 = arith.cmpf oeq, %gather3A_676, %get3A_600 : vector<16xf32>
    %gt3A_679 = arith.constant 2 : i32
    %gt3A_680 = vector.broadcast %gt3A_679 : i32 to vector<16xi32>
    %gt3A_681 = arith.cmpi sgt, %iota3A, %gt3A_680 : vector<16xi32>
    %and3A_682 = arith.andi %eq3A_678, %gt3A_681 : vector<16xi1>
    %or3A_683 = arith.ori %gt3A_677, %and3A_682 : vector<16xi1>
    %jit3A_684 = arith.constant 1.000000e+00 : f32
    %jit3A_685 = arith.constant 0.000000e+00 : f32
    %broadcast_in_dim3A_686 = vector.broadcast %jit3A_684 : f32 to vector<16xf32>
    %broadcast_in_dim3A_687 = vector.broadcast %jit3A_685 : f32 to vector<16xf32>
    %select_n3A_688 = arith.select %or3A_683, %broadcast_in_dim3A_686, %broadcast_in_dim3A_687 : vector<16xi1>, vector<16xf32>
    %add3A_689 = arith.addf %add3A_664, %select_n3A_688 : vector<16xf32>
    %broadcast_in_dim3A_690 = arith.constant 3 : i32
    %broadcast_in_dim3A_691 = vector.broadcast %broadcast_in_dim3A_690 : i32 to vector<16xi32>
    %lt3A_692 = arith.constant 0 : i32
    %lt3A_693 = vector.broadcast %lt3A_692 : i32 to vector<16xi32>
    %lt3A_694 = arith.cmpi slt, %broadcast_in_dim3A_691, %lt3A_693 : vector<16xi32>
    %add3A_695 = arith.constant 16 : i32
    %add3A_696 = vector.broadcast %add3A_695 : i32 to vector<16xi32>
    %add3A_697 = arith.addi %broadcast_in_dim3A_691, %add3A_696 : vector<16xi32>
    %select_n3A_698 = arith.select %lt3A_694, %add3A_697, %broadcast_in_dim3A_691 : vector<16xi1>, vector<16xi32>
    %broadcast_in_dim3A_699 = vector.shape_cast %select_n3A_698 : vector<16xi32> to vector<16x1xi32>
    %gather3A_700 = vector.shape_cast %broadcast_in_dim3A_699 : vector<16x1xi32> to vector<16xi32>
    %gather3A_701 = tpu.dynamic_gather %get3A_600[%gather3A_700] in [0] : vector<16xf32>, vector<16xi32> -> vector<16xf32>
    %gt3A_702 = arith.cmpf ogt, %gather3A_701, %get3A_600 : vector<16xf32>
    %eq3A_703 = arith.cmpf oeq, %gather3A_701, %get3A_600 : vector<16xf32>
    %gt3A_704 = arith.constant 3 : i32
    %gt3A_705 = vector.broadcast %gt3A_704 : i32 to vector<16xi32>
    %gt3A_706 = arith.cmpi sgt, %iota3A, %gt3A_705 : vector<16xi32>
    %and3A_707 = arith.andi %eq3A_703, %gt3A_706 : vector<16xi1>
    %or3A_708 = arith.ori %gt3A_702, %and3A_707 : vector<16xi1>
    %jit3A_709 = arith.constant 1.000000e+00 : f32
    %jit3A_710 = arith.constant 0.000000e+00 : f32
    %broadcast_in_dim3A_711 = vector.broadcast %jit3A_709 : f32 to vector<16xf32>
    %broadcast_in_dim3A_712 = vector.broadcast %jit3A_710 : f32 to vector<16xf32>
    %select_n3A_713 = arith.select %or3A_708, %broadcast_in_dim3A_711, %broadcast_in_dim3A_712 : vector<16xi1>, vector<16xf32>
    %add3A_714 = arith.addf %add3A_689, %select_n3A_713 : vector<16xf32>
    %broadcast_in_dim3A_715 = arith.constant 4 : i32
    %broadcast_in_dim3A_716 = vector.broadcast %broadcast_in_dim3A_715 : i32 to vector<16xi32>
    %lt3A_717 = arith.constant 0 : i32
    %lt3A_718 = vector.broadcast %lt3A_717 : i32 to vector<16xi32>
    %lt3A_719 = arith.cmpi slt, %broadcast_in_dim3A_716, %lt3A_718 : vector<16xi32>
    %add3A_720 = arith.constant 16 : i32
    %add3A_721 = vector.broadcast %add3A_720 : i32 to vector<16xi32>
    %add3A_722 = arith.addi %broadcast_in_dim3A_716, %add3A_721 : vector<16xi32>
    %select_n3A_723 = arith.select %lt3A_719, %add3A_722, %broadcast_in_dim3A_716 : vector<16xi1>, vector<16xi32>
    %broadcast_in_dim3A_724 = vector.shape_cast %select_n3A_723 : vector<16xi32> to vector<16x1xi32>
    %gather3A_725 = vector.shape_cast %broadcast_in_dim3A_724 : vector<16x1xi32> to vector<16xi32>
    %gather3A_726 = tpu.dynamic_gather %get3A_600[%gather3A_725] in [0] : vector<16xf32>, vector<16xi32> -> vector<16xf32>
    %gt3A_727 = arith.cmpf ogt, %gather3A_726, %get3A_600 : vector<16xf32>
    %eq3A_728 = arith.cmpf oeq, %gather3A_726, %get3A_600 : vector<16xf32>
    %gt3A_729 = arith.constant 4 : i32
    %gt3A_730 = vector.broadcast %gt3A_729 : i32 to vector<16xi32>
    %gt3A_731 = arith.cmpi sgt, %iota3A, %gt3A_730 : vector<16xi32>
    %and3A_732 = arith.andi %eq3A_728, %gt3A_731 : vector<16xi1>
    %or3A_733 = arith.ori %gt3A_727, %and3A_732 : vector<16xi1>
    %jit3A_734 = arith.constant 1.000000e+00 : f32
    %jit3A_735 = arith.constant 0.000000e+00 : f32
    %broadcast_in_dim3A_736 = vector.broadcast %jit3A_734 : f32 to vector<16xf32>
    %broadcast_in_dim3A_737 = vector.broadcast %jit3A_735 : f32 to vector<16xf32>
    %select_n3A_738 = arith.select %or3A_733, %broadcast_in_dim3A_736, %broadcast_in_dim3A_737 : vector<16xi1>, vector<16xf32>
    %add3A_739 = arith.addf %add3A_714, %select_n3A_738 : vector<16xf32>
    %broadcast_in_dim3A_740 = arith.constant 5 : i32
    %broadcast_in_dim3A_741 = vector.broadcast %broadcast_in_dim3A_740 : i32 to vector<16xi32>
    %lt3A_742 = arith.constant 0 : i32
    %lt3A_743 = vector.broadcast %lt3A_742 : i32 to vector<16xi32>
    %lt3A_744 = arith.cmpi slt, %broadcast_in_dim3A_741, %lt3A_743 : vector<16xi32>
    %add3A_745 = arith.constant 16 : i32
    %add3A_746 = vector.broadcast %add3A_745 : i32 to vector<16xi32>
    %add3A_747 = arith.addi %broadcast_in_dim3A_741, %add3A_746 : vector<16xi32>
    %select_n3A_748 = arith.select %lt3A_744, %add3A_747, %broadcast_in_dim3A_741 : vector<16xi1>, vector<16xi32>
    %broadcast_in_dim3A_749 = vector.shape_cast %select_n3A_748 : vector<16xi32> to vector<16x1xi32>
    %gather3A_750 = vector.shape_cast %broadcast_in_dim3A_749 : vector<16x1xi32> to vector<16xi32>
    %gather3A_751 = tpu.dynamic_gather %get3A_600[%gather3A_750] in [0] : vector<16xf32>, vector<16xi32> -> vector<16xf32>
    %gt3A_752 = arith.cmpf ogt, %gather3A_751, %get3A_600 : vector<16xf32>
    %eq3A_753 = arith.cmpf oeq, %gather3A_751, %get3A_600 : vector<16xf32>
    %gt3A_754 = arith.constant 5 : i32
    %gt3A_755 = vector.broadcast %gt3A_754 : i32 to vector<16xi32>
    %gt3A_756 = arith.cmpi sgt, %iota3A, %gt3A_755 : vector<16xi32>
    %and3A_757 = arith.andi %eq3A_753, %gt3A_756 : vector<16xi1>
    %or3A_758 = arith.ori %gt3A_752, %and3A_757 : vector<16xi1>
    %jit3A_759 = arith.constant 1.000000e+00 : f32
    %jit3A_760 = arith.constant 0.000000e+00 : f32
    %broadcast_in_dim3A_761 = vector.broadcast %jit3A_759 : f32 to vector<16xf32>
    %broadcast_in_dim3A_762 = vector.broadcast %jit3A_760 : f32 to vector<16xf32>
    %select_n3A_763 = arith.select %or3A_758, %broadcast_in_dim3A_761, %broadcast_in_dim3A_762 : vector<16xi1>, vector<16xf32>
    %add3A_764 = arith.addf %add3A_739, %select_n3A_763 : vector<16xf32>
    %broadcast_in_dim3A_765 = arith.constant 6 : i32
    %broadcast_in_dim3A_766 = vector.broadcast %broadcast_in_dim3A_765 : i32 to vector<16xi32>
    %lt3A_767 = arith.constant 0 : i32
    %lt3A_768 = vector.broadcast %lt3A_767 : i32 to vector<16xi32>
    %lt3A_769 = arith.cmpi slt, %broadcast_in_dim3A_766, %lt3A_768 : vector<16xi32>
    %add3A_770 = arith.constant 16 : i32
    %add3A_771 = vector.broadcast %add3A_770 : i32 to vector<16xi32>
    %add3A_772 = arith.addi %broadcast_in_dim3A_766, %add3A_771 : vector<16xi32>
    %select_n3A_773 = arith.select %lt3A_769, %add3A_772, %broadcast_in_dim3A_766 : vector<16xi1>, vector<16xi32>
    %broadcast_in_dim3A_774 = vector.shape_cast %select_n3A_773 : vector<16xi32> to vector<16x1xi32>
    %gather3A_775 = vector.shape_cast %broadcast_in_dim3A_774 : vector<16x1xi32> to vector<16xi32>
    %gather3A_776 = tpu.dynamic_gather %get3A_600[%gather3A_775] in [0] : vector<16xf32>, vector<16xi32> -> vector<16xf32>
    %gt3A_777 = arith.cmpf ogt, %gather3A_776, %get3A_600 : vector<16xf32>
    %eq3A_778 = arith.cmpf oeq, %gather3A_776, %get3A_600 : vector<16xf32>
    %gt3A_779 = arith.constant 6 : i32
    %gt3A_780 = vector.broadcast %gt3A_779 : i32 to vector<16xi32>
    %gt3A_781 = arith.cmpi sgt, %iota3A, %gt3A_780 : vector<16xi32>
    %and3A_782 = arith.andi %eq3A_778, %gt3A_781 : vector<16xi1>
    %or3A_783 = arith.ori %gt3A_777, %and3A_782 : vector<16xi1>
    %jit3A_784 = arith.constant 1.000000e+00 : f32
    %jit3A_785 = arith.constant 0.000000e+00 : f32
    %broadcast_in_dim3A_786 = vector.broadcast %jit3A_784 : f32 to vector<16xf32>
    %broadcast_in_dim3A_787 = vector.broadcast %jit3A_785 : f32 to vector<16xf32>
    %select_n3A_788 = arith.select %or3A_783, %broadcast_in_dim3A_786, %broadcast_in_dim3A_787 : vector<16xi1>, vector<16xf32>
    %add3A_789 = arith.addf %add3A_764, %select_n3A_788 : vector<16xf32>
    %broadcast_in_dim3A_790 = arith.constant 7 : i32
    %broadcast_in_dim3A_791 = vector.broadcast %broadcast_in_dim3A_790 : i32 to vector<16xi32>
    %lt3A_792 = arith.constant 0 : i32
    %lt3A_793 = vector.broadcast %lt3A_792 : i32 to vector<16xi32>
    %lt3A_794 = arith.cmpi slt, %broadcast_in_dim3A_791, %lt3A_793 : vector<16xi32>
    %add3A_795 = arith.constant 16 : i32
    %add3A_796 = vector.broadcast %add3A_795 : i32 to vector<16xi32>
    %add3A_797 = arith.addi %broadcast_in_dim3A_791, %add3A_796 : vector<16xi32>
    %select_n3A_798 = arith.select %lt3A_794, %add3A_797, %broadcast_in_dim3A_791 : vector<16xi1>, vector<16xi32>
    %broadcast_in_dim3A_799 = vector.shape_cast %select_n3A_798 : vector<16xi32> to vector<16x1xi32>
    %gather3A_800 = vector.shape_cast %broadcast_in_dim3A_799 : vector<16x1xi32> to vector<16xi32>
    %gather3A_801 = tpu.dynamic_gather %get3A_600[%gather3A_800] in [0] : vector<16xf32>, vector<16xi32> -> vector<16xf32>
    %gt3A_802 = arith.cmpf ogt, %gather3A_801, %get3A_600 : vector<16xf32>
    %eq3A_803 = arith.cmpf oeq, %gather3A_801, %get3A_600 : vector<16xf32>
    %gt3A_804 = arith.constant 7 : i32
    %gt3A_805 = vector.broadcast %gt3A_804 : i32 to vector<16xi32>
    %gt3A_806 = arith.cmpi sgt, %iota3A, %gt3A_805 : vector<16xi32>
    %and3A_807 = arith.andi %eq3A_803, %gt3A_806 : vector<16xi1>
    %or3A_808 = arith.ori %gt3A_802, %and3A_807 : vector<16xi1>
    %jit3A_809 = arith.constant 1.000000e+00 : f32
    %jit3A_810 = arith.constant 0.000000e+00 : f32
    %broadcast_in_dim3A_811 = vector.broadcast %jit3A_809 : f32 to vector<16xf32>
    %broadcast_in_dim3A_812 = vector.broadcast %jit3A_810 : f32 to vector<16xf32>
    %select_n3A_813 = arith.select %or3A_808, %broadcast_in_dim3A_811, %broadcast_in_dim3A_812 : vector<16xi1>, vector<16xf32>
    %add3A_814 = arith.addf %add3A_789, %select_n3A_813 : vector<16xf32>
    %broadcast_in_dim3A_815 = arith.constant 8 : i32
    %broadcast_in_dim3A_816 = vector.broadcast %broadcast_in_dim3A_815 : i32 to vector<16xi32>
    %lt3A_817 = arith.constant 0 : i32
    %lt3A_818 = vector.broadcast %lt3A_817 : i32 to vector<16xi32>
    %lt3A_819 = arith.cmpi slt, %broadcast_in_dim3A_816, %lt3A_818 : vector<16xi32>
    %add3A_820 = arith.constant 16 : i32
    %add3A_821 = vector.broadcast %add3A_820 : i32 to vector<16xi32>
    %add3A_822 = arith.addi %broadcast_in_dim3A_816, %add3A_821 : vector<16xi32>
    %select_n3A_823 = arith.select %lt3A_819, %add3A_822, %broadcast_in_dim3A_816 : vector<16xi1>, vector<16xi32>
    %broadcast_in_dim3A_824 = vector.shape_cast %select_n3A_823 : vector<16xi32> to vector<16x1xi32>
    %gather3A_825 = vector.shape_cast %broadcast_in_dim3A_824 : vector<16x1xi32> to vector<16xi32>
    %gather3A_826 = tpu.dynamic_gather %get3A_600[%gather3A_825] in [0] : vector<16xf32>, vector<16xi32> -> vector<16xf32>
    %gt3A_827 = arith.cmpf ogt, %gather3A_826, %get3A_600 : vector<16xf32>
    %eq3A_828 = arith.cmpf oeq, %gather3A_826, %get3A_600 : vector<16xf32>
    %gt3A_829 = arith.constant 8 : i32
    %gt3A_830 = vector.broadcast %gt3A_829 : i32 to vector<16xi32>
    %gt3A_831 = arith.cmpi sgt, %iota3A, %gt3A_830 : vector<16xi32>
    %and3A_832 = arith.andi %eq3A_828, %gt3A_831 : vector<16xi1>
    %or3A_833 = arith.ori %gt3A_827, %and3A_832 : vector<16xi1>
    %jit3A_834 = arith.constant 1.000000e+00 : f32
    %jit3A_835 = arith.constant 0.000000e+00 : f32
    %broadcast_in_dim3A_836 = vector.broadcast %jit3A_834 : f32 to vector<16xf32>
    %broadcast_in_dim3A_837 = vector.broadcast %jit3A_835 : f32 to vector<16xf32>
    %select_n3A_838 = arith.select %or3A_833, %broadcast_in_dim3A_836, %broadcast_in_dim3A_837 : vector<16xi1>, vector<16xf32>
    %add3A_839 = arith.addf %add3A_814, %select_n3A_838 : vector<16xf32>
    %broadcast_in_dim3A_840 = arith.constant 9 : i32
    %broadcast_in_dim3A_841 = vector.broadcast %broadcast_in_dim3A_840 : i32 to vector<16xi32>
    %lt3A_842 = arith.constant 0 : i32
    %lt3A_843 = vector.broadcast %lt3A_842 : i32 to vector<16xi32>
    %lt3A_844 = arith.cmpi slt, %broadcast_in_dim3A_841, %lt3A_843 : vector<16xi32>
    %add3A_845 = arith.constant 16 : i32
    %add3A_846 = vector.broadcast %add3A_845 : i32 to vector<16xi32>
    %add3A_847 = arith.addi %broadcast_in_dim3A_841, %add3A_846 : vector<16xi32>
    %select_n3A_848 = arith.select %lt3A_844, %add3A_847, %broadcast_in_dim3A_841 : vector<16xi1>, vector<16xi32>
    %broadcast_in_dim3A_849 = vector.shape_cast %select_n3A_848 : vector<16xi32> to vector<16x1xi32>
    %gather3A_850 = vector.shape_cast %broadcast_in_dim3A_849 : vector<16x1xi32> to vector<16xi32>
    %gather3A_851 = tpu.dynamic_gather %get3A_600[%gather3A_850] in [0] : vector<16xf32>, vector<16xi32> -> vector<16xf32>
    %gt3A_852 = arith.cmpf ogt, %gather3A_851, %get3A_600 : vector<16xf32>
    %eq3A_853 = arith.cmpf oeq, %gather3A_851, %get3A_600 : vector<16xf32>
    %gt3A_854 = arith.constant 9 : i32
    %gt3A_855 = vector.broadcast %gt3A_854 : i32 to vector<16xi32>
    %gt3A_856 = arith.cmpi sgt, %iota3A, %gt3A_855 : vector<16xi32>
    %and3A_857 = arith.andi %eq3A_853, %gt3A_856 : vector<16xi1>
    %or3A_858 = arith.ori %gt3A_852, %and3A_857 : vector<16xi1>
    %jit3A_859 = arith.constant 1.000000e+00 : f32
    %jit3A_860 = arith.constant 0.000000e+00 : f32
    %broadcast_in_dim3A_861 = vector.broadcast %jit3A_859 : f32 to vector<16xf32>
    %broadcast_in_dim3A_862 = vector.broadcast %jit3A_860 : f32 to vector<16xf32>
    %select_n3A_863 = arith.select %or3A_858, %broadcast_in_dim3A_861, %broadcast_in_dim3A_862 : vector<16xi1>, vector<16xf32>
    %add3A_864 = arith.addf %add3A_839, %select_n3A_863 : vector<16xf32>
    %broadcast_in_dim3A_865 = arith.constant 10 : i32
    %broadcast_in_dim3A_866 = vector.broadcast %broadcast_in_dim3A_865 : i32 to vector<16xi32>
    %lt3A_867 = arith.constant 0 : i32
    %lt3A_868 = vector.broadcast %lt3A_867 : i32 to vector<16xi32>
    %lt3A_869 = arith.cmpi slt, %broadcast_in_dim3A_866, %lt3A_868 : vector<16xi32>
    %add3A_870 = arith.constant 16 : i32
    %add3A_871 = vector.broadcast %add3A_870 : i32 to vector<16xi32>
    %add3A_872 = arith.addi %broadcast_in_dim3A_866, %add3A_871 : vector<16xi32>
    %select_n3A_873 = arith.select %lt3A_869, %add3A_872, %broadcast_in_dim3A_866 : vector<16xi1>, vector<16xi32>
    %broadcast_in_dim3A_874 = vector.shape_cast %select_n3A_873 : vector<16xi32> to vector<16x1xi32>
    %gather3A_875 = vector.shape_cast %broadcast_in_dim3A_874 : vector<16x1xi32> to vector<16xi32>
    %gather3A_876 = tpu.dynamic_gather %get3A_600[%gather3A_875] in [0] : vector<16xf32>, vector<16xi32> -> vector<16xf32>
    %gt3A_877 = arith.cmpf ogt, %gather3A_876, %get3A_600 : vector<16xf32>
    %eq3A_878 = arith.cmpf oeq, %gather3A_876, %get3A_600 : vector<16xf32>
    %gt3A_879 = arith.constant 10 : i32
    %gt3A_880 = vector.broadcast %gt3A_879 : i32 to vector<16xi32>
    %gt3A_881 = arith.cmpi sgt, %iota3A, %gt3A_880 : vector<16xi32>
    %and3A_882 = arith.andi %eq3A_878, %gt3A_881 : vector<16xi1>
    %or3A_883 = arith.ori %gt3A_877, %and3A_882 : vector<16xi1>
    %jit3A_884 = arith.constant 1.000000e+00 : f32
    %jit3A_885 = arith.constant 0.000000e+00 : f32
    %broadcast_in_dim3A_886 = vector.broadcast %jit3A_884 : f32 to vector<16xf32>
    %broadcast_in_dim3A_887 = vector.broadcast %jit3A_885 : f32 to vector<16xf32>
    %select_n3A_888 = arith.select %or3A_883, %broadcast_in_dim3A_886, %broadcast_in_dim3A_887 : vector<16xi1>, vector<16xf32>
    %add3A_889 = arith.addf %add3A_864, %select_n3A_888 : vector<16xf32>
    %broadcast_in_dim3A_890 = arith.constant 11 : i32
    %broadcast_in_dim3A_891 = vector.broadcast %broadcast_in_dim3A_890 : i32 to vector<16xi32>
    %lt3A_892 = arith.constant 0 : i32
    %lt3A_893 = vector.broadcast %lt3A_892 : i32 to vector<16xi32>
    %lt3A_894 = arith.cmpi slt, %broadcast_in_dim3A_891, %lt3A_893 : vector<16xi32>
    %add3A_895 = arith.constant 16 : i32
    %add3A_896 = vector.broadcast %add3A_895 : i32 to vector<16xi32>
    %add3A_897 = arith.addi %broadcast_in_dim3A_891, %add3A_896 : vector<16xi32>
    %select_n3A_898 = arith.select %lt3A_894, %add3A_897, %broadcast_in_dim3A_891 : vector<16xi1>, vector<16xi32>
    %broadcast_in_dim3A_899 = vector.shape_cast %select_n3A_898 : vector<16xi32> to vector<16x1xi32>
    %gather3A_900 = vector.shape_cast %broadcast_in_dim3A_899 : vector<16x1xi32> to vector<16xi32>
    %gather3A_901 = tpu.dynamic_gather %get3A_600[%gather3A_900] in [0] : vector<16xf32>, vector<16xi32> -> vector<16xf32>
    %gt3A_902 = arith.cmpf ogt, %gather3A_901, %get3A_600 : vector<16xf32>
    %eq3A_903 = arith.cmpf oeq, %gather3A_901, %get3A_600 : vector<16xf32>
    %gt3A_904 = arith.constant 11 : i32
    %gt3A_905 = vector.broadcast %gt3A_904 : i32 to vector<16xi32>
    %gt3A_906 = arith.cmpi sgt, %iota3A, %gt3A_905 : vector<16xi32>
    %and3A_907 = arith.andi %eq3A_903, %gt3A_906 : vector<16xi1>
    %or3A_908 = arith.ori %gt3A_902, %and3A_907 : vector<16xi1>
    %jit3A_909 = arith.constant 1.000000e+00 : f32
    %jit3A_910 = arith.constant 0.000000e+00 : f32
    %broadcast_in_dim3A_911 = vector.broadcast %jit3A_909 : f32 to vector<16xf32>
    %broadcast_in_dim3A_912 = vector.broadcast %jit3A_910 : f32 to vector<16xf32>
    %select_n3A_913 = arith.select %or3A_908, %broadcast_in_dim3A_911, %broadcast_in_dim3A_912 : vector<16xi1>, vector<16xf32>
    %add3A_914 = arith.addf %add3A_889, %select_n3A_913 : vector<16xf32>
    %broadcast_in_dim3A_915 = arith.constant 12 : i32
    %broadcast_in_dim3A_916 = vector.broadcast %broadcast_in_dim3A_915 : i32 to vector<16xi32>
    %lt3A_917 = arith.constant 0 : i32
    %lt3A_918 = vector.broadcast %lt3A_917 : i32 to vector<16xi32>
    %lt3A_919 = arith.cmpi slt, %broadcast_in_dim3A_916, %lt3A_918 : vector<16xi32>
    %add3A_920 = arith.constant 16 : i32
    %add3A_921 = vector.broadcast %add3A_920 : i32 to vector<16xi32>
    %add3A_922 = arith.addi %broadcast_in_dim3A_916, %add3A_921 : vector<16xi32>
    %select_n3A_923 = arith.select %lt3A_919, %add3A_922, %broadcast_in_dim3A_916 : vector<16xi1>, vector<16xi32>
    %broadcast_in_dim3A_924 = vector.shape_cast %select_n3A_923 : vector<16xi32> to vector<16x1xi32>
    %gather3A_925 = vector.shape_cast %broadcast_in_dim3A_924 : vector<16x1xi32> to vector<16xi32>
    %gather3A_926 = tpu.dynamic_gather %get3A_600[%gather3A_925] in [0] : vector<16xf32>, vector<16xi32> -> vector<16xf32>
    %gt3A_927 = arith.cmpf ogt, %gather3A_926, %get3A_600 : vector<16xf32>
    %eq3A_928 = arith.cmpf oeq, %gather3A_926, %get3A_600 : vector<16xf32>
    %gt3A_929 = arith.constant 12 : i32
    %gt3A_930 = vector.broadcast %gt3A_929 : i32 to vector<16xi32>
    %gt3A_931 = arith.cmpi sgt, %iota3A, %gt3A_930 : vector<16xi32>
    %and3A_932 = arith.andi %eq3A_928, %gt3A_931 : vector<16xi1>
    %or3A_933 = arith.ori %gt3A_927, %and3A_932 : vector<16xi1>
    %jit3A_934 = arith.constant 1.000000e+00 : f32
    %jit3A_935 = arith.constant 0.000000e+00 : f32
    %broadcast_in_dim3A_936 = vector.broadcast %jit3A_934 : f32 to vector<16xf32>
    %broadcast_in_dim3A_937 = vector.broadcast %jit3A_935 : f32 to vector<16xf32>
    %select_n3A_938 = arith.select %or3A_933, %broadcast_in_dim3A_936, %broadcast_in_dim3A_937 : vector<16xi1>, vector<16xf32>
    %add3A_939 = arith.addf %add3A_914, %select_n3A_938 : vector<16xf32>
    %broadcast_in_dim3A_940 = arith.constant 13 : i32
    %broadcast_in_dim3A_941 = vector.broadcast %broadcast_in_dim3A_940 : i32 to vector<16xi32>
    %lt3A_942 = arith.constant 0 : i32
    %lt3A_943 = vector.broadcast %lt3A_942 : i32 to vector<16xi32>
    %lt3A_944 = arith.cmpi slt, %broadcast_in_dim3A_941, %lt3A_943 : vector<16xi32>
    %add3A_945 = arith.constant 16 : i32
    %add3A_946 = vector.broadcast %add3A_945 : i32 to vector<16xi32>
    %add3A_947 = arith.addi %broadcast_in_dim3A_941, %add3A_946 : vector<16xi32>
    %select_n3A_948 = arith.select %lt3A_944, %add3A_947, %broadcast_in_dim3A_941 : vector<16xi1>, vector<16xi32>
    %broadcast_in_dim3A_949 = vector.shape_cast %select_n3A_948 : vector<16xi32> to vector<16x1xi32>
    %gather3A_950 = vector.shape_cast %broadcast_in_dim3A_949 : vector<16x1xi32> to vector<16xi32>
    %gather3A_951 = tpu.dynamic_gather %get3A_600[%gather3A_950] in [0] : vector<16xf32>, vector<16xi32> -> vector<16xf32>
    %gt3A_952 = arith.cmpf ogt, %gather3A_951, %get3A_600 : vector<16xf32>
    %eq3A_953 = arith.cmpf oeq, %gather3A_951, %get3A_600 : vector<16xf32>
    %gt3A_954 = arith.constant 13 : i32
    %gt3A_955 = vector.broadcast %gt3A_954 : i32 to vector<16xi32>
    %gt3A_956 = arith.cmpi sgt, %iota3A, %gt3A_955 : vector<16xi32>
    %and3A_957 = arith.andi %eq3A_953, %gt3A_956 : vector<16xi1>
    %or3A_958 = arith.ori %gt3A_952, %and3A_957 : vector<16xi1>
    %jit3A_959 = arith.constant 1.000000e+00 : f32
    %jit3A_960 = arith.constant 0.000000e+00 : f32
    %broadcast_in_dim3A_961 = vector.broadcast %jit3A_959 : f32 to vector<16xf32>
    %broadcast_in_dim3A_962 = vector.broadcast %jit3A_960 : f32 to vector<16xf32>
    %select_n3A_963 = arith.select %or3A_958, %broadcast_in_dim3A_961, %broadcast_in_dim3A_962 : vector<16xi1>, vector<16xf32>
    %add3A_964 = arith.addf %add3A_939, %select_n3A_963 : vector<16xf32>
    %broadcast_in_dim3A_965 = arith.constant 14 : i32
    %broadcast_in_dim3A_966 = vector.broadcast %broadcast_in_dim3A_965 : i32 to vector<16xi32>
    %lt3A_967 = arith.constant 0 : i32
    %lt3A_968 = vector.broadcast %lt3A_967 : i32 to vector<16xi32>
    %lt3A_969 = arith.cmpi slt, %broadcast_in_dim3A_966, %lt3A_968 : vector<16xi32>
    %add3A_970 = arith.constant 16 : i32
    %add3A_971 = vector.broadcast %add3A_970 : i32 to vector<16xi32>
    %add3A_972 = arith.addi %broadcast_in_dim3A_966, %add3A_971 : vector<16xi32>
    %select_n3A_973 = arith.select %lt3A_969, %add3A_972, %broadcast_in_dim3A_966 : vector<16xi1>, vector<16xi32>
    %broadcast_in_dim3A_974 = vector.shape_cast %select_n3A_973 : vector<16xi32> to vector<16x1xi32>
    %gather3A_975 = vector.shape_cast %broadcast_in_dim3A_974 : vector<16x1xi32> to vector<16xi32>
    %gather3A_976 = tpu.dynamic_gather %get3A_600[%gather3A_975] in [0] : vector<16xf32>, vector<16xi32> -> vector<16xf32>
    %gt3A_977 = arith.cmpf ogt, %gather3A_976, %get3A_600 : vector<16xf32>
    %eq3A_978 = arith.cmpf oeq, %gather3A_976, %get3A_600 : vector<16xf32>
    %gt3A_979 = arith.constant 14 : i32
    %gt3A_980 = vector.broadcast %gt3A_979 : i32 to vector<16xi32>
    %gt3A_981 = arith.cmpi sgt, %iota3A, %gt3A_980 : vector<16xi32>
    %and3A_982 = arith.andi %eq3A_978, %gt3A_981 : vector<16xi1>
    %or3A_983 = arith.ori %gt3A_977, %and3A_982 : vector<16xi1>
    %jit3A_984 = arith.constant 1.000000e+00 : f32
    %jit3A_985 = arith.constant 0.000000e+00 : f32
    %broadcast_in_dim3A_986 = vector.broadcast %jit3A_984 : f32 to vector<16xf32>
    %broadcast_in_dim3A_987 = vector.broadcast %jit3A_985 : f32 to vector<16xf32>
    %select_n3A_988 = arith.select %or3A_983, %broadcast_in_dim3A_986, %broadcast_in_dim3A_987 : vector<16xi1>, vector<16xf32>
    %add3A_989 = arith.addf %add3A_964, %select_n3A_988 : vector<16xf32>
    %broadcast_in_dim3A_990 = arith.constant 15 : i32
    %broadcast_in_dim3A_991 = vector.broadcast %broadcast_in_dim3A_990 : i32 to vector<16xi32>
    %lt3A_992 = arith.constant 0 : i32
    %lt3A_993 = vector.broadcast %lt3A_992 : i32 to vector<16xi32>
    %lt3A_994 = arith.cmpi slt, %broadcast_in_dim3A_991, %lt3A_993 : vector<16xi32>
    %add3A_995 = arith.constant 16 : i32
    %add3A_996 = vector.broadcast %add3A_995 : i32 to vector<16xi32>
    %add3A_997 = arith.addi %broadcast_in_dim3A_991, %add3A_996 : vector<16xi32>
    %select_n3A_998 = arith.select %lt3A_994, %add3A_997, %broadcast_in_dim3A_991 : vector<16xi1>, vector<16xi32>
    %broadcast_in_dim3A_999 = vector.shape_cast %select_n3A_998 : vector<16xi32> to vector<16x1xi32>
    %gather3A_1000 = vector.shape_cast %broadcast_in_dim3A_999 : vector<16x1xi32> to vector<16xi32>
    %gather3A_1001 = tpu.dynamic_gather %get3A_600[%gather3A_1000] in [0] : vector<16xf32>, vector<16xi32> -> vector<16xf32>
    %gt3A_1002 = arith.cmpf ogt, %gather3A_1001, %get3A_600 : vector<16xf32>
    %eq3A_1003 = arith.cmpf oeq, %gather3A_1001, %get3A_600 : vector<16xf32>
    %gt3A_1004 = arith.constant 15 : i32
    %gt3A_1005 = vector.broadcast %gt3A_1004 : i32 to vector<16xi32>
    %gt3A_1006 = arith.cmpi sgt, %iota3A, %gt3A_1005 : vector<16xi32>
    %and3A_1007 = arith.andi %eq3A_1003, %gt3A_1006 : vector<16xi1>
    %or3A_1008 = arith.ori %gt3A_1002, %and3A_1007 : vector<16xi1>
    %jit3A_1009 = arith.constant 1.000000e+00 : f32
    %jit3A_1010 = arith.constant 0.000000e+00 : f32
    %broadcast_in_dim3A_1011 = vector.broadcast %jit3A_1009 : f32 to vector<16xf32>
    %broadcast_in_dim3A_1012 = vector.broadcast %jit3A_1010 : f32 to vector<16xf32>
    %select_n3A_1013 = arith.select %or3A_1008, %broadcast_in_dim3A_1011, %broadcast_in_dim3A_1012 : vector<16xi1>, vector<16xf32>
    %add3A_1014 = arith.addf %add3A_989, %select_n3A_1013 : vector<16xf32>
    %lt3A_1015 = arith.cmpf olt, %add3A_1014, %gather3A_612 : vector<16xf32>
    %jit3A_1016 = arith.constant 0.000000e+00 : f32
    %broadcast_in_dim3A_1017 = vector.broadcast %jit3A_1016 : f32 to vector<16xf32>
    %select_n3A_1018 = arith.select %lt3A_1015, %get3A_600, %broadcast_in_dim3A_1017 : vector<16xi1>, vector<16xf32>
    %eq3A_1019 = arith.constant 0 : i32
    %eq3A_1020 = vector.broadcast %eq3A_1019 : i32 to vector<16xi32>
    %eq3A_1021 = arith.cmpi eq, %iota3A, %eq3A_1020 : vector<16xi32>
    %lt3A_1022 = arith.cmpf olt, %gather3A_612, %max3A_52 : vector<16xf32>
    %and3A_1023 = arith.andi %eq3A_1021, %lt3A_1022 : vector<16xi1>
    %jit3A_1024 = arith.constant 0.000000e+00 : f32
    %broadcast_in_dim3A_1025 = vector.broadcast %jit3A_1024 : f32 to vector<16xf32>
    %select_n3A_1026 = arith.select %and3A_1023, %broadcast_in_dim3A_1025, %select_n3A_1018 : vector<16xi1>, vector<16xf32>
    %xor3A_1027 = arith.constant 8 : i32
    %xor3A_1028 = vector.broadcast %xor3A_1027 : i32 to vector<16xi32>
    %xor3A_1029 = arith.xori %iota3A, %xor3A_1028 : vector<16xi32>
    %lt3A_1030 = arith.constant 0 : i32
    %lt3A_1031 = vector.broadcast %lt3A_1030 : i32 to vector<16xi32>
    %lt3A_1032 = arith.cmpi slt, %xor3A_1029, %lt3A_1031 : vector<16xi32>
    %add3A_1033 = arith.constant 16 : i32
    %add3A_1034 = vector.broadcast %add3A_1033 : i32 to vector<16xi32>
    %add3A_1035 = arith.addi %xor3A_1029, %add3A_1034 : vector<16xi32>
    %select_n3A_1036 = arith.select %lt3A_1032, %add3A_1035, %xor3A_1029 : vector<16xi1>, vector<16xi32>
    %broadcast_in_dim3A_1037 = vector.shape_cast %select_n3A_1036 : vector<16xi32> to vector<16x1xi32>
    %gather3A_1038 = vector.shape_cast %broadcast_in_dim3A_1037 : vector<16x1xi32> to vector<16xi32>
    %gather3A_1039 = tpu.dynamic_gather %select_n3A_1026[%gather3A_1038] in [0] : vector<16xf32>, vector<16xi32> -> vector<16xf32>
    %max3A_1040 = arith.maximumf %select_n3A_1026, %gather3A_1039 : vector<16xf32>
    %xor3A_1041 = arith.constant 4 : i32
    %xor3A_1042 = vector.broadcast %xor3A_1041 : i32 to vector<16xi32>
    %xor3A_1043 = arith.xori %iota3A, %xor3A_1042 : vector<16xi32>
    %lt3A_1044 = arith.constant 0 : i32
    %lt3A_1045 = vector.broadcast %lt3A_1044 : i32 to vector<16xi32>
    %lt3A_1046 = arith.cmpi slt, %xor3A_1043, %lt3A_1045 : vector<16xi32>
    %add3A_1047 = arith.constant 16 : i32
    %add3A_1048 = vector.broadcast %add3A_1047 : i32 to vector<16xi32>
    %add3A_1049 = arith.addi %xor3A_1043, %add3A_1048 : vector<16xi32>
    %select_n3A_1050 = arith.select %lt3A_1046, %add3A_1049, %xor3A_1043 : vector<16xi1>, vector<16xi32>
    %broadcast_in_dim3A_1051 = vector.shape_cast %select_n3A_1050 : vector<16xi32> to vector<16x1xi32>
    %gather3A_1052 = vector.shape_cast %broadcast_in_dim3A_1051 : vector<16x1xi32> to vector<16xi32>
    %gather3A_1053 = tpu.dynamic_gather %max3A_1040[%gather3A_1052] in [0] : vector<16xf32>, vector<16xi32> -> vector<16xf32>
    %max3A_1054 = arith.maximumf %max3A_1040, %gather3A_1053 : vector<16xf32>
    %xor3A_1055 = arith.constant 2 : i32
    %xor3A_1056 = vector.broadcast %xor3A_1055 : i32 to vector<16xi32>
    %xor3A_1057 = arith.xori %iota3A, %xor3A_1056 : vector<16xi32>
    %lt3A_1058 = arith.constant 0 : i32
    %lt3A_1059 = vector.broadcast %lt3A_1058 : i32 to vector<16xi32>
    %lt3A_1060 = arith.cmpi slt, %xor3A_1057, %lt3A_1059 : vector<16xi32>
    %add3A_1061 = arith.constant 16 : i32
    %add3A_1062 = vector.broadcast %add3A_1061 : i32 to vector<16xi32>
    %add3A_1063 = arith.addi %xor3A_1057, %add3A_1062 : vector<16xi32>
    %select_n3A_1064 = arith.select %lt3A_1060, %add3A_1063, %xor3A_1057 : vector<16xi1>, vector<16xi32>
    %broadcast_in_dim3A_1065 = vector.shape_cast %select_n3A_1064 : vector<16xi32> to vector<16x1xi32>
    %gather3A_1066 = vector.shape_cast %broadcast_in_dim3A_1065 : vector<16x1xi32> to vector<16xi32>
    %gather3A_1067 = tpu.dynamic_gather %max3A_1054[%gather3A_1066] in [0] : vector<16xf32>, vector<16xi32> -> vector<16xf32>
    %max3A_1068 = arith.maximumf %max3A_1054, %gather3A_1067 : vector<16xf32>
    %xor3A_1069 = arith.constant 1 : i32
    %xor3A_1070 = vector.broadcast %xor3A_1069 : i32 to vector<16xi32>
    %xor3A_1071 = arith.xori %iota3A, %xor3A_1070 : vector<16xi32>
    %lt3A_1072 = arith.constant 0 : i32
    %lt3A_1073 = vector.broadcast %lt3A_1072 : i32 to vector<16xi32>
    %lt3A_1074 = arith.cmpi slt, %xor3A_1071, %lt3A_1073 : vector<16xi32>
    %add3A_1075 = arith.constant 16 : i32
    %add3A_1076 = vector.broadcast %add3A_1075 : i32 to vector<16xi32>
    %add3A_1077 = arith.addi %xor3A_1071, %add3A_1076 : vector<16xi32>
    %select_n3A_1078 = arith.select %lt3A_1074, %add3A_1077, %xor3A_1071 : vector<16xi1>, vector<16xi32>
    %broadcast_in_dim3A_1079 = vector.shape_cast %select_n3A_1078 : vector<16xi32> to vector<16x1xi32>
    %gather3A_1080 = vector.shape_cast %broadcast_in_dim3A_1079 : vector<16x1xi32> to vector<16xi32>
    %gather3A_1081 = tpu.dynamic_gather %max3A_1068[%gather3A_1080] in [0] : vector<16xf32>, vector<16xi32> -> vector<16xf32>
    %max3A_1082 = arith.maximumf %max3A_1068, %gather3A_1081 : vector<16xf32>
    %sub3A_1083 = arith.subf %select_n3A_1026, %max3A_1082 : vector<16xf32>
    %exp3A_1084 = math.exp %sub3A_1083 : vector<16xf32>
    %xor3A_1085 = arith.constant 8 : i32
    %xor3A_1086 = vector.broadcast %xor3A_1085 : i32 to vector<16xi32>
    %xor3A_1087 = arith.xori %iota3A, %xor3A_1086 : vector<16xi32>
    %lt3A_1088 = arith.constant 0 : i32
    %lt3A_1089 = vector.broadcast %lt3A_1088 : i32 to vector<16xi32>
    %lt3A_1090 = arith.cmpi slt, %xor3A_1087, %lt3A_1089 : vector<16xi32>
    %add3A_1091 = arith.constant 16 : i32
    %add3A_1092 = vector.broadcast %add3A_1091 : i32 to vector<16xi32>
    %add3A_1093 = arith.addi %xor3A_1087, %add3A_1092 : vector<16xi32>
    %select_n3A_1094 = arith.select %lt3A_1090, %add3A_1093, %xor3A_1087 : vector<16xi1>, vector<16xi32>
    %broadcast_in_dim3A_1095 = vector.shape_cast %select_n3A_1094 : vector<16xi32> to vector<16x1xi32>
    %gather3A_1096 = vector.shape_cast %broadcast_in_dim3A_1095 : vector<16x1xi32> to vector<16xi32>
    %gather3A_1097 = tpu.dynamic_gather %exp3A_1084[%gather3A_1096] in [0] : vector<16xf32>, vector<16xi32> -> vector<16xf32>
    %add3A_1098 = arith.addf %exp3A_1084, %gather3A_1097 : vector<16xf32>
    %xor3A_1099 = arith.constant 4 : i32
    %xor3A_1100 = vector.broadcast %xor3A_1099 : i32 to vector<16xi32>
    %xor3A_1101 = arith.xori %iota3A, %xor3A_1100 : vector<16xi32>
    %lt3A_1102 = arith.constant 0 : i32
    %lt3A_1103 = vector.broadcast %lt3A_1102 : i32 to vector<16xi32>
    %lt3A_1104 = arith.cmpi slt, %xor3A_1101, %lt3A_1103 : vector<16xi32>
    %add3A_1105 = arith.constant 16 : i32
    %add3A_1106 = vector.broadcast %add3A_1105 : i32 to vector<16xi32>
    %add3A_1107 = arith.addi %xor3A_1101, %add3A_1106 : vector<16xi32>
    %select_n3A_1108 = arith.select %lt3A_1104, %add3A_1107, %xor3A_1101 : vector<16xi1>, vector<16xi32>
    %broadcast_in_dim3A_1109 = vector.shape_cast %select_n3A_1108 : vector<16xi32> to vector<16x1xi32>
    %gather3A_1110 = vector.shape_cast %broadcast_in_dim3A_1109 : vector<16x1xi32> to vector<16xi32>
    %gather3A_1111 = tpu.dynamic_gather %add3A_1098[%gather3A_1110] in [0] : vector<16xf32>, vector<16xi32> -> vector<16xf32>
    %add3A_1112 = arith.addf %add3A_1098, %gather3A_1111 : vector<16xf32>
    %xor3A_1113 = arith.constant 2 : i32
    %xor3A_1114 = vector.broadcast %xor3A_1113 : i32 to vector<16xi32>
    %xor3A_1115 = arith.xori %iota3A, %xor3A_1114 : vector<16xi32>
    %lt3A_1116 = arith.constant 0 : i32
    %lt3A_1117 = vector.broadcast %lt3A_1116 : i32 to vector<16xi32>
    %lt3A_1118 = arith.cmpi slt, %xor3A_1115, %lt3A_1117 : vector<16xi32>
    %add3A_1119 = arith.constant 16 : i32
    %add3A_1120 = vector.broadcast %add3A_1119 : i32 to vector<16xi32>
    %add3A_1121 = arith.addi %xor3A_1115, %add3A_1120 : vector<16xi32>
    %select_n3A_1122 = arith.select %lt3A_1118, %add3A_1121, %xor3A_1115 : vector<16xi1>, vector<16xi32>
    %broadcast_in_dim3A_1123 = vector.shape_cast %select_n3A_1122 : vector<16xi32> to vector<16x1xi32>
    %gather3A_1124 = vector.shape_cast %broadcast_in_dim3A_1123 : vector<16x1xi32> to vector<16xi32>
    %gather3A_1125 = tpu.dynamic_gather %add3A_1112[%gather3A_1124] in [0] : vector<16xf32>, vector<16xi32> -> vector<16xf32>
    %add3A_1126 = arith.addf %add3A_1112, %gather3A_1125 : vector<16xf32>
    %xor3A_1127 = arith.constant 1 : i32
    %xor3A_1128 = vector.broadcast %xor3A_1127 : i32 to vector<16xi32>
    %xor3A_1129 = arith.xori %iota3A, %xor3A_1128 : vector<16xi32>
    %lt3A_1130 = arith.constant 0 : i32
    %lt3A_1131 = vector.broadcast %lt3A_1130 : i32 to vector<16xi32>
    %lt3A_1132 = arith.cmpi slt, %xor3A_1129, %lt3A_1131 : vector<16xi32>
    %add3A_1133 = arith.constant 16 : i32
    %add3A_1134 = vector.broadcast %add3A_1133 : i32 to vector<16xi32>
    %add3A_1135 = arith.addi %xor3A_1129, %add3A_1134 : vector<16xi32>
    %select_n3A_1136 = arith.select %lt3A_1132, %add3A_1135, %xor3A_1129 : vector<16xi1>, vector<16xi32>
    %broadcast_in_dim3A_1137 = vector.shape_cast %select_n3A_1136 : vector<16xi32> to vector<16x1xi32>
    %gather3A_1138 = vector.shape_cast %broadcast_in_dim3A_1137 : vector<16x1xi32> to vector<16xi32>
    %gather3A_1139 = tpu.dynamic_gather %add3A_1126[%gather3A_1138] in [0] : vector<16xf32>, vector<16xi32> -> vector<16xf32>
    %add3A_1140 = arith.addf %add3A_1126, %gather3A_1139 : vector<16xf32>
    %div3A_1141 = arith.divf %exp3A_1084, %add3A_1140 : vector<16xf32>
    %swap3A_1142 = arith.constant 1 : i32
    %swap3A_1143 = arith.index_cast %swap3A_1142 : i32 to index
    %swap3A_1144 = arith.constant 0 : index
    %swap3A_1145 = tpu.vector_load %arg5[%swap3A_1143, %swap3A_1144] {strides = array<i32>} : memref<4x16xf32, #tpu.memory_space<vmem>>, vector<1x16xf32>,
    %swap3A_1146 = vector.shape_cast %swap3A_1145 : vector<1x16xf32> to vector<16xf32>
    %swap3A_1147 = vector.shape_cast %div3A_1141 : vector<16xf32> to vector<1x16xf32>
    tpu.vector_store %arg5[%swap3A_1143, %swap3A_1144], %swap3A_1147 {strides = array<i32>} : memref<4x16xf32, #tpu.memory_space<vmem>>, vector<1x16xf32>,
    %get3A_1148 = arith.constant 2 : i32
    %get3A_1149 = arith.index_cast %get3A_1148 : i32 to index
    %get3A_1150 = arith.constant 0 : index
    %get3A_1151 = tpu.vector_load %arg4[%get3A_1149, %get3A_1150] {strides = array<i32>} : memref<8x16xf32, #tpu.memory_space<vmem>>, vector<1x16xf32>,
    %get3A_1152 = vector.shape_cast %get3A_1151 : vector<1x16xf32> to vector<16xf32>
    %broadcast_in_dim3A_1153 = arith.constant 2 : i32
    %broadcast_in_dim3A_1154 = vector.broadcast %broadcast_in_dim3A_1153 : i32 to vector<16xi32>
    %lt3A_1155 = arith.constant 0 : i32
    %lt3A_1156 = vector.broadcast %lt3A_1155 : i32 to vector<16xi32>
    %lt3A_1157 = arith.cmpi slt, %broadcast_in_dim3A_1154, %lt3A_1156 : vector<16xi32>
    %add3A_1158 = arith.constant 16 : i32
    %add3A_1159 = vector.broadcast %add3A_1158 : i32 to vector<16xi32>
    %add3A_1160 = arith.addi %broadcast_in_dim3A_1154, %add3A_1159 : vector<16xi32>
    %select_n3A_1161 = arith.select %lt3A_1157, %add3A_1160, %broadcast_in_dim3A_1154 : vector<16xi1>, vector<16xi32>
    %broadcast_in_dim3A_1162 = vector.shape_cast %select_n3A_1161 : vector<16xi32> to vector<16x1xi32>
    %gather3A_1163 = vector.shape_cast %broadcast_in_dim3A_1162 : vector<16x1xi32> to vector<16xi32>
    %gather3A_1164 = tpu.dynamic_gather %get3A_3[%gather3A_1163] in [0] : vector<16xf32>, vector<16xi32> -> vector<16xf32>
    %broadcast_in_dim3A_1165 = arith.constant 0.000000e+00 : f32
    %broadcast_in_dim3A_1166 = vector.broadcast %broadcast_in_dim3A_1165 : f32 to vector<16xf32>
    %broadcast_in_dim3A_1167 = arith.constant 0 : i32
    %broadcast_in_dim3A_1168 = vector.broadcast %broadcast_in_dim3A_1167 : i32 to vector<16xi32>
    %lt3A_1169 = arith.constant 0 : i32
    %lt3A_1170 = vector.broadcast %lt3A_1169 : i32 to vector<16xi32>
    %lt3A_1171 = arith.cmpi slt, %broadcast_in_dim3A_1168, %lt3A_1170 : vector<16xi32>
    %add3A_1172 = arith.constant 16 : i32
    %add3A_1173 = vector.broadcast %add3A_1172 : i32 to vector<16xi32>
    %add3A_1174 = arith.addi %broadcast_in_dim3A_1168, %add3A_1173 : vector<16xi32>
    %select_n3A_1175 = arith.select %lt3A_1171, %add3A_1174, %broadcast_in_dim3A_1168 : vector<16xi1>, vector<16xi32>
    %broadcast_in_dim3A_1176 = vector.shape_cast %select_n3A_1175 : vector<16xi32> to vector<16x1xi32>
    %gather3A_1177 = vector.shape_cast %broadcast_in_dim3A_1176 : vector<16x1xi32> to vector<16xi32>
    %gather3A_1178 = tpu.dynamic_gather %get3A_1152[%gather3A_1177] in [0] : vector<16xf32>, vector<16xi32> -> vector<16xf32>
    %gt3A_1179 = arith.cmpf ogt, %gather3A_1178, %get3A_1152 : vector<16xf32>
    %eq3A_1180 = arith.cmpf oeq, %gather3A_1178, %get3A_1152 : vector<16xf32>
    %gt3A_1181 = arith.constant 0 : i32
    %gt3A_1182 = vector.broadcast %gt3A_1181 : i32 to vector<16xi32>
    %gt3A_1183 = arith.cmpi sgt, %iota3A, %gt3A_1182 : vector<16xi32>
    %and3A_1184 = arith.andi %eq3A_1180, %gt3A_1183 : vector<16xi1>
    %or3A_1185 = arith.ori %gt3A_1179, %and3A_1184 : vector<16xi1>
    %jit3A_1186 = arith.constant 1.000000e+00 : f32
    %jit3A_1187 = arith.constant 0.000000e+00 : f32
    %broadcast_in_dim3A_1188 = vector.broadcast %jit3A_1186 : f32 to vector<16xf32>
    %broadcast_in_dim3A_1189 = vector.broadcast %jit3A_1187 : f32 to vector<16xf32>
    %select_n3A_1190 = arith.select %or3A_1185, %broadcast_in_dim3A_1188, %broadcast_in_dim3A_1189 : vector<16xi1>, vector<16xf32>
    %add3A_1191 = arith.addf %broadcast_in_dim3A_1166, %select_n3A_1190 : vector<16xf32>
    %broadcast_in_dim3A_1192 = arith.constant 1 : i32
    %broadcast_in_dim3A_1193 = vector.broadcast %broadcast_in_dim3A_1192 : i32 to vector<16xi32>
    %lt3A_1194 = arith.constant 0 : i32
    %lt3A_1195 = vector.broadcast %lt3A_1194 : i32 to vector<16xi32>
    %lt3A_1196 = arith.cmpi slt, %broadcast_in_dim3A_1193, %lt3A_1195 : vector<16xi32>
    %add3A_1197 = arith.constant 16 : i32
    %add3A_1198 = vector.broadcast %add3A_1197 : i32 to vector<16xi32>
    %add3A_1199 = arith.addi %broadcast_in_dim3A_1193, %add3A_1198 : vector<16xi32>
    %select_n3A_1200 = arith.select %lt3A_1196, %add3A_1199, %broadcast_in_dim3A_1193 : vector<16xi1>, vector<16xi32>
    %broadcast_in_dim3A_1201 = vector.shape_cast %select_n3A_1200 : vector<16xi32> to vector<16x1xi32>
    %gather3A_1202 = vector.shape_cast %broadcast_in_dim3A_1201 : vector<16x1xi32> to vector<16xi32>
    %gather3A_1203 = tpu.dynamic_gather %get3A_1152[%gather3A_1202] in [0] : vector<16xf32>, vector<16xi32> -> vector<16xf32>
    %gt3A_1204 = arith.cmpf ogt, %gather3A_1203, %get3A_1152 : vector<16xf32>
    %eq3A_1205 = arith.cmpf oeq, %gather3A_1203, %get3A_1152 : vector<16xf32>
    %gt3A_1206 = arith.constant 1 : i32
    %gt3A_1207 = vector.broadcast %gt3A_1206 : i32 to vector<16xi32>
    %gt3A_1208 = arith.cmpi sgt, %iota3A, %gt3A_1207 : vector<16xi32>
    %and3A_1209 = arith.andi %eq3A_1205, %gt3A_1208 : vector<16xi1>
    %or3A_1210 = arith.ori %gt3A_1204, %and3A_1209 : vector<16xi1>
    %jit3A_1211 = arith.constant 1.000000e+00 : f32
    %jit3A_1212 = arith.constant 0.000000e+00 : f32
    %broadcast_in_dim3A_1213 = vector.broadcast %jit3A_1211 : f32 to vector<16xf32>
    %broadcast_in_dim3A_1214 = vector.broadcast %jit3A_1212 : f32 to vector<16xf32>
    %select_n3A_1215 = arith.select %or3A_1210, %broadcast_in_dim3A_1213, %broadcast_in_dim3A_1214 : vector<16xi1>, vector<16xf32>
    %add3A_1216 = arith.addf %add3A_1191, %select_n3A_1215 : vector<16xf32>
    %broadcast_in_dim3A_1217 = arith.constant 2 : i32
    %broadcast_in_dim3A_1218 = vector.broadcast %broadcast_in_dim3A_1217 : i32 to vector<16xi32>
    %lt3A_1219 = arith.constant 0 : i32
    %lt3A_1220 = vector.broadcast %lt3A_1219 : i32 to vector<16xi32>
    %lt3A_1221 = arith.cmpi slt, %broadcast_in_dim3A_1218, %lt3A_1220 : vector<16xi32>
    %add3A_1222 = arith.constant 16 : i32
    %add3A_1223 = vector.broadcast %add3A_1222 : i32 to vector<16xi32>
    %add3A_1224 = arith.addi %broadcast_in_dim3A_1218, %add3A_1223 : vector<16xi32>
    %select_n3A_1225 = arith.select %lt3A_1221, %add3A_1224, %broadcast_in_dim3A_1218 : vector<16xi1>, vector<16xi32>
    %broadcast_in_dim3A_1226 = vector.shape_cast %select_n3A_1225 : vector<16xi32> to vector<16x1xi32>
    %gather3A_1227 = vector.shape_cast %broadcast_in_dim3A_1226 : vector<16x1xi32> to vector<16xi32>
    %gather3A_1228 = tpu.dynamic_gather %get3A_1152[%gather3A_1227] in [0] : vector<16xf32>, vector<16xi32> -> vector<16xf32>
    %gt3A_1229 = arith.cmpf ogt, %gather3A_1228, %get3A_1152 : vector<16xf32>
    %eq3A_1230 = arith.cmpf oeq, %gather3A_1228, %get3A_1152 : vector<16xf32>
    %gt3A_1231 = arith.constant 2 : i32
    %gt3A_1232 = vector.broadcast %gt3A_1231 : i32 to vector<16xi32>
    %gt3A_1233 = arith.cmpi sgt, %iota3A, %gt3A_1232 : vector<16xi32>
    %and3A_1234 = arith.andi %eq3A_1230, %gt3A_1233 : vector<16xi1>
    %or3A_1235 = arith.ori %gt3A_1229, %and3A_1234 : vector<16xi1>
    %jit3A_1236 = arith.constant 1.000000e+00 : f32
    %jit3A_1237 = arith.constant 0.000000e+00 : f32
    %broadcast_in_dim3A_1238 = vector.broadcast %jit3A_1236 : f32 to vector<16xf32>
    %broadcast_in_dim3A_1239 = vector.broadcast %jit3A_1237 : f32 to vector<16xf32>
    %select_n3A_1240 = arith.select %or3A_1235, %broadcast_in_dim3A_1238, %broadcast_in_dim3A_1239 : vector<16xi1>, vector<16xf32>
    %add3A_1241 = arith.addf %add3A_1216, %select_n3A_1240 : vector<16xf32>
    %broadcast_in_dim3A_1242 = arith.constant 3 : i32
    %broadcast_in_dim3A_1243 = vector.broadcast %broadcast_in_dim3A_1242 : i32 to vector<16xi32>
    %lt3A_1244 = arith.constant 0 : i32
    %lt3A_1245 = vector.broadcast %lt3A_1244 : i32 to vector<16xi32>
    %lt3A_1246 = arith.cmpi slt, %broadcast_in_dim3A_1243, %lt3A_1245 : vector<16xi32>
    %add3A_1247 = arith.constant 16 : i32
    %add3A_1248 = vector.broadcast %add3A_1247 : i32 to vector<16xi32>
    %add3A_1249 = arith.addi %broadcast_in_dim3A_1243, %add3A_1248 : vector<16xi32>
    %select_n3A_1250 = arith.select %lt3A_1246, %add3A_1249, %broadcast_in_dim3A_1243 : vector<16xi1>, vector<16xi32>
    %broadcast_in_dim3A_1251 = vector.shape_cast %select_n3A_1250 : vector<16xi32> to vector<16x1xi32>
    %gather3A_1252 = vector.shape_cast %broadcast_in_dim3A_1251 : vector<16x1xi32> to vector<16xi32>
    %gather3A_1253 = tpu.dynamic_gather %get3A_1152[%gather3A_1252] in [0] : vector<16xf32>, vector<16xi32> -> vector<16xf32>
    %gt3A_1254 = arith.cmpf ogt, %gather3A_1253, %get3A_1152 : vector<16xf32>
    %eq3A_1255 = arith.cmpf oeq, %gather3A_1253, %get3A_1152 : vector<16xf32>
    %gt3A_1256 = arith.constant 3 : i32
    %gt3A_1257 = vector.broadcast %gt3A_1256 : i32 to vector<16xi32>
    %gt3A_1258 = arith.cmpi sgt, %iota3A, %gt3A_1257 : vector<16xi32>
    %and3A_1259 = arith.andi %eq3A_1255, %gt3A_1258 : vector<16xi1>
    %or3A_1260 = arith.ori %gt3A_1254, %and3A_1259 : vector<16xi1>
    %jit3A_1261 = arith.constant 1.000000e+00 : f32
    %jit3A_1262 = arith.constant 0.000000e+00 : f32
    %broadcast_in_dim3A_1263 = vector.broadcast %jit3A_1261 : f32 to vector<16xf32>
    %broadcast_in_dim3A_1264 = vector.broadcast %jit3A_1262 : f32 to vector<16xf32>
    %select_n3A_1265 = arith.select %or3A_1260, %broadcast_in_dim3A_1263, %broadcast_in_dim3A_1264 : vector<16xi1>, vector<16xf32>
    %add3A_1266 = arith.addf %add3A_1241, %select_n3A_1265 : vector<16xf32>
    %broadcast_in_dim3A_1267 = arith.constant 4 : i32
    %broadcast_in_dim3A_1268 = vector.broadcast %broadcast_in_dim3A_1267 : i32 to vector<16xi32>
    %lt3A_1269 = arith.constant 0 : i32
    %lt3A_1270 = vector.broadcast %lt3A_1269 : i32 to vector<16xi32>
    %lt3A_1271 = arith.cmpi slt, %broadcast_in_dim3A_1268, %lt3A_1270 : vector<16xi32>
    %add3A_1272 = arith.constant 16 : i32
    %add3A_1273 = vector.broadcast %add3A_1272 : i32 to vector<16xi32>
    %add3A_1274 = arith.addi %broadcast_in_dim3A_1268, %add3A_1273 : vector<16xi32>
    %select_n3A_1275 = arith.select %lt3A_1271, %add3A_1274, %broadcast_in_dim3A_1268 : vector<16xi1>, vector<16xi32>
    %broadcast_in_dim3A_1276 = vector.shape_cast %select_n3A_1275 : vector<16xi32> to vector<16x1xi32>
    %gather3A_1277 = vector.shape_cast %broadcast_in_dim3A_1276 : vector<16x1xi32> to vector<16xi32>
    %gather3A_1278 = tpu.dynamic_gather %get3A_1152[%gather3A_1277] in [0] : vector<16xf32>, vector<16xi32> -> vector<16xf32>
    %gt3A_1279 = arith.cmpf ogt, %gather3A_1278, %get3A_1152 : vector<16xf32>
    %eq3A_1280 = arith.cmpf oeq, %gather3A_1278, %get3A_1152 : vector<16xf32>
    %gt3A_1281 = arith.constant 4 : i32
    %gt3A_1282 = vector.broadcast %gt3A_1281 : i32 to vector<16xi32>
    %gt3A_1283 = arith.cmpi sgt, %iota3A, %gt3A_1282 : vector<16xi32>
    %and3A_1284 = arith.andi %eq3A_1280, %gt3A_1283 : vector<16xi1>
    %or3A_1285 = arith.ori %gt3A_1279, %and3A_1284 : vector<16xi1>
    %jit3A_1286 = arith.constant 1.000000e+00 : f32
    %jit3A_1287 = arith.constant 0.000000e+00 : f32
    %broadcast_in_dim3A_1288 = vector.broadcast %jit3A_1286 : f32 to vector<16xf32>
    %broadcast_in_dim3A_1289 = vector.broadcast %jit3A_1287 : f32 to vector<16xf32>
    %select_n3A_1290 = arith.select %or3A_1285, %broadcast_in_dim3A_1288, %broadcast_in_dim3A_1289 : vector<16xi1>, vector<16xf32>
    %add3A_1291 = arith.addf %add3A_1266, %select_n3A_1290 : vector<16xf32>
    %broadcast_in_dim3A_1292 = arith.constant 5 : i32
    %broadcast_in_dim3A_1293 = vector.broadcast %broadcast_in_dim3A_1292 : i32 to vector<16xi32>
    %lt3A_1294 = arith.constant 0 : i32
    %lt3A_1295 = vector.broadcast %lt3A_1294 : i32 to vector<16xi32>
    %lt3A_1296 = arith.cmpi slt, %broadcast_in_dim3A_1293, %lt3A_1295 : vector<16xi32>
    %add3A_1297 = arith.constant 16 : i32
    %add3A_1298 = vector.broadcast %add3A_1297 : i32 to vector<16xi32>
    %add3A_1299 = arith.addi %broadcast_in_dim3A_1293, %add3A_1298 : vector<16xi32>
    %select_n3A_1300 = arith.select %lt3A_1296, %add3A_1299, %broadcast_in_dim3A_1293 : vector<16xi1>, vector<16xi32>
    %broadcast_in_dim3A_1301 = vector.shape_cast %select_n3A_1300 : vector<16xi32> to vector<16x1xi32>
    %gather3A_1302 = vector.shape_cast %broadcast_in_dim3A_1301 : vector<16x1xi32> to vector<16xi32>
    %gather3A_1303 = tpu.dynamic_gather %get3A_1152[%gather3A_1302] in [0] : vector<16xf32>, vector<16xi32> -> vector<16xf32>
    %gt3A_1304 = arith.cmpf ogt, %gather3A_1303, %get3A_1152 : vector<16xf32>
    %eq3A_1305 = arith.cmpf oeq, %gather3A_1303, %get3A_1152 : vector<16xf32>
    %gt3A_1306 = arith.constant 5 : i32
    %gt3A_1307 = vector.broadcast %gt3A_1306 : i32 to vector<16xi32>
    %gt3A_1308 = arith.cmpi sgt, %iota3A, %gt3A_1307 : vector<16xi32>
    %and3A_1309 = arith.andi %eq3A_1305, %gt3A_1308 : vector<16xi1>
    %or3A_1310 = arith.ori %gt3A_1304, %and3A_1309 : vector<16xi1>
    %jit3A_1311 = arith.constant 1.000000e+00 : f32
    %jit3A_1312 = arith.constant 0.000000e+00 : f32
    %broadcast_in_dim3A_1313 = vector.broadcast %jit3A_1311 : f32 to vector<16xf32>
    %broadcast_in_dim3A_1314 = vector.broadcast %jit3A_1312 : f32 to vector<16xf32>
    %select_n3A_1315 = arith.select %or3A_1310, %broadcast_in_dim3A_1313, %broadcast_in_dim3A_1314 : vector<16xi1>, vector<16xf32>
    %add3A_1316 = arith.addf %add3A_1291, %select_n3A_1315 : vector<16xf32>
    %broadcast_in_dim3A_1317 = arith.constant 6 : i32
    %broadcast_in_dim3A_1318 = vector.broadcast %broadcast_in_dim3A_1317 : i32 to vector<16xi32>
    %lt3A_1319 = arith.constant 0 : i32
    %lt3A_1320 = vector.broadcast %lt3A_1319 : i32 to vector<16xi32>
    %lt3A_1321 = arith.cmpi slt, %broadcast_in_dim3A_1318, %lt3A_1320 : vector<16xi32>
    %add3A_1322 = arith.constant 16 : i32
    %add3A_1323 = vector.broadcast %add3A_1322 : i32 to vector<16xi32>
    %add3A_1324 = arith.addi %broadcast_in_dim3A_1318, %add3A_1323 : vector<16xi32>
    %select_n3A_1325 = arith.select %lt3A_1321, %add3A_1324, %broadcast_in_dim3A_1318 : vector<16xi1>, vector<16xi32>
    %broadcast_in_dim3A_1326 = vector.shape_cast %select_n3A_1325 : vector<16xi32> to vector<16x1xi32>
    %gather3A_1327 = vector.shape_cast %broadcast_in_dim3A_1326 : vector<16x1xi32> to vector<16xi32>
    %gather3A_1328 = tpu.dynamic_gather %get3A_1152[%gather3A_1327] in [0] : vector<16xf32>, vector<16xi32> -> vector<16xf32>
    %gt3A_1329 = arith.cmpf ogt, %gather3A_1328, %get3A_1152 : vector<16xf32>
    %eq3A_1330 = arith.cmpf oeq, %gather3A_1328, %get3A_1152 : vector<16xf32>
    %gt3A_1331 = arith.constant 6 : i32
    %gt3A_1332 = vector.broadcast %gt3A_1331 : i32 to vector<16xi32>
    %gt3A_1333 = arith.cmpi sgt, %iota3A, %gt3A_1332 : vector<16xi32>
    %and3A_1334 = arith.andi %eq3A_1330, %gt3A_1333 : vector<16xi1>
    %or3A_1335 = arith.ori %gt3A_1329, %and3A_1334 : vector<16xi1>
    %jit3A_1336 = arith.constant 1.000000e+00 : f32
    %jit3A_1337 = arith.constant 0.000000e+00 : f32
    %broadcast_in_dim3A_1338 = vector.broadcast %jit3A_1336 : f32 to vector<16xf32>
    %broadcast_in_dim3A_1339 = vector.broadcast %jit3A_1337 : f32 to vector<16xf32>
    %select_n3A_1340 = arith.select %or3A_1335, %broadcast_in_dim3A_1338, %broadcast_in_dim3A_1339 : vector<16xi1>, vector<16xf32>
    %add3A_1341 = arith.addf %add3A_1316, %select_n3A_1340 : vector<16xf32>
    %broadcast_in_dim3A_1342 = arith.constant 7 : i32
    %broadcast_in_dim3A_1343 = vector.broadcast %broadcast_in_dim3A_1342 : i32 to vector<16xi32>
    %lt3A_1344 = arith.constant 0 : i32
    %lt3A_1345 = vector.broadcast %lt3A_1344 : i32 to vector<16xi32>
    %lt3A_1346 = arith.cmpi slt, %broadcast_in_dim3A_1343, %lt3A_1345 : vector<16xi32>
    %add3A_1347 = arith.constant 16 : i32
    %add3A_1348 = vector.broadcast %add3A_1347 : i32 to vector<16xi32>
    %add3A_1349 = arith.addi %broadcast_in_dim3A_1343, %add3A_1348 : vector<16xi32>
    %select_n3A_1350 = arith.select %lt3A_1346, %add3A_1349, %broadcast_in_dim3A_1343 : vector<16xi1>, vector<16xi32>
    %broadcast_in_dim3A_1351 = vector.shape_cast %select_n3A_1350 : vector<16xi32> to vector<16x1xi32>
    %gather3A_1352 = vector.shape_cast %broadcast_in_dim3A_1351 : vector<16x1xi32> to vector<16xi32>
    %gather3A_1353 = tpu.dynamic_gather %get3A_1152[%gather3A_1352] in [0] : vector<16xf32>, vector<16xi32> -> vector<16xf32>
    %gt3A_1354 = arith.cmpf ogt, %gather3A_1353, %get3A_1152 : vector<16xf32>
    %eq3A_1355 = arith.cmpf oeq, %gather3A_1353, %get3A_1152 : vector<16xf32>
    %gt3A_1356 = arith.constant 7 : i32
    %gt3A_1357 = vector.broadcast %gt3A_1356 : i32 to vector<16xi32>
    %gt3A_1358 = arith.cmpi sgt, %iota3A, %gt3A_1357 : vector<16xi32>
    %and3A_1359 = arith.andi %eq3A_1355, %gt3A_1358 : vector<16xi1>
    %or3A_1360 = arith.ori %gt3A_1354, %and3A_1359 : vector<16xi1>
    %jit3A_1361 = arith.constant 1.000000e+00 : f32
    %jit3A_1362 = arith.constant 0.000000e+00 : f32
    %broadcast_in_dim3A_1363 = vector.broadcast %jit3A_1361 : f32 to vector<16xf32>
    %broadcast_in_dim3A_1364 = vector.broadcast %jit3A_1362 : f32 to vector<16xf32>
    %select_n3A_1365 = arith.select %or3A_1360, %broadcast_in_dim3A_1363, %broadcast_in_dim3A_1364 : vector<16xi1>, vector<16xf32>
    %add3A_1366 = arith.addf %add3A_1341, %select_n3A_1365 : vector<16xf32>
    %broadcast_in_dim3A_1367 = arith.constant 8 : i32
    %broadcast_in_dim3A_1368 = vector.broadcast %broadcast_in_dim3A_1367 : i32 to vector<16xi32>
    %lt3A_1369 = arith.constant 0 : i32
    %lt3A_1370 = vector.broadcast %lt3A_1369 : i32 to vector<16xi32>
    %lt3A_1371 = arith.cmpi slt, %broadcast_in_dim3A_1368, %lt3A_1370 : vector<16xi32>
    %add3A_1372 = arith.constant 16 : i32
    %add3A_1373 = vector.broadcast %add3A_1372 : i32 to vector<16xi32>
    %add3A_1374 = arith.addi %broadcast_in_dim3A_1368, %add3A_1373 : vector<16xi32>
    %select_n3A_1375 = arith.select %lt3A_1371, %add3A_1374, %broadcast_in_dim3A_1368 : vector<16xi1>, vector<16xi32>
    %broadcast_in_dim3A_1376 = vector.shape_cast %select_n3A_1375 : vector<16xi32> to vector<16x1xi32>
    %gather3A_1377 = vector.shape_cast %broadcast_in_dim3A_1376 : vector<16x1xi32> to vector<16xi32>
    %gather3A_1378 = tpu.dynamic_gather %get3A_1152[%gather3A_1377] in [0] : vector<16xf32>, vector<16xi32> -> vector<16xf32>
    %gt3A_1379 = arith.cmpf ogt, %gather3A_1378, %get3A_1152 : vector<16xf32>
    %eq3A_1380 = arith.cmpf oeq, %gather3A_1378, %get3A_1152 : vector<16xf32>
    %gt3A_1381 = arith.constant 8 : i32
    %gt3A_1382 = vector.broadcast %gt3A_1381 : i32 to vector<16xi32>
    %gt3A_1383 = arith.cmpi sgt, %iota3A, %gt3A_1382 : vector<16xi32>
    %and3A_1384 = arith.andi %eq3A_1380, %gt3A_1383 : vector<16xi1>
    %or3A_1385 = arith.ori %gt3A_1379, %and3A_1384 : vector<16xi1>
    %jit3A_1386 = arith.constant 1.000000e+00 : f32
    %jit3A_1387 = arith.constant 0.000000e+00 : f32
    %broadcast_in_dim3A_1388 = vector.broadcast %jit3A_1386 : f32 to vector<16xf32>
    %broadcast_in_dim3A_1389 = vector.broadcast %jit3A_1387 : f32 to vector<16xf32>
    %select_n3A_1390 = arith.select %or3A_1385, %broadcast_in_dim3A_1388, %broadcast_in_dim3A_1389 : vector<16xi1>, vector<16xf32>
    %add3A_1391 = arith.addf %add3A_1366, %select_n3A_1390 : vector<16xf32>
    %broadcast_in_dim3A_1392 = arith.constant 9 : i32
    %broadcast_in_dim3A_1393 = vector.broadcast %broadcast_in_dim3A_1392 : i32 to vector<16xi32>
    %lt3A_1394 = arith.constant 0 : i32
    %lt3A_1395 = vector.broadcast %lt3A_1394 : i32 to vector<16xi32>
    %lt3A_1396 = arith.cmpi slt, %broadcast_in_dim3A_1393, %lt3A_1395 : vector<16xi32>
    %add3A_1397 = arith.constant 16 : i32
    %add3A_1398 = vector.broadcast %add3A_1397 : i32 to vector<16xi32>
    %add3A_1399 = arith.addi %broadcast_in_dim3A_1393, %add3A_1398 : vector<16xi32>
    %select_n3A_1400 = arith.select %lt3A_1396, %add3A_1399, %broadcast_in_dim3A_1393 : vector<16xi1>, vector<16xi32>
    %broadcast_in_dim3A_1401 = vector.shape_cast %select_n3A_1400 : vector<16xi32> to vector<16x1xi32>
    %gather3A_1402 = vector.shape_cast %broadcast_in_dim3A_1401 : vector<16x1xi32> to vector<16xi32>
    %gather3A_1403 = tpu.dynamic_gather %get3A_1152[%gather3A_1402] in [0] : vector<16xf32>, vector<16xi32> -> vector<16xf32>
    %gt3A_1404 = arith.cmpf ogt, %gather3A_1403, %get3A_1152 : vector<16xf32>
    %eq3A_1405 = arith.cmpf oeq, %gather3A_1403, %get3A_1152 : vector<16xf32>
    %gt3A_1406 = arith.constant 9 : i32
    %gt3A_1407 = vector.broadcast %gt3A_1406 : i32 to vector<16xi32>
    %gt3A_1408 = arith.cmpi sgt, %iota3A, %gt3A_1407 : vector<16xi32>
    %and3A_1409 = arith.andi %eq3A_1405, %gt3A_1408 : vector<16xi1>
    %or3A_1410 = arith.ori %gt3A_1404, %and3A_1409 : vector<16xi1>
    %jit3A_1411 = arith.constant 1.000000e+00 : f32
    %jit3A_1412 = arith.constant 0.000000e+00 : f32
    %broadcast_in_dim3A_1413 = vector.broadcast %jit3A_1411 : f32 to vector<16xf32>
    %broadcast_in_dim3A_1414 = vector.broadcast %jit3A_1412 : f32 to vector<16xf32>
    %select_n3A_1415 = arith.select %or3A_1410, %broadcast_in_dim3A_1413, %broadcast_in_dim3A_1414 : vector<16xi1>, vector<16xf32>
    %add3A_1416 = arith.addf %add3A_1391, %select_n3A_1415 : vector<16xf32>
    %broadcast_in_dim3A_1417 = arith.constant 10 : i32
    %broadcast_in_dim3A_1418 = vector.broadcast %broadcast_in_dim3A_1417 : i32 to vector<16xi32>
    %lt3A_1419 = arith.constant 0 : i32
    %lt3A_1420 = vector.broadcast %lt3A_1419 : i32 to vector<16xi32>
    %lt3A_1421 = arith.cmpi slt, %broadcast_in_dim3A_1418, %lt3A_1420 : vector<16xi32>
    %add3A_1422 = arith.constant 16 : i32
    %add3A_1423 = vector.broadcast %add3A_1422 : i32 to vector<16xi32>
    %add3A_1424 = arith.addi %broadcast_in_dim3A_1418, %add3A_1423 : vector<16xi32>
    %select_n3A_1425 = arith.select %lt3A_1421, %add3A_1424, %broadcast_in_dim3A_1418 : vector<16xi1>, vector<16xi32>
    %broadcast_in_dim3A_1426 = vector.shape_cast %select_n3A_1425 : vector<16xi32> to vector<16x1xi32>
    %gather3A_1427 = vector.shape_cast %broadcast_in_dim3A_1426 : vector<16x1xi32> to vector<16xi32>
    %gather3A_1428 = tpu.dynamic_gather %get3A_1152[%gather3A_1427] in [0] : vector<16xf32>, vector<16xi32> -> vector<16xf32>
    %gt3A_1429 = arith.cmpf ogt, %gather3A_1428, %get3A_1152 : vector<16xf32>
    %eq3A_1430 = arith.cmpf oeq, %gather3A_1428, %get3A_1152 : vector<16xf32>
    %gt3A_1431 = arith.constant 10 : i32
    %gt3A_1432 = vector.broadcast %gt3A_1431 : i32 to vector<16xi32>
    %gt3A_1433 = arith.cmpi sgt, %iota3A, %gt3A_1432 : vector<16xi32>
    %and3A_1434 = arith.andi %eq3A_1430, %gt3A_1433 : vector<16xi1>
    %or3A_1435 = arith.ori %gt3A_1429, %and3A_1434 : vector<16xi1>
    %jit3A_1436 = arith.constant 1.000000e+00 : f32
    %jit3A_1437 = arith.constant 0.000000e+00 : f32
    %broadcast_in_dim3A_1438 = vector.broadcast %jit3A_1436 : f32 to vector<16xf32>
    %broadcast_in_dim3A_1439 = vector.broadcast %jit3A_1437 : f32 to vector<16xf32>
    %select_n3A_1440 = arith.select %or3A_1435, %broadcast_in_dim3A_1438, %broadcast_in_dim3A_1439 : vector<16xi1>, vector<16xf32>
    %add3A_1441 = arith.addf %add3A_1416, %select_n3A_1440 : vector<16xf32>
    %broadcast_in_dim3A_1442 = arith.constant 11 : i32
    %broadcast_in_dim3A_1443 = vector.broadcast %broadcast_in_dim3A_1442 : i32 to vector<16xi32>
    %lt3A_1444 = arith.constant 0 : i32
    %lt3A_1445 = vector.broadcast %lt3A_1444 : i32 to vector<16xi32>
    %lt3A_1446 = arith.cmpi slt, %broadcast_in_dim3A_1443, %lt3A_1445 : vector<16xi32>
    %add3A_1447 = arith.constant 16 : i32
    %add3A_1448 = vector.broadcast %add3A_1447 : i32 to vector<16xi32>
    %add3A_1449 = arith.addi %broadcast_in_dim3A_1443, %add3A_1448 : vector<16xi32>
    %select_n3A_1450 = arith.select %lt3A_1446, %add3A_1449, %broadcast_in_dim3A_1443 : vector<16xi1>, vector<16xi32>
    %broadcast_in_dim3A_1451 = vector.shape_cast %select_n3A_1450 : vector<16xi32> to vector<16x1xi32>
    %gather3A_1452 = vector.shape_cast %broadcast_in_dim3A_1451 : vector<16x1xi32> to vector<16xi32>
    %gather3A_1453 = tpu.dynamic_gather %get3A_1152[%gather3A_1452] in [0] : vector<16xf32>, vector<16xi32> -> vector<16xf32>
    %gt3A_1454 = arith.cmpf ogt, %gather3A_1453, %get3A_1152 : vector<16xf32>
    %eq3A_1455 = arith.cmpf oeq, %gather3A_1453, %get3A_1152 : vector<16xf32>
    %gt3A_1456 = arith.constant 11 : i32
    %gt3A_1457 = vector.broadcast %gt3A_1456 : i32 to vector<16xi32>
    %gt3A_1458 = arith.cmpi sgt, %iota3A, %gt3A_1457 : vector<16xi32>
    %and3A_1459 = arith.andi %eq3A_1455, %gt3A_1458 : vector<16xi1>
    %or3A_1460 = arith.ori %gt3A_1454, %and3A_1459 : vector<16xi1>
    %jit3A_1461 = arith.constant 1.000000e+00 : f32
    %jit3A_1462 = arith.constant 0.000000e+00 : f32
    %broadcast_in_dim3A_1463 = vector.broadcast %jit3A_1461 : f32 to vector<16xf32>
    %broadcast_in_dim3A_1464 = vector.broadcast %jit3A_1462 : f32 to vector<16xf32>
    %select_n3A_1465 = arith.select %or3A_1460, %broadcast_in_dim3A_1463, %broadcast_in_dim3A_1464 : vector<16xi1>, vector<16xf32>
    %add3A_1466 = arith.addf %add3A_1441, %select_n3A_1465 : vector<16xf32>
    %broadcast_in_dim3A_1467 = arith.constant 12 : i32
    %broadcast_in_dim3A_1468 = vector.broadcast %broadcast_in_dim3A_1467 : i32 to vector<16xi32>
    %lt3A_1469 = arith.constant 0 : i32
    %lt3A_1470 = vector.broadcast %lt3A_1469 : i32 to vector<16xi32>
    %lt3A_1471 = arith.cmpi slt, %broadcast_in_dim3A_1468, %lt3A_1470 : vector<16xi32>
    %add3A_1472 = arith.constant 16 : i32
    %add3A_1473 = vector.broadcast %add3A_1472 : i32 to vector<16xi32>
    %add3A_1474 = arith.addi %broadcast_in_dim3A_1468, %add3A_1473 : vector<16xi32>
    %select_n3A_1475 = arith.select %lt3A_1471, %add3A_1474, %broadcast_in_dim3A_1468 : vector<16xi1>, vector<16xi32>
    %broadcast_in_dim3A_1476 = vector.shape_cast %select_n3A_1475 : vector<16xi32> to vector<16x1xi32>
    %gather3A_1477 = vector.shape_cast %broadcast_in_dim3A_1476 : vector<16x1xi32> to vector<16xi32>
    %gather3A_1478 = tpu.dynamic_gather %get3A_1152[%gather3A_1477] in [0] : vector<16xf32>, vector<16xi32> -> vector<16xf32>
    %gt3A_1479 = arith.cmpf ogt, %gather3A_1478, %get3A_1152 : vector<16xf32>
    %eq3A_1480 = arith.cmpf oeq, %gather3A_1478, %get3A_1152 : vector<16xf32>
    %gt3A_1481 = arith.constant 12 : i32
    %gt3A_1482 = vector.broadcast %gt3A_1481 : i32 to vector<16xi32>
    %gt3A_1483 = arith.cmpi sgt, %iota3A, %gt3A_1482 : vector<16xi32>
    %and3A_1484 = arith.andi %eq3A_1480, %gt3A_1483 : vector<16xi1>
    %or3A_1485 = arith.ori %gt3A_1479, %and3A_1484 : vector<16xi1>
    %jit3A_1486 = arith.constant 1.000000e+00 : f32
    %jit3A_1487 = arith.constant 0.000000e+00 : f32
    %broadcast_in_dim3A_1488 = vector.broadcast %jit3A_1486 : f32 to vector<16xf32>
    %broadcast_in_dim3A_1489 = vector.broadcast %jit3A_1487 : f32 to vector<16xf32>
    %select_n3A_1490 = arith.select %or3A_1485, %broadcast_in_dim3A_1488, %broadcast_in_dim3A_1489 : vector<16xi1>, vector<16xf32>
    %add3A_1491 = arith.addf %add3A_1466, %select_n3A_1490 : vector<16xf32>
    %broadcast_in_dim3A_1492 = arith.constant 13 : i32
    %broadcast_in_dim3A_1493 = vector.broadcast %broadcast_in_dim3A_1492 : i32 to vector<16xi32>
    %lt3A_1494 = arith.constant 0 : i32
    %lt3A_1495 = vector.broadcast %lt3A_1494 : i32 to vector<16xi32>
    %lt3A_1496 = arith.cmpi slt, %broadcast_in_dim3A_1493, %lt3A_1495 : vector<16xi32>
    %add3A_1497 = arith.constant 16 : i32
    %add3A_1498 = vector.broadcast %add3A_1497 : i32 to vector<16xi32>
    %add3A_1499 = arith.addi %broadcast_in_dim3A_1493, %add3A_1498 : vector<16xi32>
    %select_n3A_1500 = arith.select %lt3A_1496, %add3A_1499, %broadcast_in_dim3A_1493 : vector<16xi1>, vector<16xi32>
    %broadcast_in_dim3A_1501 = vector.shape_cast %select_n3A_1500 : vector<16xi32> to vector<16x1xi32>
    %gather3A_1502 = vector.shape_cast %broadcast_in_dim3A_1501 : vector<16x1xi32> to vector<16xi32>
    %gather3A_1503 = tpu.dynamic_gather %get3A_1152[%gather3A_1502] in [0] : vector<16xf32>, vector<16xi32> -> vector<16xf32>
    %gt3A_1504 = arith.cmpf ogt, %gather3A_1503, %get3A_1152 : vector<16xf32>
    %eq3A_1505 = arith.cmpf oeq, %gather3A_1503, %get3A_1152 : vector<16xf32>
    %gt3A_1506 = arith.constant 13 : i32
    %gt3A_1507 = vector.broadcast %gt3A_1506 : i32 to vector<16xi32>
    %gt3A_1508 = arith.cmpi sgt, %iota3A, %gt3A_1507 : vector<16xi32>
    %and3A_1509 = arith.andi %eq3A_1505, %gt3A_1508 : vector<16xi1>
    %or3A_1510 = arith.ori %gt3A_1504, %and3A_1509 : vector<16xi1>
    %jit3A_1511 = arith.constant 1.000000e+00 : f32
    %jit3A_1512 = arith.constant 0.000000e+00 : f32
    %broadcast_in_dim3A_1513 = vector.broadcast %jit3A_1511 : f32 to vector<16xf32>
    %broadcast_in_dim3A_1514 = vector.broadcast %jit3A_1512 : f32 to vector<16xf32>
    %select_n3A_1515 = arith.select %or3A_1510, %broadcast_in_dim3A_1513, %broadcast_in_dim3A_1514 : vector<16xi1>, vector<16xf32>
    %add3A_1516 = arith.addf %add3A_1491, %select_n3A_1515 : vector<16xf32>
    %broadcast_in_dim3A_1517 = arith.constant 14 : i32
    %broadcast_in_dim3A_1518 = vector.broadcast %broadcast_in_dim3A_1517 : i32 to vector<16xi32>
    %lt3A_1519 = arith.constant 0 : i32
    %lt3A_1520 = vector.broadcast %lt3A_1519 : i32 to vector<16xi32>
    %lt3A_1521 = arith.cmpi slt, %broadcast_in_dim3A_1518, %lt3A_1520 : vector<16xi32>
    %add3A_1522 = arith.constant 16 : i32
    %add3A_1523 = vector.broadcast %add3A_1522 : i32 to vector<16xi32>
    %add3A_1524 = arith.addi %broadcast_in_dim3A_1518, %add3A_1523 : vector<16xi32>
    %select_n3A_1525 = arith.select %lt3A_1521, %add3A_1524, %broadcast_in_dim3A_1518 : vector<16xi1>, vector<16xi32>
    %broadcast_in_dim3A_1526 = vector.shape_cast %select_n3A_1525 : vector<16xi32> to vector<16x1xi32>
    %gather3A_1527 = vector.shape_cast %broadcast_in_dim3A_1526 : vector<16x1xi32> to vector<16xi32>
    %gather3A_1528 = tpu.dynamic_gather %get3A_1152[%gather3A_1527] in [0] : vector<16xf32>, vector<16xi32> -> vector<16xf32>
    %gt3A_1529 = arith.cmpf ogt, %gather3A_1528, %get3A_1152 : vector<16xf32>
    %eq3A_1530 = arith.cmpf oeq, %gather3A_1528, %get3A_1152 : vector<16xf32>
    %gt3A_1531 = arith.constant 14 : i32
    %gt3A_1532 = vector.broadcast %gt3A_1531 : i32 to vector<16xi32>
    %gt3A_1533 = arith.cmpi sgt, %iota3A, %gt3A_1532 : vector<16xi32>
    %and3A_1534 = arith.andi %eq3A_1530, %gt3A_1533 : vector<16xi1>
    %or3A_1535 = arith.ori %gt3A_1529, %and3A_1534 : vector<16xi1>
    %jit3A_1536 = arith.constant 1.000000e+00 : f32
    %jit3A_1537 = arith.constant 0.000000e+00 : f32
    %broadcast_in_dim3A_1538 = vector.broadcast %jit3A_1536 : f32 to vector<16xf32>
    %broadcast_in_dim3A_1539 = vector.broadcast %jit3A_1537 : f32 to vector<16xf32>
    %select_n3A_1540 = arith.select %or3A_1535, %broadcast_in_dim3A_1538, %broadcast_in_dim3A_1539 : vector<16xi1>, vector<16xf32>
    %add3A_1541 = arith.addf %add3A_1516, %select_n3A_1540 : vector<16xf32>
    %broadcast_in_dim3A_1542 = arith.constant 15 : i32
    %broadcast_in_dim3A_1543 = vector.broadcast %broadcast_in_dim3A_1542 : i32 to vector<16xi32>
    %lt3A_1544 = arith.constant 0 : i32
    %lt3A_1545 = vector.broadcast %lt3A_1544 : i32 to vector<16xi32>
    %lt3A_1546 = arith.cmpi slt, %broadcast_in_dim3A_1543, %lt3A_1545 : vector<16xi32>
    %add3A_1547 = arith.constant 16 : i32
    %add3A_1548 = vector.broadcast %add3A_1547 : i32 to vector<16xi32>
    %add3A_1549 = arith.addi %broadcast_in_dim3A_1543, %add3A_1548 : vector<16xi32>
    %select_n3A_1550 = arith.select %lt3A_1546, %add3A_1549, %broadcast_in_dim3A_1543 : vector<16xi1>, vector<16xi32>
    %broadcast_in_dim3A_1551 = vector.shape_cast %select_n3A_1550 : vector<16xi32> to vector<16x1xi32>
    %gather3A_1552 = vector.shape_cast %broadcast_in_dim3A_1551 : vector<16x1xi32> to vector<16xi32>
    %gather3A_1553 = tpu.dynamic_gather %get3A_1152[%gather3A_1552] in [0] : vector<16xf32>, vector<16xi32> -> vector<16xf32>
    %gt3A_1554 = arith.cmpf ogt, %gather3A_1553, %get3A_1152 : vector<16xf32>
    %eq3A_1555 = arith.cmpf oeq, %gather3A_1553, %get3A_1152 : vector<16xf32>
    %gt3A_1556 = arith.constant 15 : i32
    %gt3A_1557 = vector.broadcast %gt3A_1556 : i32 to vector<16xi32>
    %gt3A_1558 = arith.cmpi sgt, %iota3A, %gt3A_1557 : vector<16xi32>
    %and3A_1559 = arith.andi %eq3A_1555, %gt3A_1558 : vector<16xi1>
    %or3A_1560 = arith.ori %gt3A_1554, %and3A_1559 : vector<16xi1>
    %jit3A_1561 = arith.constant 1.000000e+00 : f32
    %jit3A_1562 = arith.constant 0.000000e+00 : f32
    %broadcast_in_dim3A_1563 = vector.broadcast %jit3A_1561 : f32 to vector<16xf32>
    %broadcast_in_dim3A_1564 = vector.broadcast %jit3A_1562 : f32 to vector<16xf32>
    %select_n3A_1565 = arith.select %or3A_1560, %broadcast_in_dim3A_1563, %broadcast_in_dim3A_1564 : vector<16xi1>, vector<16xf32>
    %add3A_1566 = arith.addf %add3A_1541, %select_n3A_1565 : vector<16xf32>
    %lt3A_1567 = arith.cmpf olt, %add3A_1566, %gather3A_1164 : vector<16xf32>
    %jit3A_1568 = arith.constant 0.000000e+00 : f32
    %broadcast_in_dim3A_1569 = vector.broadcast %jit3A_1568 : f32 to vector<16xf32>
    %select_n3A_1570 = arith.select %lt3A_1567, %get3A_1152, %broadcast_in_dim3A_1569 : vector<16xi1>, vector<16xf32>
    %eq3A_1571 = arith.constant 0 : i32
    %eq3A_1572 = vector.broadcast %eq3A_1571 : i32 to vector<16xi32>
    %eq3A_1573 = arith.cmpi eq, %iota3A, %eq3A_1572 : vector<16xi32>
    %lt3A_1574 = arith.cmpf olt, %gather3A_1164, %max3A_52 : vector<16xf32>
    %and3A_1575 = arith.andi %eq3A_1573, %lt3A_1574 : vector<16xi1>
    %jit3A_1576 = arith.constant 0.000000e+00 : f32
    %broadcast_in_dim3A_1577 = vector.broadcast %jit3A_1576 : f32 to vector<16xf32>
    %select_n3A_1578 = arith.select %and3A_1575, %broadcast_in_dim3A_1577, %select_n3A_1570 : vector<16xi1>, vector<16xf32>
    %xor3A_1579 = arith.constant 8 : i32
    %xor3A_1580 = vector.broadcast %xor3A_1579 : i32 to vector<16xi32>
    %xor3A_1581 = arith.xori %iota3A, %xor3A_1580 : vector<16xi32>
    %lt3A_1582 = arith.constant 0 : i32
    %lt3A_1583 = vector.broadcast %lt3A_1582 : i32 to vector<16xi32>
    %lt3A_1584 = arith.cmpi slt, %xor3A_1581, %lt3A_1583 : vector<16xi32>
    %add3A_1585 = arith.constant 16 : i32
    %add3A_1586 = vector.broadcast %add3A_1585 : i32 to vector<16xi32>
    %add3A_1587 = arith.addi %xor3A_1581, %add3A_1586 : vector<16xi32>
    %select_n3A_1588 = arith.select %lt3A_1584, %add3A_1587, %xor3A_1581 : vector<16xi1>, vector<16xi32>
    %broadcast_in_dim3A_1589 = vector.shape_cast %select_n3A_1588 : vector<16xi32> to vector<16x1xi32>
    %gather3A_1590 = vector.shape_cast %broadcast_in_dim3A_1589 : vector<16x1xi32> to vector<16xi32>
    %gather3A_1591 = tpu.dynamic_gather %select_n3A_1578[%gather3A_1590] in [0] : vector<16xf32>, vector<16xi32> -> vector<16xf32>
    %max3A_1592 = arith.maximumf %select_n3A_1578, %gather3A_1591 : vector<16xf32>
    %xor3A_1593 = arith.constant 4 : i32
    %xor3A_1594 = vector.broadcast %xor3A_1593 : i32 to vector<16xi32>
    %xor3A_1595 = arith.xori %iota3A, %xor3A_1594 : vector<16xi32>
    %lt3A_1596 = arith.constant 0 : i32
    %lt3A_1597 = vector.broadcast %lt3A_1596 : i32 to vector<16xi32>
    %lt3A_1598 = arith.cmpi slt, %xor3A_1595, %lt3A_1597 : vector<16xi32>
    %add3A_1599 = arith.constant 16 : i32
    %add3A_1600 = vector.broadcast %add3A_1599 : i32 to vector<16xi32>
    %add3A_1601 = arith.addi %xor3A_1595, %add3A_1600 : vector<16xi32>
    %select_n3A_1602 = arith.select %lt3A_1598, %add3A_1601, %xor3A_1595 : vector<16xi1>, vector<16xi32>
    %broadcast_in_dim3A_1603 = vector.shape_cast %select_n3A_1602 : vector<16xi32> to vector<16x1xi32>
    %gather3A_1604 = vector.shape_cast %broadcast_in_dim3A_1603 : vector<16x1xi32> to vector<16xi32>
    %gather3A_1605 = tpu.dynamic_gather %max3A_1592[%gather3A_1604] in [0] : vector<16xf32>, vector<16xi32> -> vector<16xf32>
    %max3A_1606 = arith.maximumf %max3A_1592, %gather3A_1605 : vector<16xf32>
    %xor3A_1607 = arith.constant 2 : i32
    %xor3A_1608 = vector.broadcast %xor3A_1607 : i32 to vector<16xi32>
    %xor3A_1609 = arith.xori %iota3A, %xor3A_1608 : vector<16xi32>
    %lt3A_1610 = arith.constant 0 : i32
    %lt3A_1611 = vector.broadcast %lt3A_1610 : i32 to vector<16xi32>
    %lt3A_1612 = arith.cmpi slt, %xor3A_1609, %lt3A_1611 : vector<16xi32>
    %add3A_1613 = arith.constant 16 : i32
    %add3A_1614 = vector.broadcast %add3A_1613 : i32 to vector<16xi32>
    %add3A_1615 = arith.addi %xor3A_1609, %add3A_1614 : vector<16xi32>
    %select_n3A_1616 = arith.select %lt3A_1612, %add3A_1615, %xor3A_1609 : vector<16xi1>, vector<16xi32>
    %broadcast_in_dim3A_1617 = vector.shape_cast %select_n3A_1616 : vector<16xi32> to vector<16x1xi32>
    %gather3A_1618 = vector.shape_cast %broadcast_in_dim3A_1617 : vector<16x1xi32> to vector<16xi32>
    %gather3A_1619 = tpu.dynamic_gather %max3A_1606[%gather3A_1618] in [0] : vector<16xf32>, vector<16xi32> -> vector<16xf32>
    %max3A_1620 = arith.maximumf %max3A_1606, %gather3A_1619 : vector<16xf32>
    %xor3A_1621 = arith.constant 1 : i32
    %xor3A_1622 = vector.broadcast %xor3A_1621 : i32 to vector<16xi32>
    %xor3A_1623 = arith.xori %iota3A, %xor3A_1622 : vector<16xi32>
    %lt3A_1624 = arith.constant 0 : i32
    %lt3A_1625 = vector.broadcast %lt3A_1624 : i32 to vector<16xi32>
    %lt3A_1626 = arith.cmpi slt, %xor3A_1623, %lt3A_1625 : vector<16xi32>
    %add3A_1627 = arith.constant 16 : i32
    %add3A_1628 = vector.broadcast %add3A_1627 : i32 to vector<16xi32>
    %add3A_1629 = arith.addi %xor3A_1623, %add3A_1628 : vector<16xi32>
    %select_n3A_1630 = arith.select %lt3A_1626, %add3A_1629, %xor3A_1623 : vector<16xi1>, vector<16xi32>
    %broadcast_in_dim3A_1631 = vector.shape_cast %select_n3A_1630 : vector<16xi32> to vector<16x1xi32>
    %gather3A_1632 = vector.shape_cast %broadcast_in_dim3A_1631 : vector<16x1xi32> to vector<16xi32>
    %gather3A_1633 = tpu.dynamic_gather %max3A_1620[%gather3A_1632] in [0] : vector<16xf32>, vector<16xi32> -> vector<16xf32>
    %max3A_1634 = arith.maximumf %max3A_1620, %gather3A_1633 : vector<16xf32>
    %sub3A_1635 = arith.subf %select_n3A_1578, %max3A_1634 : vector<16xf32>
    %exp3A_1636 = math.exp %sub3A_1635 : vector<16xf32>
    %xor3A_1637 = arith.constant 8 : i32
    %xor3A_1638 = vector.broadcast %xor3A_1637 : i32 to vector<16xi32>
    %xor3A_1639 = arith.xori %iota3A, %xor3A_1638 : vector<16xi32>
    %lt3A_1640 = arith.constant 0 : i32
    %lt3A_1641 = vector.broadcast %lt3A_1640 : i32 to vector<16xi32>
    %lt3A_1642 = arith.cmpi slt, %xor3A_1639, %lt3A_1641 : vector<16xi32>
    %add3A_1643 = arith.constant 16 : i32
    %add3A_1644 = vector.broadcast %add3A_1643 : i32 to vector<16xi32>
    %add3A_1645 = arith.addi %xor3A_1639, %add3A_1644 : vector<16xi32>
    %select_n3A_1646 = arith.select %lt3A_1642, %add3A_1645, %xor3A_1639 : vector<16xi1>, vector<16xi32>
    %broadcast_in_dim3A_1647 = vector.shape_cast %select_n3A_1646 : vector<16xi32> to vector<16x1xi32>
    %gather3A_1648 = vector.shape_cast %broadcast_in_dim3A_1647 : vector<16x1xi32> to vector<16xi32>
    %gather3A_1649 = tpu.dynamic_gather %exp3A_1636[%gather3A_1648] in [0] : vector<16xf32>, vector<16xi32> -> vector<16xf32>
    %add3A_1650 = arith.addf %exp3A_1636, %gather3A_1649 : vector<16xf32>
    %xor3A_1651 = arith.constant 4 : i32
    %xor3A_1652 = vector.broadcast %xor3A_1651 : i32 to vector<16xi32>
    %xor3A_1653 = arith.xori %iota3A, %xor3A_1652 : vector<16xi32>
    %lt3A_1654 = arith.constant 0 : i32
    %lt3A_1655 = vector.broadcast %lt3A_1654 : i32 to vector<16xi32>
    %lt3A_1656 = arith.cmpi slt, %xor3A_1653, %lt3A_1655 : vector<16xi32>
    %add3A_1657 = arith.constant 16 : i32
    %add3A_1658 = vector.broadcast %add3A_1657 : i32 to vector<16xi32>
    %add3A_1659 = arith.addi %xor3A_1653, %add3A_1658 : vector<16xi32>
    %select_n3A_1660 = arith.select %lt3A_1656, %add3A_1659, %xor3A_1653 : vector<16xi1>, vector<16xi32>
    %broadcast_in_dim3A_1661 = vector.shape_cast %select_n3A_1660 : vector<16xi32> to vector<16x1xi32>
    %gather3A_1662 = vector.shape_cast %broadcast_in_dim3A_1661 : vector<16x1xi32> to vector<16xi32>
    %gather3A_1663 = tpu.dynamic_gather %add3A_1650[%gather3A_1662] in [0] : vector<16xf32>, vector<16xi32> -> vector<16xf32>
    %add3A_1664 = arith.addf %add3A_1650, %gather3A_1663 : vector<16xf32>
    %xor3A_1665 = arith.constant 2 : i32
    %xor3A_1666 = vector.broadcast %xor3A_1665 : i32 to vector<16xi32>
    %xor3A_1667 = arith.xori %iota3A, %xor3A_1666 : vector<16xi32>
    %lt3A_1668 = arith.constant 0 : i32
    %lt3A_1669 = vector.broadcast %lt3A_1668 : i32 to vector<16xi32>
    %lt3A_1670 = arith.cmpi slt, %xor3A_1667, %lt3A_1669 : vector<16xi32>
    %add3A_1671 = arith.constant 16 : i32
    %add3A_1672 = vector.broadcast %add3A_1671 : i32 to vector<16xi32>
    %add3A_1673 = arith.addi %xor3A_1667, %add3A_1672 : vector<16xi32>
    %select_n3A_1674 = arith.select %lt3A_1670, %add3A_1673, %xor3A_1667 : vector<16xi1>, vector<16xi32>
    %broadcast_in_dim3A_1675 = vector.shape_cast %select_n3A_1674 : vector<16xi32> to vector<16x1xi32>
    %gather3A_1676 = vector.shape_cast %broadcast_in_dim3A_1675 : vector<16x1xi32> to vector<16xi32>
    %gather3A_1677 = tpu.dynamic_gather %add3A_1664[%gather3A_1676] in [0] : vector<16xf32>, vector<16xi32> -> vector<16xf32>
    %add3A_1678 = arith.addf %add3A_1664, %gather3A_1677 : vector<16xf32>
    %xor3A_1679 = arith.constant 1 : i32
    %xor3A_1680 = vector.broadcast %xor3A_1679 : i32 to vector<16xi32>
    %xor3A_1681 = arith.xori %iota3A, %xor3A_1680 : vector<16xi32>
    %lt3A_1682 = arith.constant 0 : i32
    %lt3A_1683 = vector.broadcast %lt3A_1682 : i32 to vector<16xi32>
    %lt3A_1684 = arith.cmpi slt, %xor3A_1681, %lt3A_1683 : vector<16xi32>
    %add3A_1685 = arith.constant 16 : i32
    %add3A_1686 = vector.broadcast %add3A_1685 : i32 to vector<16xi32>
    %add3A_1687 = arith.addi %xor3A_1681, %add3A_1686 : vector<16xi32>
    %select_n3A_1688 = arith.select %lt3A_1684, %add3A_1687, %xor3A_1681 : vector<16xi1>, vector<16xi32>
    %broadcast_in_dim3A_1689 = vector.shape_cast %select_n3A_1688 : vector<16xi32> to vector<16x1xi32>
    %gather3A_1690 = vector.shape_cast %broadcast_in_dim3A_1689 : vector<16x1xi32> to vector<16xi32>
    %gather3A_1691 = tpu.dynamic_gather %add3A_1678[%gather3A_1690] in [0] : vector<16xf32>, vector<16xi32> -> vector<16xf32>
    %add3A_1692 = arith.addf %add3A_1678, %gather3A_1691 : vector<16xf32>
    %div3A_1693 = arith.divf %exp3A_1636, %add3A_1692 : vector<16xf32>
    %swap3A_1694 = arith.constant 2 : i32
    %swap3A_1695 = arith.index_cast %swap3A_1694 : i32 to index
    %swap3A_1696 = arith.constant 0 : index
    %swap3A_1697 = tpu.vector_load %arg5[%swap3A_1695, %swap3A_1696] {strides = array<i32>} : memref<4x16xf32, #tpu.memory_space<vmem>>, vector<1x16xf32>,
    %swap3A_1698 = vector.shape_cast %swap3A_1697 : vector<1x16xf32> to vector<16xf32>
    %swap3A_1699 = vector.shape_cast %div3A_1693 : vector<16xf32> to vector<1x16xf32>
    tpu.vector_store %arg5[%swap3A_1695, %swap3A_1696], %swap3A_1699 {strides = array<i32>} : memref<4x16xf32, #tpu.memory_space<vmem>>, vector<1x16xf32>,
    %get3A_1700 = arith.constant 3 : i32
    %get3A_1701 = arith.index_cast %get3A_1700 : i32 to index
    %get3A_1702 = arith.constant 0 : index
    %get3A_1703 = tpu.vector_load %arg4[%get3A_1701, %get3A_1702] {strides = array<i32>} : memref<8x16xf32, #tpu.memory_space<vmem>>, vector<1x16xf32>,
    %get3A_1704 = vector.shape_cast %get3A_1703 : vector<1x16xf32> to vector<16xf32>
    %broadcast_in_dim3A_1705 = arith.constant 3 : i32
    %broadcast_in_dim3A_1706 = vector.broadcast %broadcast_in_dim3A_1705 : i32 to vector<16xi32>
    %lt3A_1707 = arith.constant 0 : i32
    %lt3A_1708 = vector.broadcast %lt3A_1707 : i32 to vector<16xi32>
    %lt3A_1709 = arith.cmpi slt, %broadcast_in_dim3A_1706, %lt3A_1708 : vector<16xi32>
    %add3A_1710 = arith.constant 16 : i32
    %add3A_1711 = vector.broadcast %add3A_1710 : i32 to vector<16xi32>
    %add3A_1712 = arith.addi %broadcast_in_dim3A_1706, %add3A_1711 : vector<16xi32>
    %select_n3A_1713 = arith.select %lt3A_1709, %add3A_1712, %broadcast_in_dim3A_1706 : vector<16xi1>, vector<16xi32>
    %broadcast_in_dim3A_1714 = vector.shape_cast %select_n3A_1713 : vector<16xi32> to vector<16x1xi32>
    %gather3A_1715 = vector.shape_cast %broadcast_in_dim3A_1714 : vector<16x1xi32> to vector<16xi32>
    %gather3A_1716 = tpu.dynamic_gather %get3A_3[%gather3A_1715] in [0] : vector<16xf32>, vector<16xi32> -> vector<16xf32>
    %broadcast_in_dim3A_1717 = arith.constant 0.000000e+00 : f32
    %broadcast_in_dim3A_1718 = vector.broadcast %broadcast_in_dim3A_1717 : f32 to vector<16xf32>
    %broadcast_in_dim3A_1719 = arith.constant 0 : i32
    %broadcast_in_dim3A_1720 = vector.broadcast %broadcast_in_dim3A_1719 : i32 to vector<16xi32>
    %lt3A_1721 = arith.constant 0 : i32
    %lt3A_1722 = vector.broadcast %lt3A_1721 : i32 to vector<16xi32>
    %lt3A_1723 = arith.cmpi slt, %broadcast_in_dim3A_1720, %lt3A_1722 : vector<16xi32>
    %add3A_1724 = arith.constant 16 : i32
    %add3A_1725 = vector.broadcast %add3A_1724 : i32 to vector<16xi32>
    %add3A_1726 = arith.addi %broadcast_in_dim3A_1720, %add3A_1725 : vector<16xi32>
    %select_n3A_1727 = arith.select %lt3A_1723, %add3A_1726, %broadcast_in_dim3A_1720 : vector<16xi1>, vector<16xi32>
    %broadcast_in_dim3A_1728 = vector.shape_cast %select_n3A_1727 : vector<16xi32> to vector<16x1xi32>
    %gather3A_1729 = vector.shape_cast %broadcast_in_dim3A_1728 : vector<16x1xi32> to vector<16xi32>
    %gather3A_1730 = tpu.dynamic_gather %get3A_1704[%gather3A_1729] in [0] : vector<16xf32>, vector<16xi32> -> vector<16xf32>
    %gt3A_1731 = arith.cmpf ogt, %gather3A_1730, %get3A_1704 : vector<16xf32>
    %eq3A_1732 = arith.cmpf oeq, %gather3A_1730, %get3A_1704 : vector<16xf32>
    %gt3A_1733 = arith.constant 0 : i32
    %gt3A_1734 = vector.broadcast %gt3A_1733 : i32 to vector<16xi32>
    %gt3A_1735 = arith.cmpi sgt, %iota3A, %gt3A_1734 : vector<16xi32>
    %and3A_1736 = arith.andi %eq3A_1732, %gt3A_1735 : vector<16xi1>
    %or3A_1737 = arith.ori %gt3A_1731, %and3A_1736 : vector<16xi1>
    %jit3A_1738 = arith.constant 1.000000e+00 : f32
    %jit3A_1739 = arith.constant 0.000000e+00 : f32
    %broadcast_in_dim3A_1740 = vector.broadcast %jit3A_1738 : f32 to vector<16xf32>
    %broadcast_in_dim3A_1741 = vector.broadcast %jit3A_1739 : f32 to vector<16xf32>
    %select_n3A_1742 = arith.select %or3A_1737, %broadcast_in_dim3A_1740, %broadcast_in_dim3A_1741 : vector<16xi1>, vector<16xf32>
    %add3A_1743 = arith.addf %broadcast_in_dim3A_1718, %select_n3A_1742 : vector<16xf32>
    %broadcast_in_dim3A_1744 = arith.constant 1 : i32
    %broadcast_in_dim3A_1745 = vector.broadcast %broadcast_in_dim3A_1744 : i32 to vector<16xi32>
    %lt3A_1746 = arith.constant 0 : i32
    %lt3A_1747 = vector.broadcast %lt3A_1746 : i32 to vector<16xi32>
    %lt3A_1748 = arith.cmpi slt, %broadcast_in_dim3A_1745, %lt3A_1747 : vector<16xi32>
    %add3A_1749 = arith.constant 16 : i32
    %add3A_1750 = vector.broadcast %add3A_1749 : i32 to vector<16xi32>
    %add3A_1751 = arith.addi %broadcast_in_dim3A_1745, %add3A_1750 : vector<16xi32>
    %select_n3A_1752 = arith.select %lt3A_1748, %add3A_1751, %broadcast_in_dim3A_1745 : vector<16xi1>, vector<16xi32>
    %broadcast_in_dim3A_1753 = vector.shape_cast %select_n3A_1752 : vector<16xi32> to vector<16x1xi32>
    %gather3A_1754 = vector.shape_cast %broadcast_in_dim3A_1753 : vector<16x1xi32> to vector<16xi32>
    %gather3A_1755 = tpu.dynamic_gather %get3A_1704[%gather3A_1754] in [0] : vector<16xf32>, vector<16xi32> -> vector<16xf32>
    %gt3A_1756 = arith.cmpf ogt, %gather3A_1755, %get3A_1704 : vector<16xf32>
    %eq3A_1757 = arith.cmpf oeq, %gather3A_1755, %get3A_1704 : vector<16xf32>
    %gt3A_1758 = arith.constant 1 : i32
    %gt3A_1759 = vector.broadcast %gt3A_1758 : i32 to vector<16xi32>
    %gt3A_1760 = arith.cmpi sgt, %iota3A, %gt3A_1759 : vector<16xi32>
    %and3A_1761 = arith.andi %eq3A_1757, %gt3A_1760 : vector<16xi1>
    %or3A_1762 = arith.ori %gt3A_1756, %and3A_1761 : vector<16xi1>
    %jit3A_1763 = arith.constant 1.000000e+00 : f32
    %jit3A_1764 = arith.constant 0.000000e+00 : f32
    %broadcast_in_dim3A_1765 = vector.broadcast %jit3A_1763 : f32 to vector<16xf32>
    %broadcast_in_dim3A_1766 = vector.broadcast %jit3A_1764 : f32 to vector<16xf32>
    %select_n3A_1767 = arith.select %or3A_1762, %broadcast_in_dim3A_1765, %broadcast_in_dim3A_1766 : vector<16xi1>, vector<16xf32>
    %add3A_1768 = arith.addf %add3A_1743, %select_n3A_1767 : vector<16xf32>
    %broadcast_in_dim3A_1769 = arith.constant 2 : i32
    %broadcast_in_dim3A_1770 = vector.broadcast %broadcast_in_dim3A_1769 : i32 to vector<16xi32>
    %lt3A_1771 = arith.constant 0 : i32
    %lt3A_1772 = vector.broadcast %lt3A_1771 : i32 to vector<16xi32>
    %lt3A_1773 = arith.cmpi slt, %broadcast_in_dim3A_1770, %lt3A_1772 : vector<16xi32>
    %add3A_1774 = arith.constant 16 : i32
    %add3A_1775 = vector.broadcast %add3A_1774 : i32 to vector<16xi32>
    %add3A_1776 = arith.addi %broadcast_in_dim3A_1770, %add3A_1775 : vector<16xi32>
    %select_n3A_1777 = arith.select %lt3A_1773, %add3A_1776, %broadcast_in_dim3A_1770 : vector<16xi1>, vector<16xi32>
    %broadcast_in_dim3A_1778 = vector.shape_cast %select_n3A_1777 : vector<16xi32> to vector<16x1xi32>
    %gather3A_1779 = vector.shape_cast %broadcast_in_dim3A_1778 : vector<16x1xi32> to vector<16xi32>
    %gather3A_1780 = tpu.dynamic_gather %get3A_1704[%gather3A_1779] in [0] : vector<16xf32>, vector<16xi32> -> vector<16xf32>
    %gt3A_1781 = arith.cmpf ogt, %gather3A_1780, %get3A_1704 : vector<16xf32>
    %eq3A_1782 = arith.cmpf oeq, %gather3A_1780, %get3A_1704 : vector<16xf32>
    %gt3A_1783 = arith.constant 2 : i32
    %gt3A_1784 = vector.broadcast %gt3A_1783 : i32 to vector<16xi32>
    %gt3A_1785 = arith.cmpi sgt, %iota3A, %gt3A_1784 : vector<16xi32>
    %and3A_1786 = arith.andi %eq3A_1782, %gt3A_1785 : vector<16xi1>
    %or3A_1787 = arith.ori %gt3A_1781, %and3A_1786 : vector<16xi1>
    %jit3A_1788 = arith.constant 1.000000e+00 : f32
    %jit3A_1789 = arith.constant 0.000000e+00 : f32
    %broadcast_in_dim3A_1790 = vector.broadcast %jit3A_1788 : f32 to vector<16xf32>
    %broadcast_in_dim3A_1791 = vector.broadcast %jit3A_1789 : f32 to vector<16xf32>
    %select_n3A_1792 = arith.select %or3A_1787, %broadcast_in_dim3A_1790, %broadcast_in_dim3A_1791 : vector<16xi1>, vector<16xf32>
    %add3A_1793 = arith.addf %add3A_1768, %select_n3A_1792 : vector<16xf32>
    %broadcast_in_dim3A_1794 = arith.constant 3 : i32
    %broadcast_in_dim3A_1795 = vector.broadcast %broadcast_in_dim3A_1794 : i32 to vector<16xi32>
    %lt3A_1796 = arith.constant 0 : i32
    %lt3A_1797 = vector.broadcast %lt3A_1796 : i32 to vector<16xi32>
    %lt3A_1798 = arith.cmpi slt, %broadcast_in_dim3A_1795, %lt3A_1797 : vector<16xi32>
    %add3A_1799 = arith.constant 16 : i32
    %add3A_1800 = vector.broadcast %add3A_1799 : i32 to vector<16xi32>
    %add3A_1801 = arith.addi %broadcast_in_dim3A_1795, %add3A_1800 : vector<16xi32>
    %select_n3A_1802 = arith.select %lt3A_1798, %add3A_1801, %broadcast_in_dim3A_1795 : vector<16xi1>, vector<16xi32>
    %broadcast_in_dim3A_1803 = vector.shape_cast %select_n3A_1802 : vector<16xi32> to vector<16x1xi32>
    %gather3A_1804 = vector.shape_cast %broadcast_in_dim3A_1803 : vector<16x1xi32> to vector<16xi32>
    %gather3A_1805 = tpu.dynamic_gather %get3A_1704[%gather3A_1804] in [0] : vector<16xf32>, vector<16xi32> -> vector<16xf32>
    %gt3A_1806 = arith.cmpf ogt, %gather3A_1805, %get3A_1704 : vector<16xf32>
    %eq3A_1807 = arith.cmpf oeq, %gather3A_1805, %get3A_1704 : vector<16xf32>
    %gt3A_1808 = arith.constant 3 : i32
    %gt3A_1809 = vector.broadcast %gt3A_1808 : i32 to vector<16xi32>
    %gt3A_1810 = arith.cmpi sgt, %iota3A, %gt3A_1809 : vector<16xi32>
    %and3A_1811 = arith.andi %eq3A_1807, %gt3A_1810 : vector<16xi1>
    %or3A_1812 = arith.ori %gt3A_1806, %and3A_1811 : vector<16xi1>
    %jit3A_1813 = arith.constant 1.000000e+00 : f32
    %jit3A_1814 = arith.constant 0.000000e+00 : f32
    %broadcast_in_dim3A_1815 = vector.broadcast %jit3A_1813 : f32 to vector<16xf32>
    %broadcast_in_dim3A_1816 = vector.broadcast %jit3A_1814 : f32 to vector<16xf32>
    %select_n3A_1817 = arith.select %or3A_1812, %broadcast_in_dim3A_1815, %broadcast_in_dim3A_1816 : vector<16xi1>, vector<16xf32>
    %add3A_1818 = arith.addf %add3A_1793, %select_n3A_1817 : vector<16xf32>
    %broadcast_in_dim3A_1819 = arith.constant 4 : i32
    %broadcast_in_dim3A_1820 = vector.broadcast %broadcast_in_dim3A_1819 : i32 to vector<16xi32>
    %lt3A_1821 = arith.constant 0 : i32
    %lt3A_1822 = vector.broadcast %lt3A_1821 : i32 to vector<16xi32>
    %lt3A_1823 = arith.cmpi slt, %broadcast_in_dim3A_1820, %lt3A_1822 : vector<16xi32>
    %add3A_1824 = arith.constant 16 : i32
    %add3A_1825 = vector.broadcast %add3A_1824 : i32 to vector<16xi32>
    %add3A_1826 = arith.addi %broadcast_in_dim3A_1820, %add3A_1825 : vector<16xi32>
    %select_n3A_1827 = arith.select %lt3A_1823, %add3A_1826, %broadcast_in_dim3A_1820 : vector<16xi1>, vector<16xi32>
    %broadcast_in_dim3A_1828 = vector.shape_cast %select_n3A_1827 : vector<16xi32> to vector<16x1xi32>
    %gather3A_1829 = vector.shape_cast %broadcast_in_dim3A_1828 : vector<16x1xi32> to vector<16xi32>
    %gather3A_1830 = tpu.dynamic_gather %get3A_1704[%gather3A_1829] in [0] : vector<16xf32>, vector<16xi32> -> vector<16xf32>
    %gt3A_1831 = arith.cmpf ogt, %gather3A_1830, %get3A_1704 : vector<16xf32>
    %eq3A_1832 = arith.cmpf oeq, %gather3A_1830, %get3A_1704 : vector<16xf32>
    %gt3A_1833 = arith.constant 4 : i32
    %gt3A_1834 = vector.broadcast %gt3A_1833 : i32 to vector<16xi32>
    %gt3A_1835 = arith.cmpi sgt, %iota3A, %gt3A_1834 : vector<16xi32>
    %and3A_1836 = arith.andi %eq3A_1832, %gt3A_1835 : vector<16xi1>
    %or3A_1837 = arith.ori %gt3A_1831, %and3A_1836 : vector<16xi1>
    %jit3A_1838 = arith.constant 1.000000e+00 : f32
    %jit3A_1839 = arith.constant 0.000000e+00 : f32
    %broadcast_in_dim3A_1840 = vector.broadcast %jit3A_1838 : f32 to vector<16xf32>
    %broadcast_in_dim3A_1841 = vector.broadcast %jit3A_1839 : f32 to vector<16xf32>
    %select_n3A_1842 = arith.select %or3A_1837, %broadcast_in_dim3A_1840, %broadcast_in_dim3A_1841 : vector<16xi1>, vector<16xf32>
    %add3A_1843 = arith.addf %add3A_1818, %select_n3A_1842 : vector<16xf32>
    %broadcast_in_dim3A_1844 = arith.constant 5 : i32
    %broadcast_in_dim3A_1845 = vector.broadcast %broadcast_in_dim3A_1844 : i32 to vector<16xi32>
    %lt3A_1846 = arith.constant 0 : i32
    %lt3A_1847 = vector.broadcast %lt3A_1846 : i32 to vector<16xi32>
    %lt3A_1848 = arith.cmpi slt, %broadcast_in_dim3A_1845, %lt3A_1847 : vector<16xi32>
    %add3A_1849 = arith.constant 16 : i32
    %add3A_1850 = vector.broadcast %add3A_1849 : i32 to vector<16xi32>
    %add3A_1851 = arith.addi %broadcast_in_dim3A_1845, %add3A_1850 : vector<16xi32>
    %select_n3A_1852 = arith.select %lt3A_1848, %add3A_1851, %broadcast_in_dim3A_1845 : vector<16xi1>, vector<16xi32>
    %broadcast_in_dim3A_1853 = vector.shape_cast %select_n3A_1852 : vector<16xi32> to vector<16x1xi32>
    %gather3A_1854 = vector.shape_cast %broadcast_in_dim3A_1853 : vector<16x1xi32> to vector<16xi32>
    %gather3A_1855 = tpu.dynamic_gather %get3A_1704[%gather3A_1854] in [0] : vector<16xf32>, vector<16xi32> -> vector<16xf32>
    %gt3A_1856 = arith.cmpf ogt, %gather3A_1855, %get3A_1704 : vector<16xf32>
    %eq3A_1857 = arith.cmpf oeq, %gather3A_1855, %get3A_1704 : vector<16xf32>
    %gt3A_1858 = arith.constant 5 : i32
    %gt3A_1859 = vector.broadcast %gt3A_1858 : i32 to vector<16xi32>
    %gt3A_1860 = arith.cmpi sgt, %iota3A, %gt3A_1859 : vector<16xi32>
    %and3A_1861 = arith.andi %eq3A_1857, %gt3A_1860 : vector<16xi1>
    %or3A_1862 = arith.ori %gt3A_1856, %and3A_1861 : vector<16xi1>
    %jit3A_1863 = arith.constant 1.000000e+00 : f32
    %jit3A_1864 = arith.constant 0.000000e+00 : f32
    %broadcast_in_dim3A_1865 = vector.broadcast %jit3A_1863 : f32 to vector<16xf32>
    %broadcast_in_dim3A_1866 = vector.broadcast %jit3A_1864 : f32 to vector<16xf32>
    %select_n3A_1867 = arith.select %or3A_1862, %broadcast_in_dim3A_1865, %broadcast_in_dim3A_1866 : vector<16xi1>, vector<16xf32>
    %add3A_1868 = arith.addf %add3A_1843, %select_n3A_1867 : vector<16xf32>
    %broadcast_in_dim3A_1869 = arith.constant 6 : i32
    %broadcast_in_dim3A_1870 = vector.broadcast %broadcast_in_dim3A_1869 : i32 to vector<16xi32>
    %lt3A_1871 = arith.constant 0 : i32
    %lt3A_1872 = vector.broadcast %lt3A_1871 : i32 to vector<16xi32>
    %lt3A_1873 = arith.cmpi slt, %broadcast_in_dim3A_1870, %lt3A_1872 : vector<16xi32>
    %add3A_1874 = arith.constant 16 : i32
    %add3A_1875 = vector.broadcast %add3A_1874 : i32 to vector<16xi32>
    %add3A_1876 = arith.addi %broadcast_in_dim3A_1870, %add3A_1875 : vector<16xi32>
    %select_n3A_1877 = arith.select %lt3A_1873, %add3A_1876, %broadcast_in_dim3A_1870 : vector<16xi1>, vector<16xi32>
    %broadcast_in_dim3A_1878 = vector.shape_cast %select_n3A_1877 : vector<16xi32> to vector<16x1xi32>
    %gather3A_1879 = vector.shape_cast %broadcast_in_dim3A_1878 : vector<16x1xi32> to vector<16xi32>
    %gather3A_1880 = tpu.dynamic_gather %get3A_1704[%gather3A_1879] in [0] : vector<16xf32>, vector<16xi32> -> vector<16xf32>
    %gt3A_1881 = arith.cmpf ogt, %gather3A_1880, %get3A_1704 : vector<16xf32>
    %eq3A_1882 = arith.cmpf oeq, %gather3A_1880, %get3A_1704 : vector<16xf32>
    %gt3A_1883 = arith.constant 6 : i32
    %gt3A_1884 = vector.broadcast %gt3A_1883 : i32 to vector<16xi32>
    %gt3A_1885 = arith.cmpi sgt, %iota3A, %gt3A_1884 : vector<16xi32>
    %and3A_1886 = arith.andi %eq3A_1882, %gt3A_1885 : vector<16xi1>
    %or3A_1887 = arith.ori %gt3A_1881, %and3A_1886 : vector<16xi1>
    %jit3A_1888 = arith.constant 1.000000e+00 : f32
    %jit3A_1889 = arith.constant 0.000000e+00 : f32
    %broadcast_in_dim3A_1890 = vector.broadcast %jit3A_1888 : f32 to vector<16xf32>
    %broadcast_in_dim3A_1891 = vector.broadcast %jit3A_1889 : f32 to vector<16xf32>
    %select_n3A_1892 = arith.select %or3A_1887, %broadcast_in_dim3A_1890, %broadcast_in_dim3A_1891 : vector<16xi1>, vector<16xf32>
    %add3A_1893 = arith.addf %add3A_1868, %select_n3A_1892 : vector<16xf32>
    %broadcast_in_dim3A_1894 = arith.constant 7 : i32
    %broadcast_in_dim3A_1895 = vector.broadcast %broadcast_in_dim3A_1894 : i32 to vector<16xi32>
    %lt3A_1896 = arith.constant 0 : i32
    %lt3A_1897 = vector.broadcast %lt3A_1896 : i32 to vector<16xi32>
    %lt3A_1898 = arith.cmpi slt, %broadcast_in_dim3A_1895, %lt3A_1897 : vector<16xi32>
    %add3A_1899 = arith.constant 16 : i32
    %add3A_1900 = vector.broadcast %add3A_1899 : i32 to vector<16xi32>
    %add3A_1901 = arith.addi %broadcast_in_dim3A_1895, %add3A_1900 : vector<16xi32>
    %select_n3A_1902 = arith.select %lt3A_1898, %add3A_1901, %broadcast_in_dim3A_1895 : vector<16xi1>, vector<16xi32>
    %broadcast_in_dim3A_1903 = vector.shape_cast %select_n3A_1902 : vector<16xi32> to vector<16x1xi32>
    %gather3A_1904 = vector.shape_cast %broadcast_in_dim3A_1903 : vector<16x1xi32> to vector<16xi32>
    %gather3A_1905 = tpu.dynamic_gather %get3A_1704[%gather3A_1904] in [0] : vector<16xf32>, vector<16xi32> -> vector<16xf32>
    %gt3A_1906 = arith.cmpf ogt, %gather3A_1905, %get3A_1704 : vector<16xf32>
    %eq3A_1907 = arith.cmpf oeq, %gather3A_1905, %get3A_1704 : vector<16xf32>
    %gt3A_1908 = arith.constant 7 : i32
    %gt3A_1909 = vector.broadcast %gt3A_1908 : i32 to vector<16xi32>
    %gt3A_1910 = arith.cmpi sgt, %iota3A, %gt3A_1909 : vector<16xi32>
    %and3A_1911 = arith.andi %eq3A_1907, %gt3A_1910 : vector<16xi1>
    %or3A_1912 = arith.ori %gt3A_1906, %and3A_1911 : vector<16xi1>
    %jit3A_1913 = arith.constant 1.000000e+00 : f32
    %jit3A_1914 = arith.constant 0.000000e+00 : f32
    %broadcast_in_dim3A_1915 = vector.broadcast %jit3A_1913 : f32 to vector<16xf32>
    %broadcast_in_dim3A_1916 = vector.broadcast %jit3A_1914 : f32 to vector<16xf32>
    %select_n3A_1917 = arith.select %or3A_1912, %broadcast_in_dim3A_1915, %broadcast_in_dim3A_1916 : vector<16xi1>, vector<16xf32>
    %add3A_1918 = arith.addf %add3A_1893, %select_n3A_1917 : vector<16xf32>
    %broadcast_in_dim3A_1919 = arith.constant 8 : i32
    %broadcast_in_dim3A_1920 = vector.broadcast %broadcast_in_dim3A_1919 : i32 to vector<16xi32>
    %lt3A_1921 = arith.constant 0 : i32
    %lt3A_1922 = vector.broadcast %lt3A_1921 : i32 to vector<16xi32>
    %lt3A_1923 = arith.cmpi slt, %broadcast_in_dim3A_1920, %lt3A_1922 : vector<16xi32>
    %add3A_1924 = arith.constant 16 : i32
    %add3A_1925 = vector.broadcast %add3A_1924 : i32 to vector<16xi32>
    %add3A_1926 = arith.addi %broadcast_in_dim3A_1920, %add3A_1925 : vector<16xi32>
    %select_n3A_1927 = arith.select %lt3A_1923, %add3A_1926, %broadcast_in_dim3A_1920 : vector<16xi1>, vector<16xi32>
    %broadcast_in_dim3A_1928 = vector.shape_cast %select_n3A_1927 : vector<16xi32> to vector<16x1xi32>
    %gather3A_1929 = vector.shape_cast %broadcast_in_dim3A_1928 : vector<16x1xi32> to vector<16xi32>
    %gather3A_1930 = tpu.dynamic_gather %get3A_1704[%gather3A_1929] in [0] : vector<16xf32>, vector<16xi32> -> vector<16xf32>
    %gt3A_1931 = arith.cmpf ogt, %gather3A_1930, %get3A_1704 : vector<16xf32>
    %eq3A_1932 = arith.cmpf oeq, %gather3A_1930, %get3A_1704 : vector<16xf32>
    %gt3A_1933 = arith.constant 8 : i32
    %gt3A_1934 = vector.broadcast %gt3A_1933 : i32 to vector<16xi32>
    %gt3A_1935 = arith.cmpi sgt, %iota3A, %gt3A_1934 : vector<16xi32>
    %and3A_1936 = arith.andi %eq3A_1932, %gt3A_1935 : vector<16xi1>
    %or3A_1937 = arith.ori %gt3A_1931, %and3A_1936 : vector<16xi1>
    %jit3A_1938 = arith.constant 1.000000e+00 : f32
    %jit3A_1939 = arith.constant 0.000000e+00 : f32
    %broadcast_in_dim3A_1940 = vector.broadcast %jit3A_1938 : f32 to vector<16xf32>
    %broadcast_in_dim3A_1941 = vector.broadcast %jit3A_1939 : f32 to vector<16xf32>
    %select_n3A_1942 = arith.select %or3A_1937, %broadcast_in_dim3A_1940, %broadcast_in_dim3A_1941 : vector<16xi1>, vector<16xf32>
    %add3A_1943 = arith.addf %add3A_1918, %select_n3A_1942 : vector<16xf32>
    %broadcast_in_dim3A_1944 = arith.constant 9 : i32
    %broadcast_in_dim3A_1945 = vector.broadcast %broadcast_in_dim3A_1944 : i32 to vector<16xi32>
    %lt3A_1946 = arith.constant 0 : i32
    %lt3A_1947 = vector.broadcast %lt3A_1946 : i32 to vector<16xi32>
    %lt3A_1948 = arith.cmpi slt, %broadcast_in_dim3A_1945, %lt3A_1947 : vector<16xi32>
    %add3A_1949 = arith.constant 16 : i32
    %add3A_1950 = vector.broadcast %add3A_1949 : i32 to vector<16xi32>
    %add3A_1951 = arith.addi %broadcast_in_dim3A_1945, %add3A_1950 : vector<16xi32>
    %select_n3A_1952 = arith.select %lt3A_1948, %add3A_1951, %broadcast_in_dim3A_1945 : vector<16xi1>, vector<16xi32>
    %broadcast_in_dim3A_1953 = vector.shape_cast %select_n3A_1952 : vector<16xi32> to vector<16x1xi32>
    %gather3A_1954 = vector.shape_cast %broadcast_in_dim3A_1953 : vector<16x1xi32> to vector<16xi32>
    %gather3A_1955 = tpu.dynamic_gather %get3A_1704[%gather3A_1954] in [0] : vector<16xf32>, vector<16xi32> -> vector<16xf32>
    %gt3A_1956 = arith.cmpf ogt, %gather3A_1955, %get3A_1704 : vector<16xf32>
    %eq3A_1957 = arith.cmpf oeq, %gather3A_1955, %get3A_1704 : vector<16xf32>
    %gt3A_1958 = arith.constant 9 : i32
    %gt3A_1959 = vector.broadcast %gt3A_1958 : i32 to vector<16xi32>
    %gt3A_1960 = arith.cmpi sgt, %iota3A, %gt3A_1959 : vector<16xi32>
    %and3A_1961 = arith.andi %eq3A_1957, %gt3A_1960 : vector<16xi1>
    %or3A_1962 = arith.ori %gt3A_1956, %and3A_1961 : vector<16xi1>
    %jit3A_1963 = arith.constant 1.000000e+00 : f32
    %jit3A_1964 = arith.constant 0.000000e+00 : f32
    %broadcast_in_dim3A_1965 = vector.broadcast %jit3A_1963 : f32 to vector<16xf32>
    %broadcast_in_dim3A_1966 = vector.broadcast %jit3A_1964 : f32 to vector<16xf32>
    %select_n3A_1967 = arith.select %or3A_1962, %broadcast_in_dim3A_1965, %broadcast_in_dim3A_1966 : vector<16xi1>, vector<16xf32>
    %add3A_1968 = arith.addf %add3A_1943, %select_n3A_1967 : vector<16xf32>
    %broadcast_in_dim3A_1969 = arith.constant 10 : i32
    %broadcast_in_dim3A_1970 = vector.broadcast %broadcast_in_dim3A_1969 : i32 to vector<16xi32>
    %lt3A_1971 = arith.constant 0 : i32
    %lt3A_1972 = vector.broadcast %lt3A_1971 : i32 to vector<16xi32>
    %lt3A_1973 = arith.cmpi slt, %broadcast_in_dim3A_1970, %lt3A_1972 : vector<16xi32>
    %add3A_1974 = arith.constant 16 : i32
    %add3A_1975 = vector.broadcast %add3A_1974 : i32 to vector<16xi32>
    %add3A_1976 = arith.addi %broadcast_in_dim3A_1970, %add3A_1975 : vector<16xi32>
    %select_n3A_1977 = arith.select %lt3A_1973, %add3A_1976, %broadcast_in_dim3A_1970 : vector<16xi1>, vector<16xi32>
    %broadcast_in_dim3A_1978 = vector.shape_cast %select_n3A_1977 : vector<16xi32> to vector<16x1xi32>
    %gather3A_1979 = vector.shape_cast %broadcast_in_dim3A_1978 : vector<16x1xi32> to vector<16xi32>
    %gather3A_1980 = tpu.dynamic_gather %get3A_1704[%gather3A_1979] in [0] : vector<16xf32>, vector<16xi32> -> vector<16xf32>
    %gt3A_1981 = arith.cmpf ogt, %gather3A_1980, %get3A_1704 : vector<16xf32>
    %eq3A_1982 = arith.cmpf oeq, %gather3A_1980, %get3A_1704 : vector<16xf32>
    %gt3A_1983 = arith.constant 10 : i32
    %gt3A_1984 = vector.broadcast %gt3A_1983 : i32 to vector<16xi32>
    %gt3A_1985 = arith.cmpi sgt, %iota3A, %gt3A_1984 : vector<16xi32>
    %and3A_1986 = arith.andi %eq3A_1982, %gt3A_1985 : vector<16xi1>
    %or3A_1987 = arith.ori %gt3A_1981, %and3A_1986 : vector<16xi1>
    %jit3A_1988 = arith.constant 1.000000e+00 : f32
    %jit3A_1989 = arith.constant 0.000000e+00 : f32
    %broadcast_in_dim3A_1990 = vector.broadcast %jit3A_1988 : f32 to vector<16xf32>
    %broadcast_in_dim3A_1991 = vector.broadcast %jit3A_1989 : f32 to vector<16xf32>
    %select_n3A_1992 = arith.select %or3A_1987, %broadcast_in_dim3A_1990, %broadcast_in_dim3A_1991 : vector<16xi1>, vector<16xf32>
    %add3A_1993 = arith.addf %add3A_1968, %select_n3A_1992 : vector<16xf32>
    %broadcast_in_dim3A_1994 = arith.constant 11 : i32
    %broadcast_in_dim3A_1995 = vector.broadcast %broadcast_in_dim3A_1994 : i32 to vector<16xi32>
    %lt3A_1996 = arith.constant 0 : i32
    %lt3A_1997 = vector.broadcast %lt3A_1996 : i32 to vector<16xi32>
    %lt3A_1998 = arith.cmpi slt, %broadcast_in_dim3A_1995, %lt3A_1997 : vector<16xi32>
    %add3A_1999 = arith.constant 16 : i32
    %add3A_2000 = vector.broadcast %add3A_1999 : i32 to vector<16xi32>
    %add3A_2001 = arith.addi %broadcast_in_dim3A_1995, %add3A_2000 : vector<16xi32>
    %select_n3A_2002 = arith.select %lt3A_1998, %add3A_2001, %broadcast_in_dim3A_1995 : vector<16xi1>, vector<16xi32>
    %broadcast_in_dim3A_2003 = vector.shape_cast %select_n3A_2002 : vector<16xi32> to vector<16x1xi32>
    %gather3A_2004 = vector.shape_cast %broadcast_in_dim3A_2003 : vector<16x1xi32> to vector<16xi32>
    %gather3A_2005 = tpu.dynamic_gather %get3A_1704[%gather3A_2004] in [0] : vector<16xf32>, vector<16xi32> -> vector<16xf32>
    %gt3A_2006 = arith.cmpf ogt, %gather3A_2005, %get3A_1704 : vector<16xf32>
    %eq3A_2007 = arith.cmpf oeq, %gather3A_2005, %get3A_1704 : vector<16xf32>
    %gt3A_2008 = arith.constant 11 : i32
    %gt3A_2009 = vector.broadcast %gt3A_2008 : i32 to vector<16xi32>
    %gt3A_2010 = arith.cmpi sgt, %iota3A, %gt3A_2009 : vector<16xi32>
    %and3A_2011 = arith.andi %eq3A_2007, %gt3A_2010 : vector<16xi1>
    %or3A_2012 = arith.ori %gt3A_2006, %and3A_2011 : vector<16xi1>
    %jit3A_2013 = arith.constant 1.000000e+00 : f32
    %jit3A_2014 = arith.constant 0.000000e+00 : f32
    %broadcast_in_dim3A_2015 = vector.broadcast %jit3A_2013 : f32 to vector<16xf32>
    %broadcast_in_dim3A_2016 = vector.broadcast %jit3A_2014 : f32 to vector<16xf32>
    %select_n3A_2017 = arith.select %or3A_2012, %broadcast_in_dim3A_2015, %broadcast_in_dim3A_2016 : vector<16xi1>, vector<16xf32>
    %add3A_2018 = arith.addf %add3A_1993, %select_n3A_2017 : vector<16xf32>
    %broadcast_in_dim3A_2019 = arith.constant 12 : i32
    %broadcast_in_dim3A_2020 = vector.broadcast %broadcast_in_dim3A_2019 : i32 to vector<16xi32>
    %lt3A_2021 = arith.constant 0 : i32
    %lt3A_2022 = vector.broadcast %lt3A_2021 : i32 to vector<16xi32>
    %lt3A_2023 = arith.cmpi slt, %broadcast_in_dim3A_2020, %lt3A_2022 : vector<16xi32>
    %add3A_2024 = arith.constant 16 : i32
    %add3A_2025 = vector.broadcast %add3A_2024 : i32 to vector<16xi32>
    %add3A_2026 = arith.addi %broadcast_in_dim3A_2020, %add3A_2025 : vector<16xi32>
    %select_n3A_2027 = arith.select %lt3A_2023, %add3A_2026, %broadcast_in_dim3A_2020 : vector<16xi1>, vector<16xi32>
    %broadcast_in_dim3A_2028 = vector.shape_cast %select_n3A_2027 : vector<16xi32> to vector<16x1xi32>
    %gather3A_2029 = vector.shape_cast %broadcast_in_dim3A_2028 : vector<16x1xi32> to vector<16xi32>
    %gather3A_2030 = tpu.dynamic_gather %get3A_1704[%gather3A_2029] in [0] : vector<16xf32>, vector<16xi32> -> vector<16xf32>
    %gt3A_2031 = arith.cmpf ogt, %gather3A_2030, %get3A_1704 : vector<16xf32>
    %eq3A_2032 = arith.cmpf oeq, %gather3A_2030, %get3A_1704 : vector<16xf32>
    %gt3A_2033 = arith.constant 12 : i32
    %gt3A_2034 = vector.broadcast %gt3A_2033 : i32 to vector<16xi32>
    %gt3A_2035 = arith.cmpi sgt, %iota3A, %gt3A_2034 : vector<16xi32>
    %and3A_2036 = arith.andi %eq3A_2032, %gt3A_2035 : vector<16xi1>
    %or3A_2037 = arith.ori %gt3A_2031, %and3A_2036 : vector<16xi1>
    %jit3A_2038 = arith.constant 1.000000e+00 : f32
    %jit3A_2039 = arith.constant 0.000000e+00 : f32
    %broadcast_in_dim3A_2040 = vector.broadcast %jit3A_2038 : f32 to vector<16xf32>
    %broadcast_in_dim3A_2041 = vector.broadcast %jit3A_2039 : f32 to vector<16xf32>
    %select_n3A_2042 = arith.select %or3A_2037, %broadcast_in_dim3A_2040, %broadcast_in_dim3A_2041 : vector<16xi1>, vector<16xf32>
    %add3A_2043 = arith.addf %add3A_2018, %select_n3A_2042 : vector<16xf32>
    %broadcast_in_dim3A_2044 = arith.constant 13 : i32
    %broadcast_in_dim3A_2045 = vector.broadcast %broadcast_in_dim3A_2044 : i32 to vector<16xi32>
    %lt3A_2046 = arith.constant 0 : i32
    %lt3A_2047 = vector.broadcast %lt3A_2046 : i32 to vector<16xi32>
    %lt3A_2048 = arith.cmpi slt, %broadcast_in_dim3A_2045, %lt3A_2047 : vector<16xi32>
    %add3A_2049 = arith.constant 16 : i32
    %add3A_2050 = vector.broadcast %add3A_2049 : i32 to vector<16xi32>
    %add3A_2051 = arith.addi %broadcast_in_dim3A_2045, %add3A_2050 : vector<16xi32>
    %select_n3A_2052 = arith.select %lt3A_2048, %add3A_2051, %broadcast_in_dim3A_2045 : vector<16xi1>, vector<16xi32>
    %broadcast_in_dim3A_2053 = vector.shape_cast %select_n3A_2052 : vector<16xi32> to vector<16x1xi32>
    %gather3A_2054 = vector.shape_cast %broadcast_in_dim3A_2053 : vector<16x1xi32> to vector<16xi32>
    %gather3A_2055 = tpu.dynamic_gather %get3A_1704[%gather3A_2054] in [0] : vector<16xf32>, vector<16xi32> -> vector<16xf32>
    %gt3A_2056 = arith.cmpf ogt, %gather3A_2055, %get3A_1704 : vector<16xf32>
    %eq3A_2057 = arith.cmpf oeq, %gather3A_2055, %get3A_1704 : vector<16xf32>
    %gt3A_2058 = arith.constant 13 : i32
    %gt3A_2059 = vector.broadcast %gt3A_2058 : i32 to vector<16xi32>
    %gt3A_2060 = arith.cmpi sgt, %iota3A, %gt3A_2059 : vector<16xi32>
    %and3A_2061 = arith.andi %eq3A_2057, %gt3A_2060 : vector<16xi1>
    %or3A_2062 = arith.ori %gt3A_2056, %and3A_2061 : vector<16xi1>
    %jit3A_2063 = arith.constant 1.000000e+00 : f32
    %jit3A_2064 = arith.constant 0.000000e+00 : f32
    %broadcast_in_dim3A_2065 = vector.broadcast %jit3A_2063 : f32 to vector<16xf32>
    %broadcast_in_dim3A_2066 = vector.broadcast %jit3A_2064 : f32 to vector<16xf32>
    %select_n3A_2067 = arith.select %or3A_2062, %broadcast_in_dim3A_2065, %broadcast_in_dim3A_2066 : vector<16xi1>, vector<16xf32>
    %add3A_2068 = arith.addf %add3A_2043, %select_n3A_2067 : vector<16xf32>
    %broadcast_in_dim3A_2069 = arith.constant 14 : i32
    %broadcast_in_dim3A_2070 = vector.broadcast %broadcast_in_dim3A_2069 : i32 to vector<16xi32>
    %lt3A_2071 = arith.constant 0 : i32
    %lt3A_2072 = vector.broadcast %lt3A_2071 : i32 to vector<16xi32>
    %lt3A_2073 = arith.cmpi slt, %broadcast_in_dim3A_2070, %lt3A_2072 : vector<16xi32>
    %add3A_2074 = arith.constant 16 : i32
    %add3A_2075 = vector.broadcast %add3A_2074 : i32 to vector<16xi32>
    %add3A_2076 = arith.addi %broadcast_in_dim3A_2070, %add3A_2075 : vector<16xi32>
    %select_n3A_2077 = arith.select %lt3A_2073, %add3A_2076, %broadcast_in_dim3A_2070 : vector<16xi1>, vector<16xi32>
    %broadcast_in_dim3A_2078 = vector.shape_cast %select_n3A_2077 : vector<16xi32> to vector<16x1xi32>
    %gather3A_2079 = vector.shape_cast %broadcast_in_dim3A_2078 : vector<16x1xi32> to vector<16xi32>
    %gather3A_2080 = tpu.dynamic_gather %get3A_1704[%gather3A_2079] in [0] : vector<16xf32>, vector<16xi32> -> vector<16xf32>
    %gt3A_2081 = arith.cmpf ogt, %gather3A_2080, %get3A_1704 : vector<16xf32>
    %eq3A_2082 = arith.cmpf oeq, %gather3A_2080, %get3A_1704 : vector<16xf32>
    %gt3A_2083 = arith.constant 14 : i32
    %gt3A_2084 = vector.broadcast %gt3A_2083 : i32 to vector<16xi32>
    %gt3A_2085 = arith.cmpi sgt, %iota3A, %gt3A_2084 : vector<16xi32>
    %and3A_2086 = arith.andi %eq3A_2082, %gt3A_2085 : vector<16xi1>
    %or3A_2087 = arith.ori %gt3A_2081, %and3A_2086 : vector<16xi1>
    %jit3A_2088 = arith.constant 1.000000e+00 : f32
    %jit3A_2089 = arith.constant 0.000000e+00 : f32
    %broadcast_in_dim3A_2090 = vector.broadcast %jit3A_2088 : f32 to vector<16xf32>
    %broadcast_in_dim3A_2091 = vector.broadcast %jit3A_2089 : f32 to vector<16xf32>
    %select_n3A_2092 = arith.select %or3A_2087, %broadcast_in_dim3A_2090, %broadcast_in_dim3A_2091 : vector<16xi1>, vector<16xf32>
    %add3A_2093 = arith.addf %add3A_2068, %select_n3A_2092 : vector<16xf32>
    %broadcast_in_dim3A_2094 = arith.constant 15 : i32
    %broadcast_in_dim3A_2095 = vector.broadcast %broadcast_in_dim3A_2094 : i32 to vector<16xi32>
    %lt3A_2096 = arith.constant 0 : i32
    %lt3A_2097 = vector.broadcast %lt3A_2096 : i32 to vector<16xi32>
    %lt3A_2098 = arith.cmpi slt, %broadcast_in_dim3A_2095, %lt3A_2097 : vector<16xi32>
    %add3A_2099 = arith.constant 16 : i32
    %add3A_2100 = vector.broadcast %add3A_2099 : i32 to vector<16xi32>
    %add3A_2101 = arith.addi %broadcast_in_dim3A_2095, %add3A_2100 : vector<16xi32>
    %select_n3A_2102 = arith.select %lt3A_2098, %add3A_2101, %broadcast_in_dim3A_2095 : vector<16xi1>, vector<16xi32>
    %broadcast_in_dim3A_2103 = vector.shape_cast %select_n3A_2102 : vector<16xi32> to vector<16x1xi32>
    %gather3A_2104 = vector.shape_cast %broadcast_in_dim3A_2103 : vector<16x1xi32> to vector<16xi32>
    %gather3A_2105 = tpu.dynamic_gather %get3A_1704[%gather3A_2104] in [0] : vector<16xf32>, vector<16xi32> -> vector<16xf32>
    %gt3A_2106 = arith.cmpf ogt, %gather3A_2105, %get3A_1704 : vector<16xf32>
    %eq3A_2107 = arith.cmpf oeq, %gather3A_2105, %get3A_1704 : vector<16xf32>
    %gt3A_2108 = arith.constant 15 : i32
    %gt3A_2109 = vector.broadcast %gt3A_2108 : i32 to vector<16xi32>
    %gt3A_2110 = arith.cmpi sgt, %iota3A, %gt3A_2109 : vector<16xi32>
    %and3A_2111 = arith.andi %eq3A_2107, %gt3A_2110 : vector<16xi1>
    %or3A_2112 = arith.ori %gt3A_2106, %and3A_2111 : vector<16xi1>
    %jit3A_2113 = arith.constant 1.000000e+00 : f32
    %jit3A_2114 = arith.constant 0.000000e+00 : f32
    %broadcast_in_dim3A_2115 = vector.broadcast %jit3A_2113 : f32 to vector<16xf32>
    %broadcast_in_dim3A_2116 = vector.broadcast %jit3A_2114 : f32 to vector<16xf32>
    %select_n3A_2117 = arith.select %or3A_2112, %broadcast_in_dim3A_2115, %broadcast_in_dim3A_2116 : vector<16xi1>, vector<16xf32>
    %add3A_2118 = arith.addf %add3A_2093, %select_n3A_2117 : vector<16xf32>
    %lt3A_2119 = arith.cmpf olt, %add3A_2118, %gather3A_1716 : vector<16xf32>
    %jit3A_2120 = arith.constant 0.000000e+00 : f32
    %broadcast_in_dim3A_2121 = vector.broadcast %jit3A_2120 : f32 to vector<16xf32>
    %select_n3A_2122 = arith.select %lt3A_2119, %get3A_1704, %broadcast_in_dim3A_2121 : vector<16xi1>, vector<16xf32>
    %eq3A_2123 = arith.constant 0 : i32
    %eq3A_2124 = vector.broadcast %eq3A_2123 : i32 to vector<16xi32>
    %eq3A_2125 = arith.cmpi eq, %iota3A, %eq3A_2124 : vector<16xi32>
    %lt3A_2126 = arith.cmpf olt, %gather3A_1716, %max3A_52 : vector<16xf32>
    %and3A_2127 = arith.andi %eq3A_2125, %lt3A_2126 : vector<16xi1>
    %jit3A_2128 = arith.constant 0.000000e+00 : f32
    %broadcast_in_dim3A_2129 = vector.broadcast %jit3A_2128 : f32 to vector<16xf32>
    %select_n3A_2130 = arith.select %and3A_2127, %broadcast_in_dim3A_2129, %select_n3A_2122 : vector<16xi1>, vector<16xf32>
    %xor3A_2131 = arith.constant 8 : i32
    %xor3A_2132 = vector.broadcast %xor3A_2131 : i32 to vector<16xi32>
    %xor3A_2133 = arith.xori %iota3A, %xor3A_2132 : vector<16xi32>
    %lt3A_2134 = arith.constant 0 : i32
    %lt3A_2135 = vector.broadcast %lt3A_2134 : i32 to vector<16xi32>
    %lt3A_2136 = arith.cmpi slt, %xor3A_2133, %lt3A_2135 : vector<16xi32>
    %add3A_2137 = arith.constant 16 : i32
    %add3A_2138 = vector.broadcast %add3A_2137 : i32 to vector<16xi32>
    %add3A_2139 = arith.addi %xor3A_2133, %add3A_2138 : vector<16xi32>
    %select_n3A_2140 = arith.select %lt3A_2136, %add3A_2139, %xor3A_2133 : vector<16xi1>, vector<16xi32>
    %broadcast_in_dim3A_2141 = vector.shape_cast %select_n3A_2140 : vector<16xi32> to vector<16x1xi32>
    %gather3A_2142 = vector.shape_cast %broadcast_in_dim3A_2141 : vector<16x1xi32> to vector<16xi32>
    %gather3A_2143 = tpu.dynamic_gather %select_n3A_2130[%gather3A_2142] in [0] : vector<16xf32>, vector<16xi32> -> vector<16xf32>
    %max3A_2144 = arith.maximumf %select_n3A_2130, %gather3A_2143 : vector<16xf32>
    %xor3A_2145 = arith.constant 4 : i32
    %xor3A_2146 = vector.broadcast %xor3A_2145 : i32 to vector<16xi32>
    %xor3A_2147 = arith.xori %iota3A, %xor3A_2146 : vector<16xi32>
    %lt3A_2148 = arith.constant 0 : i32
    %lt3A_2149 = vector.broadcast %lt3A_2148 : i32 to vector<16xi32>
    %lt3A_2150 = arith.cmpi slt, %xor3A_2147, %lt3A_2149 : vector<16xi32>
    %add3A_2151 = arith.constant 16 : i32
    %add3A_2152 = vector.broadcast %add3A_2151 : i32 to vector<16xi32>
    %add3A_2153 = arith.addi %xor3A_2147, %add3A_2152 : vector<16xi32>
    %select_n3A_2154 = arith.select %lt3A_2150, %add3A_2153, %xor3A_2147 : vector<16xi1>, vector<16xi32>
    %broadcast_in_dim3A_2155 = vector.shape_cast %select_n3A_2154 : vector<16xi32> to vector<16x1xi32>
    %gather3A_2156 = vector.shape_cast %broadcast_in_dim3A_2155 : vector<16x1xi32> to vector<16xi32>
    %gather3A_2157 = tpu.dynamic_gather %max3A_2144[%gather3A_2156] in [0] : vector<16xf32>, vector<16xi32> -> vector<16xf32>
    %max3A_2158 = arith.maximumf %max3A_2144, %gather3A_2157 : vector<16xf32>
    %xor3A_2159 = arith.constant 2 : i32
    %xor3A_2160 = vector.broadcast %xor3A_2159 : i32 to vector<16xi32>
    %xor3A_2161 = arith.xori %iota3A, %xor3A_2160 : vector<16xi32>
    %lt3A_2162 = arith.constant 0 : i32
    %lt3A_2163 = vector.broadcast %lt3A_2162 : i32 to vector<16xi32>
    %lt3A_2164 = arith.cmpi slt, %xor3A_2161, %lt3A_2163 : vector<16xi32>
    %add3A_2165 = arith.constant 16 : i32
    %add3A_2166 = vector.broadcast %add3A_2165 : i32 to vector<16xi32>
    %add3A_2167 = arith.addi %xor3A_2161, %add3A_2166 : vector<16xi32>
    %select_n3A_2168 = arith.select %lt3A_2164, %add3A_2167, %xor3A_2161 : vector<16xi1>, vector<16xi32>
    %broadcast_in_dim3A_2169 = vector.shape_cast %select_n3A_2168 : vector<16xi32> to vector<16x1xi32>
    %gather3A_2170 = vector.shape_cast %broadcast_in_dim3A_2169 : vector<16x1xi32> to vector<16xi32>
    %gather3A_2171 = tpu.dynamic_gather %max3A_2158[%gather3A_2170] in [0] : vector<16xf32>, vector<16xi32> -> vector<16xf32>
    %max3A_2172 = arith.maximumf %max3A_2158, %gather3A_2171 : vector<16xf32>
    %xor3A_2173 = arith.constant 1 : i32
    %xor3A_2174 = vector.broadcast %xor3A_2173 : i32 to vector<16xi32>
    %xor3A_2175 = arith.xori %iota3A, %xor3A_2174 : vector<16xi32>
    %lt3A_2176 = arith.constant 0 : i32
    %lt3A_2177 = vector.broadcast %lt3A_2176 : i32 to vector<16xi32>
    %lt3A_2178 = arith.cmpi slt, %xor3A_2175, %lt3A_2177 : vector<16xi32>
    %add3A_2179 = arith.constant 16 : i32
    %add3A_2180 = vector.broadcast %add3A_2179 : i32 to vector<16xi32>
    %add3A_2181 = arith.addi %xor3A_2175, %add3A_2180 : vector<16xi32>
    %select_n3A_2182 = arith.select %lt3A_2178, %add3A_2181, %xor3A_2175 : vector<16xi1>, vector<16xi32>
    %broadcast_in_dim3A_2183 = vector.shape_cast %select_n3A_2182 : vector<16xi32> to vector<16x1xi32>
    %gather3A_2184 = vector.shape_cast %broadcast_in_dim3A_2183 : vector<16x1xi32> to vector<16xi32>
    %gather3A_2185 = tpu.dynamic_gather %max3A_2172[%gather3A_2184] in [0] : vector<16xf32>, vector<16xi32> -> vector<16xf32>
    %max3A_2186 = arith.maximumf %max3A_2172, %gather3A_2185 : vector<16xf32>
    %sub3A_2187 = arith.subf %select_n3A_2130, %max3A_2186 : vector<16xf32>
    %exp3A_2188 = math.exp %sub3A_2187 : vector<16xf32>
    %xor3A_2189 = arith.constant 8 : i32
    %xor3A_2190 = vector.broadcast %xor3A_2189 : i32 to vector<16xi32>
    %xor3A_2191 = arith.xori %iota3A, %xor3A_2190 : vector<16xi32>
    %lt3A_2192 = arith.constant 0 : i32
    %lt3A_2193 = vector.broadcast %lt3A_2192 : i32 to vector<16xi32>
    %lt3A_2194 = arith.cmpi slt, %xor3A_2191, %lt3A_2193 : vector<16xi32>
    %add3A_2195 = arith.constant 16 : i32
    %add3A_2196 = vector.broadcast %add3A_2195 : i32 to vector<16xi32>
    %add3A_2197 = arith.addi %xor3A_2191, %add3A_2196 : vector<16xi32>
    %select_n3A_2198 = arith.select %lt3A_2194, %add3A_2197, %xor3A_2191 : vector<16xi1>, vector<16xi32>
    %broadcast_in_dim3A_2199 = vector.shape_cast %select_n3A_2198 : vector<16xi32> to vector<16x1xi32>
    %gather3A_2200 = vector.shape_cast %broadcast_in_dim3A_2199 : vector<16x1xi32> to vector<16xi32>
    %gather3A_2201 = tpu.dynamic_gather %exp3A_2188[%gather3A_2200] in [0] : vector<16xf32>, vector<16xi32> -> vector<16xf32>
    %add3A_2202 = arith.addf %exp3A_2188, %gather3A_2201 : vector<16xf32>
    %xor3A_2203 = arith.constant 4 : i32
    %xor3A_2204 = vector.broadcast %xor3A_2203 : i32 to vector<16xi32>
    %xor3A_2205 = arith.xori %iota3A, %xor3A_2204 : vector<16xi32>
    %lt3A_2206 = arith.constant 0 : i32
    %lt3A_2207 = vector.broadcast %lt3A_2206 : i32 to vector<16xi32>
    %lt3A_2208 = arith.cmpi slt, %xor3A_2205, %lt3A_2207 : vector<16xi32>
    %add3A_2209 = arith.constant 16 : i32
    %add3A_2210 = vector.broadcast %add3A_2209 : i32 to vector<16xi32>
    %add3A_2211 = arith.addi %xor3A_2205, %add3A_2210 : vector<16xi32>
    %select_n3A_2212 = arith.select %lt3A_2208, %add3A_2211, %xor3A_2205 : vector<16xi1>, vector<16xi32>
    %broadcast_in_dim3A_2213 = vector.shape_cast %select_n3A_2212 : vector<16xi32> to vector<16x1xi32>
    %gather3A_2214 = vector.shape_cast %broadcast_in_dim3A_2213 : vector<16x1xi32> to vector<16xi32>
    %gather3A_2215 = tpu.dynamic_gather %add3A_2202[%gather3A_2214] in [0] : vector<16xf32>, vector<16xi32> -> vector<16xf32>
    %add3A_2216 = arith.addf %add3A_2202, %gather3A_2215 : vector<16xf32>
    %xor3A_2217 = arith.constant 2 : i32
    %xor3A_2218 = vector.broadcast %xor3A_2217 : i32 to vector<16xi32>
    %xor3A_2219 = arith.xori %iota3A, %xor3A_2218 : vector<16xi32>
    %lt3A_2220 = arith.constant 0 : i32
    %lt3A_2221 = vector.broadcast %lt3A_2220 : i32 to vector<16xi32>
    %lt3A_2222 = arith.cmpi slt, %xor3A_2219, %lt3A_2221 : vector<16xi32>
    %add3A_2223 = arith.constant 16 : i32
    %add3A_2224 = vector.broadcast %add3A_2223 : i32 to vector<16xi32>
    %add3A_2225 = arith.addi %xor3A_2219, %add3A_2224 : vector<16xi32>
    %select_n3A_2226 = arith.select %lt3A_2222, %add3A_2225, %xor3A_2219 : vector<16xi1>, vector<16xi32>
    %broadcast_in_dim3A_2227 = vector.shape_cast %select_n3A_2226 : vector<16xi32> to vector<16x1xi32>
    %gather3A_2228 = vector.shape_cast %broadcast_in_dim3A_2227 : vector<16x1xi32> to vector<16xi32>
    %gather3A_2229 = tpu.dynamic_gather %add3A_2216[%gather3A_2228] in [0] : vector<16xf32>, vector<16xi32> -> vector<16xf32>
    %add3A_2230 = arith.addf %add3A_2216, %gather3A_2229 : vector<16xf32>
    %xor3A_2231 = arith.constant 1 : i32
    %xor3A_2232 = vector.broadcast %xor3A_2231 : i32 to vector<16xi32>
    %xor3A_2233 = arith.xori %iota3A, %xor3A_2232 : vector<16xi32>
    %lt3A_2234 = arith.constant 0 : i32
    %lt3A_2235 = vector.broadcast %lt3A_2234 : i32 to vector<16xi32>
    %lt3A_2236 = arith.cmpi slt, %xor3A_2233, %lt3A_2235 : vector<16xi32>
    %add3A_2237 = arith.constant 16 : i32
    %add3A_2238 = vector.broadcast %add3A_2237 : i32 to vector<16xi32>
    %add3A_2239 = arith.addi %xor3A_2233, %add3A_2238 : vector<16xi32>
    %select_n3A_2240 = arith.select %lt3A_2236, %add3A_2239, %xor3A_2233 : vector<16xi1>, vector<16xi32>
    %broadcast_in_dim3A_2241 = vector.shape_cast %select_n3A_2240 : vector<16xi32> to vector<16x1xi32>
    %gather3A_2242 = vector.shape_cast %broadcast_in_dim3A_2241 : vector<16x1xi32> to vector<16xi32>
    %gather3A_2243 = tpu.dynamic_gather %add3A_2230[%gather3A_2242] in [0] : vector<16xf32>, vector<16xi32> -> vector<16xf32>
    %add3A_2244 = arith.addf %add3A_2230, %gather3A_2243 : vector<16xf32>
    %div3A_2245 = arith.divf %exp3A_2188, %add3A_2244 : vector<16xf32>
    %swap3A_2246 = arith.constant 3 : i32
    %swap3A_2247 = arith.index_cast %swap3A_2246 : i32 to index
    %swap3A_2248 = arith.constant 0 : index
    %swap3A_2249 = tpu.vector_load %arg5[%swap3A_2247, %swap3A_2248] {strides = array<i32>} : memref<4x16xf32, #tpu.memory_space<vmem>>, vector<1x16xf32>,
    %swap3A_2250 = vector.shape_cast %swap3A_2249 : vector<1x16xf32> to vector<16xf32>
    %swap3A_2251 = vector.shape_cast %div3A_2245 : vector<16xf32> to vector<1x16xf32>
    tpu.vector_store %arg5[%swap3A_2247, %swap3A_2248], %swap3A_2251 {strides = array<i32>} : memref<4x16xf32, #tpu.memory_space<vmem>>, vector<1x16xf32>,
    "tpu.region"() ({
      %run_scoped3A = tpu.sem_alloc : memref<!tpu.dma_semaphore, #tpu.memory_space<semaphore_mem>>
      tpu.enqueue_dma source(%arg5 : memref<4x16xf32, #tpu.memory_space<vmem>>) target(%arg3 : memref<4x16xf32, #tpu.memory_space<hbm>>) target_semaphore(%run_scoped3A : memref<!tpu.dma_semaphore, #tpu.memory_space<semaphore_mem>>)
      tpu.wait_dma2 semaphore(%run_scoped3A : memref<!tpu.dma_semaphore, #tpu.memory_space<semaphore_mem>>) src(%arg5 : memref<4x16xf32, #tpu.memory_space<vmem>>) dst(%arg3 : memref<4x16xf32, #tpu.memory_space<hbm>>)
      tpu.yield
    }) : () -> ()
    return
  }
}

module attributes {stable_mosaic.version = 14 : i64} {
  func.func @body(%arg0: i32, %arg1: i32, %arg2: memref<1x4x512x1024xf32, #tpu.memory_space<vmem>>, %arg3: memref<1x4xi32, #tpu.memory_space<vmem>>, %arg4: memref<16x1024xf32, #tpu.memory_space<vmem>>, %arg5: memref<1x16xf32, #tpu.memory_space<vmem>>, %arg6: memref<16x1024xf32, #tpu.memory_space<vmem>>, %arg7: memref<1x16xf32, #tpu.memory_space<vmem>>, %arg8: memref<4x16xf32, #tpu.memory_space<vmem>>, %arg9: memref<4x16xf32, #tpu.memory_space<vmem>>, %arg10: memref<8x16xf32, #tpu.memory_space<vmem>>, %arg11: memref<4x1024xf32, #tpu.memory_space<vmem>>) attributes {dimension_semantics = [#tpu.dimension_semantics<arbitrary>, #tpu.dimension_semantics<arbitrary>], iteration_bounds = array<i64: 4, 4>, scalar_prefetch = 0 : i64, scratch_operands = 1 : i64, tpu.core_type = #tpu.core_type<tc>, window_params = [{transform_indices = @transform_0, window_bounds = array<i64: 1, 4, 512, 1024>}, {pipeline_mode = #tpu.pipeline_mode<synchronous>, transform_indices = @transform_1, window_bounds = array<i64: 1, 4>}, {pipeline_mode = #tpu.pipeline_mode<synchronous>, transform_indices = @transform_2, window_bounds = array<i64: 16, 1024>}, {pipeline_mode = #tpu.pipeline_mode<synchronous>, transform_indices = @transform_3, window_bounds = array<i64: 1, 16>}, {pipeline_mode = #tpu.pipeline_mode<synchronous>, transform_indices = @transform_4, window_bounds = array<i64: 16, 1024>}, {pipeline_mode = #tpu.pipeline_mode<synchronous>, transform_indices = @transform_5, window_bounds = array<i64: 1, 16>}, {pipeline_mode = #tpu.pipeline_mode<synchronous>, transform_indices = @transform_6, window_bounds = array<i64: 4, 16>}, {pipeline_mode = #tpu.pipeline_mode<synchronous>, transform_indices = @transform_7, window_bounds = array<i64: 4, 16>}, {pipeline_mode = #tpu.pipeline_mode<synchronous>, transform_indices = @transform_8, window_bounds = array<i64: 8, 16>}]} {
    %eq3A = arith.constant 0 : i32
    %eq3A_0 = arith.cmpi eq, %arg0, %eq3A : i32
    %eq3A_1 = arith.constant 0 : i32
    %eq3A_2 = arith.cmpi eq, %arg1, %eq3A_1 : i32
    %and3A = arith.andi %eq3A_0, %eq3A_2 : i1
    %convert_element_type3A = arith.extui %and3A : i1 to i32
    %cond3A = arith.constant 0 : i32
    %cond3A_3 = arith.cmpi ne, %convert_element_type3A, %cond3A : i32
    scf.if %cond3A_3 {
      %broadcast_in_dim3A_29 = arith.constant 0.000000e+00 : f32
      %broadcast_in_dim3A_30 = vector.broadcast %broadcast_in_dim3A_29 : f32 to vector<4x1024xf32>
      %swap3A_31 = arith.constant 0 : index
      %swap3A_32 = arith.constant 0 : index
      %swap3A_33 = vector.load %arg11[%swap3A_31, %swap3A_32] : memref<4x1024xf32, #tpu.memory_space<vmem>>, vector<4x1024xf32>
      tpu.vector_store %arg11[%swap3A_31, %swap3A_32], %broadcast_in_dim3A_30 {strides = array<i32>} : memref<4x1024xf32, #tpu.memory_space<vmem>>, vector<4x1024xf32>,
    } else {
    }
    %get3A = arith.constant 0 : index
    %get3A_4 = arith.constant 0 : index
    %get3A_5 = arith.constant 0 : index
    %get3A_6 = arith.constant 0 : index
    %get3A_7 = vector.load %arg2[%get3A, %get3A_4, %get3A_5, %get3A_6] : memref<1x4x512x1024xf32, #tpu.memory_space<vmem>>, vector<1x4x512x1024xf32>
    %get3A_8 = vector.shape_cast %get3A_7 : vector<1x4x512x1024xf32> to vector<4x512x1024xf32>
    %reshape3A = vector.shape_cast %get3A_8 : vector<4x512x1024xf32> to vector<2048x1024xf32>
    %broadcast_in_dim3A = arith.constant 1.000000e+00 : f32
    %broadcast_in_dim3A_9 = vector.broadcast %broadcast_in_dim3A : f32 to vector<1x2048xf32>
    %dot_general3A = arith.constant dense<0.000000e+00> : vector<1x1024xf32>
    %dot_general3A_10 = tpu.matmul %broadcast_in_dim3A_9, %reshape3A, %dot_general3A {dimension_numbers = #tpu.dot_dimension_numbers<[1], [0], [0], [1], [0, 0, 1, 1], [], []>, transpose_lhs_hint = false} : vector<1x2048xf32>, vector<2048x1024xf32>, vector<1x1024xf32> -> vector<1x1024xf32>
    %iota3A = tpu.iota {dimensions = array<i32: 0>} : vector<4x1024xi32>
    %get3A_11 = arith.constant 0 : index
    %get3A_12 = arith.constant 0 : index
    %get3A_13 = vector.load %arg11[%get3A_11, %get3A_12] : memref<4x1024xf32, #tpu.memory_space<vmem>>, vector<4x1024xf32>
    %eq3A_14 = vector.broadcast %arg0 : i32 to vector<4x1024xi32>
    %eq3A_15 = arith.cmpi eq, %iota3A, %eq3A_14 : vector<4x1024xi32>
    %jit3A = arith.constant 0.000000e+00 : f32
    %broadcast_in_dim3A_16 = vector.shape_cast %dot_general3A_10 : vector<1x1024xf32> to vector<1x1024xf32>
    %broadcast_in_dim3A_17 = vector.broadcast %broadcast_in_dim3A_16 : vector<1x1024xf32> to vector<4x1024xf32>
    %broadcast_in_dim3A_18 = vector.broadcast %jit3A : f32 to vector<4x1024xf32>
    %select_n3A = arith.select %eq3A_15, %broadcast_in_dim3A_17, %broadcast_in_dim3A_18 : vector<4x1024xi1>, vector<4x1024xf32>
    %add3A = arith.addf %get3A_13, %select_n3A : vector<4x1024xf32>
    %swap3A = arith.constant 0 : index
    %swap3A_19 = arith.constant 0 : index
    %swap3A_20 = vector.load %arg11[%swap3A, %swap3A_19] : memref<4x1024xf32, #tpu.memory_space<vmem>>, vector<4x1024xf32>
    tpu.vector_store %arg11[%swap3A, %swap3A_19], %add3A {strides = array<i32>} : memref<4x1024xf32, #tpu.memory_space<vmem>>, vector<4x1024xf32>,
    %eq3A_21 = arith.constant 3 : i32
    %eq3A_22 = arith.cmpi eq, %arg0, %eq3A_21 : i32
    %eq3A_23 = arith.constant 3 : i32
    %eq3A_24 = arith.cmpi eq, %arg1, %eq3A_23 : i32
    %and3A_25 = arith.andi %eq3A_22, %eq3A_24 : i1
    %convert_element_type3A_26 = arith.extui %and3A_25 : i1 to i32
    %cond3A_27 = arith.constant 0 : i32
    %cond3A_28 = arith.cmpi ne, %convert_element_type3A_26, %cond3A_27 : i32
    scf.if %cond3A_28 {
      %get3A_29 = arith.constant 0 : index
      %get3A_30 = arith.constant 0 : index
      %get3A_31 = vector.load %arg11[%get3A_29, %get3A_30] : memref<4x1024xf32, #tpu.memory_space<vmem>>, vector<4x1024xf32>
      %mul3A = arith.constant 1.22070313E-4 : f32
      %mul3A_32 = vector.broadcast %mul3A : f32 to vector<4x1024xf32>
      %mul3A_33 = arith.mulf %get3A_31, %mul3A_32 : vector<4x1024xf32>
      %get3A_34 = arith.constant 0 : index
      %get3A_35 = arith.constant 0 : index
      %get3A_36 = vector.load %arg4[%get3A_34, %get3A_35] : memref<16x1024xf32, #tpu.memory_space<vmem>>, vector<16x1024xf32>
      %dot_general3A_37 = arith.constant dense<0.000000e+00> : vector<4x16xf32>
      %dot_general3A_38 = tpu.matmul %mul3A_33, %get3A_36, %dot_general3A_37 {dimension_numbers = #tpu.dot_dimension_numbers<[1], [1], [0], [0], [0, 0, 1, 0], [], []>, transpose_lhs_hint = false} : vector<4x1024xf32>, vector<16x1024xf32>, vector<4x16xf32> -> vector<4x16xf32>
      %get3A_39 = arith.constant 0 : index
      %get3A_40 = arith.constant 0 : index
      %get3A_41 = vector.load %arg5[%get3A_39, %get3A_40] : memref<1x16xf32, #tpu.memory_space<vmem>>, vector<1x16xf32>
      %add3A_42 = vector.broadcast %get3A_41 : vector<1x16xf32> to vector<4x16xf32>
      %add3A_43 = arith.addf %dot_general3A_38, %add3A_42 : vector<4x16xf32>
      %reduce_max3A = arith.constant dense<0xFF800000> : vector<4xf32>
      %reduce_max3A_44 = vector.multi_reduction <maximumf>, %add3A_43, %reduce_max3A [1] : vector<4x16xf32> to vector<4xf32>
      %max3A = arith.constant 0xFF800000 : f32
      %max3A_45 = vector.broadcast %max3A : f32 to vector<4xf32>
      %max3A_46 = arith.maximumf %max3A_45, %reduce_max3A_44 : vector<4xf32>
      %broadcast_in_dim3A_47 = vector.shape_cast %max3A_46 : vector<4xf32> to vector<4x1xf32>
      %sub3A = vector.broadcast %broadcast_in_dim3A_47 : vector<4x1xf32> to vector<4x16xf32>
      %sub3A_48 = arith.subf %add3A_43, %sub3A : vector<4x16xf32>
      %exp3A = math.exp %sub3A_48 : vector<4x16xf32>
      %reduce_sum3A = arith.constant dense<0.000000e+00> : vector<4xf32>
      %reduce_sum3A_49 = vector.multi_reduction <add>, %exp3A, %reduce_sum3A [1] : vector<4x16xf32> to vector<4xf32>
      %broadcast_in_dim3A_50 = vector.shape_cast %reduce_sum3A_49 : vector<4xf32> to vector<4x1xf32>
      %div3A = vector.broadcast %broadcast_in_dim3A_50 : vector<4x1xf32> to vector<4x16xf32>
      %div3A_51 = arith.divf %exp3A, %div3A : vector<4x16xf32>
      %get3A_52 = arith.constant 0 : index
      %get3A_53 = arith.constant 0 : index
      %get3A_54 = vector.load %arg6[%get3A_52, %get3A_53] : memref<16x1024xf32, #tpu.memory_space<vmem>>, vector<16x1024xf32>
      %dot_general3A_55 = arith.constant dense<0.000000e+00> : vector<4x16xf32>
      %dot_general3A_56 = tpu.matmul %mul3A_33, %get3A_54, %dot_general3A_55 {dimension_numbers = #tpu.dot_dimension_numbers<[1], [1], [0], [0], [0, 0, 1, 0], [], []>, transpose_lhs_hint = false} : vector<4x1024xf32>, vector<16x1024xf32>, vector<4x16xf32> -> vector<4x16xf32>
      %get3A_57 = arith.constant 0 : index
      %get3A_58 = arith.constant 0 : index
      %get3A_59 = vector.load %arg7[%get3A_57, %get3A_58] : memref<1x16xf32, #tpu.memory_space<vmem>>, vector<1x16xf32>
      %add3A_60 = vector.broadcast %get3A_59 : vector<1x16xf32> to vector<4x16xf32>
      %add3A_61 = arith.addf %dot_general3A_56, %add3A_60 : vector<4x16xf32>
      %get3A_62 = arith.constant 0 : index
      %get3A_63 = arith.constant 0 : index
      %get3A_64 = vector.load %arg8[%get3A_62, %get3A_63] : memref<4x16xf32, #tpu.memory_space<vmem>>, vector<4x16xf32>
      %custom_jvp_call3A = arith.constant 0.000000e+00 : f32
      %max3A_65 = vector.broadcast %custom_jvp_call3A : f32 to vector<4x16xf32>
      %max3A_66 = arith.maximumf %add3A_61, %max3A_65 : vector<4x16xf32>
      %sub3A_67 = vector.broadcast %custom_jvp_call3A : f32 to vector<4x16xf32>
      %sub3A_68 = arith.subf %add3A_61, %sub3A_67 : vector<4x16xf32>
      %ne3A = arith.cmpf one, %sub3A_68, %sub3A_68 : vector<4x16xf32>
      %add3A_69 = vector.broadcast %custom_jvp_call3A : f32 to vector<4x16xf32>
      %add3A_70 = arith.addf %add3A_61, %add3A_69 : vector<4x16xf32>
      %abs3A = math.absf %sub3A_68 : vector<4x16xf32>
      %neg3A = arith.constant 0.000000e+00 : f32
      %neg3A_71 = vector.broadcast %neg3A : f32 to vector<4x16xf32>
      %neg3A_72 = arith.subf %neg3A_71, %abs3A : vector<4x16xf32>
      %exp3A_73 = math.exp %neg3A_72 : vector<4x16xf32>
      %log1p3A = math.log1p %exp3A_73 : vector<4x16xf32>
      %add3A_74 = arith.addf %max3A_66, %log1p3A : vector<4x16xf32>
      %select_n3A_75 = arith.select %ne3A, %add3A_70, %add3A_74 : vector<4x16xi1>, vector<4x16xf32>
      %mul3A_76 = arith.mulf %get3A_64, %select_n3A_75 : vector<4x16xf32>
      %reduce_max3A_77 = arith.constant dense<0xFF800000> : vector<4xf32>
      %reduce_max3A_78 = vector.multi_reduction <maximumf>, %mul3A_76, %reduce_max3A_77 [1] : vector<4x16xf32> to vector<4xf32>
      %max3A_79 = arith.constant 0xFF800000 : f32
      %max3A_80 = vector.broadcast %max3A_79 : f32 to vector<4xf32>
      %max3A_81 = arith.maximumf %max3A_80, %reduce_max3A_78 : vector<4xf32>
      %broadcast_in_dim3A_82 = vector.shape_cast %max3A_81 : vector<4xf32> to vector<4x1xf32>
      %sub3A_83 = vector.broadcast %broadcast_in_dim3A_82 : vector<4x1xf32> to vector<4x16xf32>
      %sub3A_84 = arith.subf %mul3A_76, %sub3A_83 : vector<4x16xf32>
      %exp3A_85 = math.exp %sub3A_84 : vector<4x16xf32>
      %reduce_sum3A_86 = arith.constant dense<0.000000e+00> : vector<4xf32>
      %reduce_sum3A_87 = vector.multi_reduction <add>, %exp3A_85, %reduce_sum3A_86 [1] : vector<4x16xf32> to vector<4xf32>
      %broadcast_in_dim3A_88 = vector.shape_cast %reduce_sum3A_87 : vector<4xf32> to vector<4x1xf32>
      %div3A_89 = vector.broadcast %broadcast_in_dim3A_88 : vector<4x1xf32> to vector<4x16xf32>
      %div3A_90 = arith.divf %exp3A_85, %div3A_89 : vector<4x16xf32>
      %add3A_91 = arith.addf %div3A_51, %div3A_90 : vector<4x16xf32>
      %swap3A_92 = arith.constant 0 : index
      %swap3A_93 = arith.constant 0 : index
      %swap3A_94 = vector.load %arg9[%swap3A_92, %swap3A_93] : memref<4x16xf32, #tpu.memory_space<vmem>>, vector<4x16xf32>
      tpu.vector_store %arg9[%swap3A_92, %swap3A_93], %add3A_91 {strides = array<i32>} : memref<4x16xf32, #tpu.memory_space<vmem>>, vector<4x16xf32>,
      %get3A_95 = arith.constant 0 : index
      %get3A_96 = arith.constant 0 : index
      %get3A_97 = vector.load %arg3[%get3A_95, %get3A_96] : memref<1x4xi32, #tpu.memory_space<vmem>>, vector<1x4xi32>
      %convert_element_type3A_98 = arith.sitofp %get3A_97 : vector<1x4xi32> to vector<1x4xf32>
      %broadcast_in_dim3A_99 = arith.constant 0.000000e+00 : f32
      %broadcast_in_dim3A_100 = vector.broadcast %broadcast_in_dim3A_99 : f32 to vector<1x12xf32>
      %concatenate3A = tpu.concatenate %convert_element_type3A_98, %broadcast_in_dim3A_100 in 1 : vector<1x4xf32>, vector<1x12xf32> -> vector<1x16xf32>
      %broadcast_in_dim3A_101 = arith.constant 0.000000e+00 : f32
      %broadcast_in_dim3A_102 = vector.broadcast %broadcast_in_dim3A_101 : f32 to vector<3x16xf32>
      %concatenate3A_103 = tpu.concatenate %add3A_91, %concatenate3A, %broadcast_in_dim3A_102 in 0 : vector<4x16xf32>, vector<1x16xf32>, vector<3x16xf32> -> vector<8x16xf32>
      %swap3A_104 = arith.constant 0 : index
      %swap3A_105 = arith.constant 0 : index
      %swap3A_106 = vector.load %arg10[%swap3A_104, %swap3A_105] : memref<8x16xf32, #tpu.memory_space<vmem>>, vector<8x16xf32>
      tpu.vector_store %arg10[%swap3A_104, %swap3A_105], %concatenate3A_103 {strides = array<i32>} : memref<8x16xf32, #tpu.memory_space<vmem>>, vector<8x16xf32>,
    } else {
    }
    return
  }
  func.func @transform_0(%arg0: i32, %arg1: i32) -> (i32, i32, i32, i32) {
    %c0_i32 = arith.constant 0 : i32
    %c0_i32_0 = arith.constant 0 : i32
    %c0_i32_1 = arith.constant 0 : i32
    return %arg0, %arg1, %c0_i32, %c0_i32_0 : i32, i32, i32, i32
  }
  func.func @transform_1(%arg0: i32, %arg1: i32) -> (i32, i32) {
    %c0_i32 = arith.constant 0 : i32
    %c0_i32_0 = arith.constant 0 : i32
    %c0_i32_1 = arith.constant 0 : i32
    return %c0_i32, %c0_i32_0 : i32, i32
  }
  func.func @transform_2(%arg0: i32, %arg1: i32) -> (i32, i32) {
    %c0_i32 = arith.constant 0 : i32
    %c0_i32_0 = arith.constant 0 : i32
    %c0_i32_1 = arith.constant 0 : i32
    return %c0_i32, %c0_i32_0 : i32, i32
  }
  func.func @transform_3(%arg0: i32, %arg1: i32) -> (i32, i32) {
    %c0_i32 = arith.constant 0 : i32
    %c0_i32_0 = arith.constant 0 : i32
    %c0_i32_1 = arith.constant 0 : i32
    return %c0_i32, %c0_i32_0 : i32, i32
  }
  func.func @transform_4(%arg0: i32, %arg1: i32) -> (i32, i32) {
    %c0_i32 = arith.constant 0 : i32
    %c0_i32_0 = arith.constant 0 : i32
    %c0_i32_1 = arith.constant 0 : i32
    return %c0_i32, %c0_i32_0 : i32, i32
  }
  func.func @transform_5(%arg0: i32, %arg1: i32) -> (i32, i32) {
    %c0_i32 = arith.constant 0 : i32
    %c0_i32_0 = arith.constant 0 : i32
    %c0_i32_1 = arith.constant 0 : i32
    return %c0_i32, %c0_i32_0 : i32, i32
  }
  func.func @transform_6(%arg0: i32, %arg1: i32) -> (i32, i32) {
    %c0_i32 = arith.constant 0 : i32
    %c0_i32_0 = arith.constant 0 : i32
    %c0_i32_1 = arith.constant 0 : i32
    return %c0_i32, %c0_i32_0 : i32, i32
  }
  func.func @transform_7(%arg0: i32, %arg1: i32) -> (i32, i32) {
    %c0_i32 = arith.constant 0 : i32
    %c0_i32_0 = arith.constant 0 : i32
    %c0_i32_1 = arith.constant 0 : i32
    return %c0_i32, %c0_i32_0 : i32, i32
  }
  func.func @transform_8(%arg0: i32, %arg1: i32) -> (i32, i32) {
    %c0_i32 = arith.constant 0 : i32
    %c0_i32_0 = arith.constant 0 : i32
    %c0_i32_1 = arith.constant 0 : i32
    return %c0_i32, %c0_i32_0 : i32, i32
  }
}

</mosaic_0001>

<sc_bundles>
// kernel: kernel.4.cloned.1.call-start
scs
__scs_entry_jumppad:
0x0: {  	(pc) =	sbr.rel $0x88, $3  }
0x1: {  	(tag) =	ssettag $0x0;
	lr =	simm.s32 $0x1  }
0x2: {  	[smem:$0x3F9B] =	sst lr;
	_ =	strace $0xD0000000  }
0x3: {  	_ = 	snop  }
0x4: {  	_ = 	snop  }
0x5: {  	_ = 	snop  }
0x6: {  	_ = 	snop  }
0x7: {  	_ = 	snop  }
__scs_overlays_trampoline_lowered:
0x8: {  	[smem:$0x3FAA] =	sst s0  }
0x9: {  	[smem:$0x3FAB] =	sst s1  }
0xa: {  	[smem:$0x3FAC] =	sst s2  }
0xb: {  	[smem:$0x3FAD] =	sst s3  }
0xc: {  	[smem:$0x3FAE] =	sst s4  }
0xd: {  	[smem:$0x3FAF] =	sst s5  }
0xe: {  	[smem:$0x3FB0] =	sst s6  }
0xf: {  	[smem:$0x3FB1] =	sst s7  }
0x10: {  	[smem:$0x3FB2] =	sst s8  }
0x11: {  	[smem:$0x3FB3] =	sst s9;
	s0 =	simm.s32 @!p0 $0x0  }
0x12: {  	s1 =	sld [smem:$0x3F99];
	s0 =	simm.s32 @p0 $0x1  }
0x13: {  	[smem:$0x3FB4] =	sst s0;
	s0 =	simm.s32 @!p1 $0x0  }
0x14: {  	s2 =	sld [smem:$0x3F98];
	s0 =	simm.s32 @p1 $0x1  }
0x15: {  	[smem:$0x3FB5] =	sst s0;
	s0 =	simm.s32 @!p2 $0x0  }
0x16: {  	s3 =	sld [smem:$0x3FDB];
	s0 =	simm.s32 @p2 $0x1  }
0x17: {  	s4 =	simm.s32 $0x1BF5;
	[smem:$0x3FB7] =	sst s0  }
0x18: {  	s0 =	sld [smem:$0x3F9A];
	_ =	swait.ge [sflag:s4], $0x0  }
0x19: {  	s7 =	sld [smem:$0x3F9B]  }
0x1a: {  	s8 =	sadd.s32 $0xFFFFE003, lr  }
0x1b: {  	s9 =	sadd.s32 $0xFFFFFEF7, lr;
	s5 =	simm.s32 $0xFFFFFFFF;
	p2 =	slt.u32 s8, $0xFFFFF086  }
0x1c: {  	p1 =	slt.u32 s9, $0xF7A;
	s5 =	simm.s32 @!p2 $0x0  }
0x1d: {  	s5 =	simm.s32 @p1 $0x1;
	p0 =	seq.s32 s7, s2  }
0x1e: {  	s7 =	smul.u32 @!p0 $0xF7A, s2;
	p2 =	seq.s32 @!p0 s5, $0x0  }
0x1f: {  	s9 =	smul.u32 $0xF7A, s1;
	s8 =	simm.s32 @!p0 $0x1BF5;
	p2 =	por !p2, p0  }
0x20: {  	[sflag:s8] =	ssyncset.s32 @!p0 $0xFFFFF086;
	s6 =	sadd.s32 @!p0 s3, s7;
	s7 =	simm.s32 @!p0 $0x108  }
0x21: {  	s3 =	sadd.s32 s3, s9;
	s6 =	sadd.s32 @!p0 $0x88, s6;
	s7 =	simm.s32 @p2 $0x1082  }
0x22: {  	[simem:s7], [sflag:s8] =	dma.local @!p0 [hbm:s6], $0xF7A  }
0x23: {  	s9 =	sor.u32 $0xD0000000, s2;
	s6 =	simm.s32 $0x108;
	_ =	swait.ge @!p0 [sflag:s8], $0x0  }
0x24: {  	s3 =	sadd.s32 $0x88, s3;
	s6 =	simm.s32 @!p1 $0x1082;
	[sflag:s4] =	ssyncset.s32 $0xFFFFF086  }
0x25: {  	[simem:s6], [sflag:s4] =	dma.local [hbm:s3], $0xF7A  }
0x26: {  	[smem:$0x3F9B] =	sst s1;
	(tag) =	ssettag s2;
	_ =	strace s9  }
0x27: {  	s1 =	sld [smem:$0x3FAB]  }
0x28: {  	s2 =	sld [smem:$0x3FAC]  }
0x29: {  	s4 =	sld [smem:$0x3FAE]  }
0x2a: {  	p0 =	seq.s32 s5, $0x0;
	s5 =	sld [smem:$0x3FAF]  }
0x2b: {  	s6 =	sld [smem:$0x3FB0]  }
0x2c: {  	s7 =	sld [smem:$0x3FB1]  }
0x2d: {  	s3 =	simm.s32 $0x108;
	s8 =	sld [smem:$0x3FB2]  }
0x2e: {  	s3 =	simm.s32 @!p0 $0x1082;
	s9 =	sld [smem:$0x3FB3]  }
0x2f: {  	lr =	sadd.s32 s0, s3;
	s0 =	sld [smem:$0x3FAA]  }
0x30: {  	s3 =	sld [smem:$0x3FAD]  }
0x31: {  	[smem:$0x3FB6] =	sst s10  }
0x32: {  	s10 =	sld [smem:$0x3FB4];
	_ =	sdelay $0x3  }
0x33: {  	p0 =	seq.s32 s10, $0x1;
	s10 =	sld [smem:$0x3FB6];
	_ =	sdelay $0x3  }
0x34: {  	[smem:$0x3FB6] =	sst s10  }
0x35: {  	s10 =	sld [smem:$0x3FB5];
	_ =	sdelay $0x3  }
0x36: {  	p1 =	seq.s32 s10, $0x1;
	s10 =	sld [smem:$0x3FB6];
	_ =	sdelay $0x3  }
0x37: {  	[smem:$0x3FB6] =	sst s10  }
0x38: {  	s10 =	sld [smem:$0x3FB7]  }
0x39: {  	_ = 	snop;
	(pc) =	sbr.ind lr, $3  }
0x3a: {  	_ = 	snop  }
0x3b: {  	_ = 	snop  }
0x3c: {  	p2 =	seq.s32 s10, $0x1;
	s10 =	sld [smem:$0x3FB6]  }
0x3d: {  	_ =	shalt  }
0x3e: {  	_ =	shalt  }
0x3f: {  	_ =	shalt  }
0x40: {  	_ =	shalt  }
0x41: {  	_ =	shalt  }
0x42: {  	_ =	shalt  }
0x43: {  	_ =	shalt  }
0x44: {  	_ =	shalt  }
0x45: {  	_ =	shalt  }
0x46: {  	_ =	shalt  }
0x47: {  	_ =	shalt  }
0x48: {  	_ =	shalt  }
0x49: {  	_ =	shalt  }
0x4a: {  	_ =	shalt  }
0x4b: {  	_ =	shalt  }
0x4c: {  	_ =	shalt  }
0x4d: {  	_ =	shalt  }
0x4e: {  	_ =	shalt  }
0x4f: {  	_ =	shalt  }
0x50: {  	_ =	shalt  }
0x51: {  	_ =	shalt  }
0x52: {  	_ =	shalt  }
0x53: {  	_ =	shalt  }
0x54: {  	_ =	shalt  }
0x55: {  	_ =	shalt  }
0x56: {  	_ =	shalt  }
0x57: {  	_ =	shalt  }
0x58: {  	_ =	shalt  }
0x59: {  	_ =	shalt  }
0x5a: {  	_ =	shalt  }
0x5b: {  	_ =	shalt  }
0x5c: {  	_ =	shalt  }
0x5d: {  	_ =	shalt  }
0x5e: {  	_ =	shalt  }
0x5f: {  	_ =	shalt  }
0x60: {  	_ =	shalt  }
0x61: {  	_ =	shalt  }
0x62: {  	_ =	shalt  }
0x63: {  	_ =	shalt  }
0x64: {  	_ =	shalt  }
0x65: {  	_ =	shalt  }
0x66: {  	_ =	shalt  }
0x67: {  	_ =	shalt  }
0x68: {  	_ =	shalt  }
0x69: {  	_ =	shalt  }
0x6a: {  	_ =	shalt  }
0x6b: {  	_ =	shalt  }
0x6c: {  	_ =	shalt  }
0x6d: {  	_ =	shalt  }
0x6e: {  	_ =	shalt  }
0x6f: {  	_ =	shalt  }
0x70: {  	_ =	shalt  }
0x71: {  	_ =	shalt  }
0x72: {  	_ =	shalt  }
0x73: {  	_ =	shalt  }
0x74: {  	_ =	shalt  }
0x75: {  	_ =	shalt  }
0x76: {  	_ =	shalt  }
0x77: {  	_ =	shalt  }
0x78: {  	_ =	shalt  }
0x79: {  	_ =	shalt  }
0x7a: {  	_ =	shalt  }
0x7b: {  	_ =	shalt  }
0x7c: {  	_ =	shalt  }
0x7d: {  	_ =	shalt  }
0x7e: {  	_ =	shalt  }
0x7f: {  	_ =	shalt  }
0x80: {  	_ =	shalt  }
0x81: {  	_ =	shalt  }
0x82: {  	_ =	shalt  }
0x83: {  	_ =	shalt  }
0x84: {  	_ =	shalt  }
0x85: {  	_ =	shalt  }
0x86: {  	_ =	shalt  }
0x87: {  	_ =	shalt  }
.Lfunc_end0:
.L_simem_size_0:
called_computation_lowered:
.L_overlay_start_0:
0x88: {  	s0 =	sld [smem:$0x3FD9]  }
0x89: {  	s1 =	sld [smem:$0x3FFE];
	_ =	sdelay $0x3  }
0x8a: {  	s0 =	sadd.s32 s1, s0  }
0x8b: {  	[smem:$0x3FC2] =	sst s0  }
0x8c: {  	_ = 	snop  }
0x8d: {  	s0 =	sld [smem:$0x3FD0];
	_ =	sdelay $0x2  }
0x8e: {  	s13 =	simm.s32 $0xA;
	s2 =	simm.s32 $0x10  }
0x8f: {  	[smem:s2], [sflag:s13] =	dma.local [hbm:s0], $0x1  }
0x90: {  	_ =	swait.eq [sflag:s13], $0x1  }
0x91: {  	[sflag:s13] =	ssyncset.done $0x0  }
0x92: {  	[sflag:s13] =	ssyncadd.s32 $0xFFFFFFFF  }
0x93: {  	s14 =	sld [smem:$0x10];
	(tm) =	ssettm $0x1  }
0x94: {  	s15 =	sld [smem:$0x3FFB];
	_ =	sdelay $0x3  }
0x95: {  	_ =	strace s15  }
0x96: {  	s1 =	sld [smem:$0x3FFC];
	_ =	sdelay $0x3  }
0x97: {  	_ =	strace s1  }
0x98: {  	s1 =	sld [smem:$0x3FFD];
	_ =	sdelay $0x3  }
0x99: {  	_ =	strace s1  }
0x9a: {  	_ =	strace $0x8FFFFFFF  }
0x9b: {  	s16 =	sld [smem:$0x3FDB];
	_ =	sdelay $0x1  }
0x9c: {  	s17 =	simm.s32 $_scs_section_size  }
0x9d: {  	s3 =	simm.s32 $_size__tile_overlayer_lowered;
	s4 =	simm.s32 $_tile_overlayer_lowered  }
0x9e: {  	s20 =	simm.s32 $0x1BFF;
	s19 =	sshll.u32 s4, $0x1;
	s1 =	sadd.s32 s17, s16  }
0x9f: {  	s5 =	simm.s32 $0x0;
	s18 =	sshll.u32 s3, $0x1;
	s3 =	sadd.s32 s19, s1  }
0xa0: {  	[timem:s5], [sflag:s20] =	dma.local [hbm:s3], s18  }
0xa1: {  	_ =	swait.ge [sflag:s20], s18  }
0xa2: {  	s2 =	ssub.s32 $0x0, s18;
	[sflag:s20] =	ssyncset.done $0x0  }
0xa3: {  	[sflag:s20] =	ssyncadd.s32 s2;
	_ =	sdelay $0x1  }
0xa4: {  	s21 =	simm.s32 $0x1B8B  }
0xa5: {  	_ =	swait.ge [sflag:s21], $0x1  }
0xa6: {  	[sflag:s21] =	ssyncset.done $0x0  }
0xa7: {  	s23 =	simm.s32 $0x1B8E;
	s22 =	sld [smem:$0x3FFE];
	[sflag:s21] =	ssyncadd.s32 $0xFFFFFFFF  }
0xa8: {  	s24 =	simm.s32 $execute0_lowered;
	[smem:$0x3FD2] =	sst s23  }
0xa9: {  	s3 =	sshll.u32 s24, $0x1;
	_ =	strace $0x80000046;
	[dreg:$0x1] =	wrdreg $0xFFFFFFFF  }
0xaa: {  	s25 =	simm.s32 $_size_execute0_lowered;
	s1 =	sadd.s32 s1, s3;
	[dreg:$0x0] =	wrdreg $0x0  }
0xab: {  	s3 =	sshll.u32 s25, $0x1;
	[dreg:$0x2] =	wrdreg s1  }
0xac: {  	[dreg:$0x3] =	wrdreg s3  }
0xad: {  	[dreg:$0x4] =	wrdreg $0xC0  }
0xae: {  	_ =	task [dreg:s5], $0x5FFFF  }
0xaf: {  	[dreg:$0x1] =	wrdreg $0xFFFFFFFF  }
0xb0: {  	[dreg:$0x0] =	wrdreg $0x60  }
0xb1: {  	[dreg:$0x2] =	wrdreg s22  }
0xb2: {  	[dreg:$0x3] =	wrdreg s14  }
0xb3: {  	[dreg:$0x4] =	wrdreg $0x9  }
0xb4: {  	_ =	task.clear_ibuf [dreg:s5], $0x5FFFF;
	_ =	strace $0x90000046  }
0xb5: {  	s26 =	simm.s32 $0x9;
	_ =	strace $0x80000048  }
0xb6: {  	_ =	swait.ge [sflag:s26], $0x1  }
0xb7: {  	[sflag:s26] =	ssyncadd.s32 $0xFFFFFFFF  }
0xb8: {  	_ =	strace $0x90000048  }
0xb9: {  	_ =	sfence  }
0xba: {  	s28 =	sld [smem:$0x0];
	_ =	sdelay $0x1  }
0xbb: {  	s29 =	srdreg.scid  }
0xbc: {  	s30 =	sshll.u32 s29, $0xD;
	s31 =	sshrl.u32 s29, $0x2  }
0xbd: {  	s2 =	sand.u32 $0x4000, s30;
	s1 =	sand.u32 $0x1, s29;
	s0 =	sadd.s32 s31, s28  }
0xbe: {  	s1 =	sor.u32 s2, s1;
	s0 =	sshll.u32 s0, $0x11  }
0xbf: {  	s0 =	sor.u32 s0, s1  }
0xc0: {  	s0 =	sadd.s32 $0x8F2B, s0  }
0xc1: {  	[sflag:s0] =	ssyncadd.remote.s32 $0x1  }
0xc2: {  	_ =	sfence.sel $0xFFFF  }
0xc3: {  	[dreg:$0x0] =	wrdreg $0xFFFFFFFF;
	(pc) =	sbr.abs _section_cstart, $3  }
0xc4: {  	[dreg:$0x1] =	wrdreg $0xFFFFFFFF  }
0xc5: {  	_ =	task.clear_ibuf [dreg:s5], $0x2FFFF;
	_ =	strace $0x9FFFFFFF  }
0xc6: {  	(tm) =	ssettm $0x7FFFFFFF  }
0xc7: {  	_ =	shalt  }
tec
execute0_lowered:
.L_overlay_start_1:
0x0: {  	(tag) =	ssettag $0x1  }
0x1: {  	s3 =	stileid.u32  }
0x2: {  	p0 =	sne.s32 s3, $0x0  }
.Ltmp0:
0x3: {  	_ = 	snop;
	(pc) =	sbr.rel @p0 .LBB2_2-.Ltmp0, $4  }
0x4: {  	_ = 	snop  }
0x5: {  	s2 =	rddreg [dreg:$0x0]  }
0x6: {  	s1 =	rddreg [dreg:$0x1]  }
0x7: {  	s0 =	rddreg [dreg:$0x2];
	_ =	strace $0x80000047  }
0x8: {  	s2 =	sadd.s32 $0x1400, s2;
	s3 =	simm.s32 $0x0;
	s31 =	simm.s32 $0x1  }
0x9: {  	[tilespmem:s3], [sflag:$0x1] =	stream.linear.gather [hbm4b:s2+s3], $0x400, $0x38;
	[tilespmem:$0x600] =	vst v63  }
0xa: {  	_ =	swait.ge [sflag:s31], $0x400  }
0xb: {  	[sflag:s31] =	ssyncset.done $0x0  }
0xc: {  	[sflag:s31] =	ssyncadd.s32 $0xFFFFFC00  }
0xd: {  	v22 =	vld [tilespmem:$0x0];
	_ =	sdelay $0x1  }
0xe: {  	v15 =	vimm.s32 $0x0  }
0xf: {  	v16 =	vimm.s32 $0x1;
	v12 =	vimm.s32 $0x2;
	v14 =	vimm.s32 $0x4  }
0x10: {  	v13 =	vimm.s32 $0x5;
	v8 =	vimm.s32 $0x6;
	v9 =	vimm.s32 $0x7  }
0x11: {  	v10 =	vimm.s32 $0x8;
	v0 =	vperm.xlane v22, v15;
	v1 =	vperm.xlane v22, v16  }
0x12: {  	v6 =	vimm.s32 $0x9;
	v24 =	vld [tilespmem:$0x80];
	v2 =	vperm.xlane v22, v12;
	v3 =	vperm.xlane v22, v14  }
0x13: {  	v11 =	vimm.s32 $0xA;
	v40 =	vperm.xlane v22, v13;
	v41 =	vperm.xlane v22, v8  }
0x14: {  	v4 =	vimm.s32 $0xB;
	v42 =	vperm.xlane v22, v9;
	v43 =	vperm.xlane v22, v10  }
0x15: {  	v7 =	vimm.s32 $0xC;
	v44 =	vperm.xlane v22, v6;
	v45 =	vperm.xlane v22, v11  }
0x16: {  	v5 =	vimm.s32 $0xD;
	v46 =	vperm.xlane v22, v4;
	v47 =	vperm.xlane v22, v7  }
0x17: {  	vm2 =	vcmask $0x3F04;
	v48 =	vperm.xlane v22, v5;
	v35 =	vperm.xlane v24, v15  }
0x18: {  	vm14 =	vcmask $0x3F08;
	v36 =	vperm.xlane v24, v16;
	v50 =	vperm.xlane v24, v12  }
0x19: {  	vm4 =	vcmask $0x3F0C;
	v52 =	vperm.xlane v24, v14;
	v53 =	vperm.xlane v24, v13  }
0x1a: {  	vm5 =	vcmask $0x3F18;
	v54 =	vperm.xlane v24, v8;
	v55 =	vperm.xlane v24, v9  }
0x1b: {  	v60 =	vimm.s32 $0x76543210;
	v56 =	vperm.xlane v24, v10;
	v57 =	vperm.xlane v24, v6  }
0x1c: {  	v61 =	vimm.s32 $0xFEDCBA98;
	v59 =	vperm.xlane v24, v11;
	v63 =	vperm.xlane v24, v7  }
0x1d: {  	vm0 =	veq.f32 v0, v22;
	vm1 =	vgt.f32 v0, v22;
	v0 =	vimm.f32 $0.0e+00  }
0x1e: {  	vm12 =	vgt.f32 v1, v22;
	vm13 =	veq.f32 v1, v22;
	vm15 =	veq.f32 v2, v22  }
0x1f: {  	vm3 =	vgt.f32 v2, v22;
	v1 =	vimm.s32 $0x3;
	vm11 =	veq.f32 v3, v22  }
0x20: {  	vm7 =	veq.f32 v42, v22;
	v2 =	vimm.s32 $0xE;
	vm0 =	vmand vm0, vm2  }
0x21: {  	vm2 =	vmand vm15, vm4;
	v39 =	vperm.xlane v22, v1;
	vm15 =	veq.f32 v40, v22  }
0x22: {  	vm4 =	veq.f32 v45, v22;
	v26 =	vperm.xlane v22, v2;
	v51 =	vperm.xlane v24, v1  }
0x23: {  	vm0 =	vmor vm1, vm0;
	vm1 =	vmand vm13, vm14;
	vm8 =	vmor vm3, vm2  }
0x24: {  	vm14 =	vcmask $0x3F10;
	vm13 =	vcmask $0x3F14;
	vm3 =	vmand vm15, vm5  }
0x25: {  	vm15 =	vgt.f32 v41, v22;
	vm5 =	vcmask $0x3F24;
	v17 =	vsel vm0, $0x3F800000, v0  }
0x26: {  	vm0 =	vmor vm12, vm1;
	v19 =	vsel vm8, $0x3F800000, v0;
	vm9 =	veq.f32 v39, v22  }
0x27: {  	vm10 =	vgt.f32 v39, v22;
	vm12 =	vgt.f32 v3, v22;
	vm2 =	vmand vm11, vm13  }
0x28: {  	vm8 =	vgt.f32 v40, v22;
	vm11 =	veq.f32 v41, v22;
	v3 =	vimm.s32 $0xF  }
0x29: {  	v29 =	vsel vm0, $0x3F800000, v0;
	vm0 =	vmand vm9, vm14;
	vm9 =	vmor vm12, vm2  }
0x2a: {  	vm12 =	vcmask $0x3F1C;
	v49 =	vperm.xlane v22, v3;
	vm0 =	vmor vm10, vm0  }
0x2b: {  	vm10 =	vmor vm8, vm3;
	vm2 =	vmand vm11, vm12;
	v32 =	vsel vm9, $0x3F800000, v0  }
0x2c: {  	vm11 =	vcmask $0x3F20;
	vm9 =	vgt.f32 v42, v22;
	vm8 =	vcmask $0x3F2C  }
0x2d: {  	v17 =	vadd.f32 v29, v17;
	v29 =	vunpack.c.l.s4.s8 v61;
	v33 =	vsel vm0, $0x3F800000, v0  }
0x2e: {  	v30 =	vsel vm10, $0x3F800000, v0;
	vm6 =	vmor vm15, vm2;
	vm1 =	vmand vm7, vm11  }
0x2f: {  	vm15 =	veq.f32 v43, v22;
	vm7 =	veq.f32 v44, v22;
	v23 =	vsel vm6, $0x3F800000, v0  }
0x30: {  	vm10 =	vmor vm9, vm1;
	vm6 =	vgt.f32 v43, v22;
	vm1 =	vmand vm15, vm5  }
0x31: {  	vm15 =	vgt.f32 v44, v22;
	vm9 =	veq.f32 v46, v22;
	v17 =	vadd.f32 v19, v17  }
0x32: {  	v44 =	vperm.xlane v24, v4;
	v29 =	vunpack.c.0.s8.s32 v29;
	v18 =	vsel vm10, $0x3F800000, v0  }
0x33: {  	vm0 =	vmor vm6, vm1;
	vm10 =	vcmask $0x3F28;
	vm6 =	veq.f32 v47, v22  }
0x34: {  	vm1 =	vmand vm7, vm10;
	v25 =	vsel vm0, $0x3F800000, v0;
	vm0 =	vgt.f32 v45, v22  }
0x35: {  	vm7 =	vcmask $0x3F30;
	v17 =	vadd.f32 v33, v17;
	v45 =	vunpack.c.l.s4.s8 v60  }
0x36: {  	v29 =	vand.u32 $0xF, v29;
	vm1 =	vmor vm15, vm1;
	vm15 =	vgt.f32 v46, v22  }
0x37: {  	vm2 =	vmand vm9, vm7;
	vm9 =	vcmask $0x3F34;
	v20 =	vsel vm1, $0x3F800000, v0  }
0x38: {  	vm1 =	vmand vm4, vm8;
	vm4 =	vmor vm15, vm2;
	vm15 =	veq.f32 v48, v22  }
0x39: {  	vm2 =	veq.f32 v26, v22;
	v17 =	vadd.f32 v32, v17;
	vm0 =	vmor vm0, vm1  }
0x3a: {  	v21 =	vsel vm4, $0x3F800000, v0;
	vm1 =	vgt.f32 v47, v22;
	vm4 =	vgt.f32 v48, v22  }
0x3b: {  	v27 =	vsel vm0, $0x3F800000, v0;
	vm0 =	vmand vm6, vm9;
	vm6 =	vcmask $0x3F38  }
0x3c: {  	v47 =	vunpack.c.0.s8.s32 v45;
	v48 =	vimm.s32 $0xBA98FEDC;
	vm15 =	vmand vm15, vm6  }
0x3d: {  	v17 =	vadd.f32 v30, v17;
	vm0 =	vmor vm1, vm0;
	vm1 =	vmor vm4, vm15  }
0x3e: {  	vm15 =	vcmask $0x3F3C;
	v34 =	vsel vm0, $0x3F800000, v0;
	vm4 =	vgt.f32 v49, v22  }
0x3f: {  	v23 =	vadd.f32 v23, v17;
	v49 =	vimm.s32 $0x32107654;
	v17 =	vcombine.low v29, v47  }
0x40: {  	vm2 =	vmand vm2, vm15;
	vm15 =	vgt.f32 v26, v22;
	v31 =	vsel vm1, $0x3F800000, v0  }
0x41: {  	v26 =	vsel vm4, $0x3F800000, v0;
	vm4 =	vcmask $0x3F04;
	vm2 =	vmor vm15, vm2  }
0x42: {  	vm15 =	veq.f32 v35, v24;
	v18 =	vadd.f32 v18, v23;
	v28 =	vsel vm2, $0x3F800000, v0  }
0x43: {  	vm0 =	vmand vm15, vm4;
	vm15 =	vgt.f32 v35, v24;
	vm4 =	veq.f32 v36, v24  }
0x44: {  	vm0 =	vmor vm15, vm0;
	vm15 =	vcmask $0x3F08;
	v25 =	vadd.f32 v25, v18  }
0x45: {  	v37 =	vsel vm0, $0x3F800000, v0;
	vm0 =	vmand vm4, vm15;
	vm4 =	vgt.f32 v36, v24  }
0x46: {  	vm2 =	veq.f32 v44, v24;
	vm15 =	veq.f32 v50, v24;
	vm0 =	vmor vm4, vm0  }
0x47: {  	vm4 =	vcmask $0x3F0C;
	v20 =	vadd.f32 v20, v25;
	v38 =	vsel vm0, $0x3F800000, v0  }
0x48: {  	v19 =	vld [tilespmem:$0x200];
	vm0 =	vmand vm15, vm4;
	vm15 =	vgt.f32 v50, v24;
	vm4 =	veq.f32 v51, v24  }
0x49: {  	v50 =	vunpack.c.l.s4.s8 v48;
	v48 =	vperm.xlane v24, v3;
	vm0 =	vmor vm15, vm0  }
0x4a: {  	vm15 =	vmand vm4, vm14;
	vm4 =	vgt.f32 v51, v24;
	v62 =	vadd.f32 v38, v37  }
0x4b: {  	v51 =	vunpack.c.l.s4.s8 v49;
	v20 =	vadd.f32 v27, v20;
	v39 =	vsel vm0, $0x3F800000, v0  }
0x4c: {  	vm0 =	vmor vm4, vm15;
	vm15 =	veq.f32 v52, v24;
	v29 =	vunpack.c.0.s8.s32 v50  }
0x4d: {  	v50 =	vperm.xlane v19, v15;
	v40 =	vsel vm0, $0x3F800000, v0;
	vm4 =	vmand vm15, vm13  }
0x4e: {  	vm13 =	vgt.f32 v52, v24;
	vm15 =	veq.f32 v53, v24;
	v32 =	vadd.f32 v39, v62  }
0x4f: {  	v21 =	vadd.f32 v21, v20;
	vm0 =	vmor vm13, vm4;
	vm4 =	vcmask $0x3F18  }
0x50: {  	vm13 =	vgt.f32 v53, v24;
	v41 =	vsel vm0, $0x3F800000, v0;
	vm0 =	vmand vm15, vm4  }
0x51: {  	vm15 =	veq.f32 v54, v24;
	v46 =	vadd.f32 v40, v32;
	v32 =	vunpack.c.0.s8.s32 v51  }
0x52: {  	v40 =	vimm.s32 $0x67452301;
	v21 =	vadd.f32 v34, v21;
	vm0 =	vmor vm13, vm0  }
0x53: {  	vm4 =	vmand vm15, vm12;
	vm13 =	vmmov vm12;
	vm12 =	vgt.f32 v54, v24  }
0x54: {  	vm15 =	veq.f32 v55, v24;
	v54 =	vperm.xlane v19, v17;
	v27 =	vunpack.c.l.s4.s8 v40  }
0x55: {  	v42 =	vsel vm0, $0x3F800000, v0;
	vm0 =	vmor vm12, vm4;
	vm4 =	vmand vm15, vm11  }
0x56: {  	vm12 =	vgt.f32 v55, v24;
	vm15 =	veq.f32 v56, v24;
	v30 =	vadd.f32 v41, v46  }
0x57: {  	v29 =	vcombine.low v32, v29;
	v31 =	vadd.f32 v31, v21;
	v43 =	vsel vm0, $0x3F800000, v0  }
0x58: {  	vm0 =	vmor vm12, vm4;
	vm1 =	vmand vm15, vm5;
	vm4 =	vgt.f32 v56, v24  }
0x59: {  	vm12 =	veq.f32 v57, v24;
	vm15 =	vgt.f32 v57, v24;
	v57 =	vimm.s32 $0xDCFE98BA  }
0x5a: {  	v27 =	vunpack.c.0.s8.s32 v27;
	v58 =	vsel vm0, $0x3F800000, v0;
	vm5 =	vmor vm4, vm1  }
0x5b: {  	vm0 =	vmand vm12, vm10;
	vm4 =	veq.f32 v59, v24;
	vm12 =	vmmov vm8  }
0x5c: {  	v53 =	vadd.f32 v42, v30;
	v30 =	vmax.f32 v19, v54;
	v18 =	vand.u32 $0xF, v29  }
0x5d: {  	v47 =	vadd.f32 v28, v31;
	v36 =	vsel vm5, $0x3F800000, v0;
	vm5 =	vmor vm15, vm0  }
0x5e: {  	vm0 =	vmand vm4, vm8;
	vm8 =	vgt.f32 v59, v24;
	v59 =	vunpack.c.l.s4.s8 v57  }
0x5f: {  	v62 =	vperm.xlane v30, v18;
	vm4 =	vmor vm8, vm0;
	vm8 =	vmand vm2, vm7  }
0x60: {  	vm7 =	vgt.f32 v44, v24;
	v44 =	vperm.xlane v24, v5;
	v52 =	vsel vm5, $0x3F800000, v0  }
0x61: {  	v23 =	vadd.f32 v43, v53;
	v43 =	vperm.xlane v24, v2;
	v26 =	vadd.f32 v47, v26  }
0x62: {  	vm2 =	vmor vm7, vm8;
	vm8 =	veq.f32 v63, v24;
	v55 =	vsel vm4, $0x3F800000, v0  }
0x63: {  	v29 =	vunpack.c.0.s8.s32 v59;
	v23 =	vadd.f32 v58, v23;
	v58 =	vimm.s32 $0x54761032  }
0x64: {  	v25 =	vmax.f32 v30, v62;
	vm4 =	vgt.f32 v48, v24;
	v60 =	vunpack.c.l.s4.s8 v58  }
0x65: {  	vm15 =	vmand vm8, vm9;
	vm9 =	veq.f32 v44, v24;
	vm7 =	vgt.f32 v44, v24  }
0x66: {  	v56 =	vsel vm2, $0x3F800000, v0;
	vm5 =	vlt.f32 v26, v50;
	v32 =	vunpack.c.0.s8.s32 v60  }
0x67: {  	vm3 =	vmand vm9, vm6;
	vm6 =	vgt.f32 v63, v24;
	v23 =	vadd.f32 v36, v23  }
0x68: {  	v63 =	vimm.s32 $0xEFCDAB89;
	vm9 =	veq.f32 v43, v24;
	v29 =	vcombine.low v32, v29  }
0x69: {  	vm0 =	vmor vm6, vm15;
	vm8 =	vmor vm7, vm3;
	v23 =	vadd.f32 v52, v23  }
0x6a: {  	v41 =	vunpack.c.l.s4.s8 v63;
	vm6 =	vcmask $0x3F3C;
	v20 =	vand.u32 $0xF, v29  }
0x6b: {  	vm15 =	vgt.f32 v43, v24;
	v23 =	vadd.f32 v55, v23;
	v44 =	vperm.xlane v25, v20  }
0x6c: {  	v61 =	vsel vm0, $0x3F800000, v0;
	v45 =	vsel vm8, $0x3F800000, v0;
	v42 =	vunpack.c.0.s8.s32 v41  }
0x6d: {  	vm0 =	vmand vm9, vm6;
	v23 =	vadd.f32 v56, v23;
	v46 =	vmax.f32 v25, v44;
	v25 =	vld [tilespmem:$0x100]  }
0x6e: {  	vm0 =	vmor vm15, vm0;
	v52 =	vperm.xlane v19, v16;
	v27 =	vcombine.low v27, v42  }
0x6f: {  	vm15 =	vmmov $0x1;
	v51 =	vsel vm0, $0x3F800000, v0;
	v23 =	vadd.f32 v61, v23  }
0x70: {  	vm0 =	vmneg vm5;
	vm5 =	vcmask $0x3F08;
	v21 =	vand.u32 $0xF, v27  }
0x71: {  	v27 =	vsel vm4, $0x3F800000, v0;
	v49 =	vperm.xlane v46, v21;
	v23 =	vadd.f32 v45, v23  }
0x72: {  	vm4 =	vcmask $0x3F04;
	v53 =	vperm.xlane v25, v15;
	v54 =	vperm.xlane v25, v16  }
0x73: {  	v31 =	vadd.f32 v51, v23;
	v55 =	vperm.xlane v25, v12;
	v56 =	vperm.xlane v25, v1  }
0x74: {  	v23 =	vmax.f32 v46, v49;
	v60 =	vperm.xlane v25, v14;
	v62 =	vperm.xlane v25, v13  }
0x75: {  	vm7 =	vlt.f32 v50, v23;
	v36 =	vperm.xlane v25, v8;
	v38 =	vperm.xlane v25, v9  }
0x76: {  	vm9 =	vlt.f32 v52, v23;
	v40 =	vperm.xlane v25, v10;
	v43 =	vperm.xlane v25, v6  }
0x77: {  	v46 =	vperm.xlane v25, v11;
	v48 =	vperm.xlane v25, v4;
	v27 =	vadd.f32 v31, v27  }
0x78: {  	v51 =	vperm.xlane v25, v7;
	vm1 =	vmand vm7, vm15;
	vm3 =	vmand vm9, vm15  }
0x79: {  	vm0 =	vmor vm1, vm0;
	vm9 =	veq.f32 v54, v25;
	vm8 =	vlt.f32 v27, v52  }
0x7a: {  	v22 =	vsel vm0, $0x0, v22;
	vm1 =	vmand vm9, vm5;
	vm9 =	vgt.f32 v54, v25  }
0x7b: {  	v52 =	vperm.xlane v25, v5;
	vm2 =	vmneg vm8;
	vm8 =	veq.f32 v53, v25  }
0x7c: {  	vm1 =	vmor vm9, vm1;
	v61 =	vperm.xlane v22, v17;
	vm7 =	vmor vm3, vm2  }
0x7d: {  	vm0 =	vmand vm8, vm4;
	vm8 =	vgt.f32 v53, v25;
	vm2 =	veq.f32 v55, v25  }
0x7e: {  	v58 =	vsel vm1, $0x3F800000, v0;
	vm3 =	vcmask $0x3F30;
	v26 =	vsel vm7, $0x0, v24  }
0x7f: {  	vm0 =	vmor vm8, vm0;
	vm8 =	vcmask $0x3F0C;
	vm7 =	vgt.f32 v55, v25  }
0x80: {  	v31 =	vmax.f32 v22, v61;
	v55 =	vperm.xlane v25, v2;
	v61 =	vperm.xlane v25, v3  }
0x81: {  	vm2 =	vmand vm2, vm8;
	v57 =	vsel vm0, $0x3F800000, v0;
	v63 =	vperm.xlane v31, v18  }
0x82: {  	vm9 =	vmor vm7, vm2;
	vm7 =	veq.f32 v56, v25;
	v24 =	vadd.f32 v58, v57  }
0x83: {  	v58 =	vperm.xlane v26, v17;
	v59 =	vsel vm9, $0x3F800000, v0;
	vm0 =	vmand vm7, vm14  }
0x84: {  	vm9 =	vgt.f32 v56, v25;
	vm14 =	veq.f32 v60, v25;
	vm7 =	vcmask $0x3F14  }
0x85: {  	v30 =	vmax.f32 v31, v63;
	vm0 =	vmor vm9, vm0;
	vm1 =	vmand vm14, vm7  }
0x86: {  	vm9 =	vgt.f32 v60, v25;
	vm14 =	veq.f32 v62, v25;
	v31 =	vperm.xlane v30, v20  }
0x87: {  	v24 =	vadd.f32 v59, v24;
	v29 =	vmax.f32 v26, v58;
	vm1 =	vmor vm9, vm1  }
0x88: {  	vm9 =	vcmask $0x3F18;
	v37 =	vsel vm0, $0x3F800000, v0;
	v60 =	vperm.xlane v29, v18  }
0x89: {  	vm2 =	vmand vm14, vm9;
	vm14 =	vgt.f32 v62, v25;
	v30 =	vmax.f32 v30, v31  }
0x8a: {  	v39 =	vsel vm1, $0x3F800000, v0;
	v24 =	vadd.f32 v37, v24;
	v31 =	vperm.xlane v30, v21  }
0x8b: {  	vm0 =	vmor vm14, vm2;
	vm14 =	veq.f32 v36, v25;
	v29 =	vmax.f32 v29, v60  }
0x8c: {  	vm2 =	vmand vm14, vm13;
	vm14 =	vgt.f32 v36, v25;
	v30 =	vmax.f32 v30, v31  }
0x8d: {  	v41 =	vsel vm0, $0x3F800000, v0;
	v24 =	vadd.f32 v39, v24;
	v22 =	vsub.f32 v22, v30  }
0x8e: {  	v37 =	vperm.xlane v29, v20;
	vm13 =	vmor vm14, vm2;
	vm14 =	veq.f32 v38, v25  }
0x8f: {  	vm2 =	vmand vm14, vm11;
	vm11 =	vgt.f32 v38, v25;
	v22 =	vmul.f32 $1.442695020e+00, v22  }
0x90: {  	v42 =	vsel vm13, $0x3F800000, v0;
	vm13 =	veq.f32 v40, v25;
	v24 =	vadd.f32 v41, v24  }
0x91: {  	vm14 =	vgt.f32 v40, v25;
	v29 =	vmax.f32 v29, v37;
	(erf) = vpow2.f32 v22  }
0x92: {  	vm2 =	vmor vm11, vm2;
	vm11 =	vcmask $0x3F24;
	v47 =	vadd.f32 v42, v24  }
0x93: {  	v39 =	vperm.xlane v29, v21;
	vm0 =	vmand vm13, vm11;
	v44 =	vsel vm2, $0x3F800000, v0  }
0x94: {  	vm13 =	veq.f32 v43, v25;
	vm0 =	vmor vm14, vm0;
	v22 =	vadd.f32 v44, v47  }
0x95: {  	vm14 =	vgt.f32 v43, v25;
	v45 =	vsel vm0, $0x3F800000, v0;
	vm0 =	vmand vm13, vm10  }
0x96: {  	vm13 =	veq.f32 v46, v25;
	vm0 =	vmor vm14, vm0;
	v22 =	vadd.f32 v45, v22  }
0x97: {  	vm1 =	vmand vm13, vm12;
	vm14 =	vgt.f32 v46, v25;
	v49 =	vsel vm0, $0x3F800000, v0  }
0x98: {  	vm13 =	vmor vm14, vm1;
	vm14 =	veq.f32 v48, v25;
	vm1 =	veq.f32 v51, v25  }
0x99: {  	v50 =	vsel vm13, $0x3F800000, v0;
	vm0 =	vmand vm14, vm3;
	vm13 =	vgt.f32 v48, v25  }
0x9a: {  	vm0 =	vmor vm13, vm0;
	v27 =	vadd.f32 v49, v22;
	vm13 =	vcmask $0x3F34;
	v22 =	vpop (erf)  }
0x9b: {  	vm14 =	vgt.f32 v51, v25;
	vm1 =	vmand vm1, vm13;
	v54 =	vperm.xlane v22, v17  }
0x9c: {  	v53 =	vsel vm0, $0x3F800000, v0;
	vm0 =	vmor vm14, vm1;
	v27 =	vadd.f32 v50, v27  }
0x9d: {  	vm1 =	veq.f32 v52, v25;
	vm14 =	vcmask $0x3F38;
	v24 =	vadd.f32 v22, v54  }
0x9e: {  	vm2 =	vgt.f32 v52, v25;
	vm1 =	vmand vm1, vm14;
	v27 =	vadd.f32 v53, v27  }
0x9f: {  	v56 =	vsel vm0, $0x3F800000, v0;
	vm0 =	veq.f32 v55, v25;
	v59 =	vperm.xlane v24, v18  }
0xa0: {  	vm1 =	vmor vm2, vm1;
	vm0 =	vmand vm0, vm6;
	v27 =	vadd.f32 v56, v27  }
0xa1: {  	v57 =	vsel vm1, $0x3F800000, v0;
	vm1 =	vgt.f32 v55, v25;
	v28 =	vadd.f32 v24, v59;
	v24 =	vld [tilespmem:$0x180]  }
0xa2: {  	v40 =	vmax.f32 v29, v39;
	vm0 =	vmor vm1, vm0;
	v27 =	vadd.f32 v57, v27  }
0xa3: {  	v38 =	vperm.xlane v19, v12;
	v26 =	vsub.f32 v26, v40;
	v62 =	vsel vm0, $0x3F800000, v0  }
0xa4: {  	vm0 =	vgt.f32 v61, v25;
	v27 =	vadd.f32 v62, v27  }
0xa5: {  	v43 =	vmul.f32 $1.442695020e+00, v26;
	vm1 =	vlt.f32 v38, v23;
	v63 =	vsel vm0, $0x3F800000, v0  }
0xa6: {  	v27 =	vadd.f32 v27, v63;
	v36 =	vperm.xlane v28, v20;
	v15 =	vperm.xlane v24, v15  }
0xa7: {  	vm1 =	vmand vm1, vm15;
	v16 =	vperm.xlane v24, v16;
	v12 =	vperm.xlane v24, v12  }
0xa8: {  	vm0 =	vlt.f32 v27, v38;
	v46 =	vperm.xlane v24, v1;
	v47 =	vperm.xlane v24, v14  }
0xa9: {  	vm0 =	vmneg vm0;
	v49 =	vperm.xlane v24, v13;
	v8 =	vperm.xlane v24, v8  }
0xaa: {  	v28 =	vadd.f32 v28, v36;
	v55 =	vperm.xlane v24, v9;
	v59 =	vperm.xlane v24, v10  }
0xab: {  	vm0 =	vmor vm1, vm0;
	v6 =	vperm.xlane v24, v6;
	v4 =	vperm.xlane v24, v4  }
0xac: {  	v25 =	vsel vm0, $0x0, v25;
	v34 =	vperm.xlane v24, v7;
	v41 =	vperm.xlane v28, v21  }
0xad: {  	v38 =	vperm.xlane v24, v5;
	v2 =	vperm.xlane v24, v2;
	vm1 =	veq.f32 v15, v24  }
0xae: {  	v51 =	vperm.xlane v25, v17;
	vm0 =	vmand vm1, vm4;
	v42 =	vadd.f32 v28, v41  }
0xaf: {  	vm1 =	vgt.f32 v15, v24;
	vm4 =	veq.f32 v16, v24;
	v28 =	vperm.xlane v24, v11  }
0xb0: {  	vm0 =	vmor vm1, vm0;
	vm4 =	vmand vm4, vm5;
	vm5 =	vgt.f32 v16, v24  }
0xb1: {  	v16 =	vmax.f32 v25, v51;
	(erf) = vrcp.f32 v42;
	v44 =	vsel vm0, $0x3F800000, v0  }
0xb2: {  	vm4 =	vmor vm5, vm4;
	vm5 =	veq.f32 v12, v24;
	v57 =	vperm.xlane v16, v18  }
0xb3: {  	(erf) = vpow2.f32 v43;
	v45 =	vsel vm4, $0x3F800000, v0;
	vm0 =	vmand vm5, vm8  }
0xb4: {  	vm8 =	vgt.f32 v12, v24;
	vm4 =	veq.f32 v46, v24;
	vm5 =	vcmask $0x3F10  }
0xb5: {  	v15 =	vadd.f32 v45, v44;
	vm0 =	vmor vm8, vm0;
	vm8 =	vgt.f32 v46, v24  }
0xb6: {  	v48 =	vsel vm0, $0x3F800000, v0;
	vm0 =	vmand vm4, vm5;
	vm4 =	veq.f32 v47, v24  }
0xb7: {  	vm5 =	vgt.f32 v47, v24;
	v14 =	vadd.f32 v48, v15;
	vm0 =	vmor vm8, vm0  }
0xb8: {  	vm1 =	vmand vm4, vm7;
	vm8 =	veq.f32 v49, v24;
	vm4 =	veq.f32 v8, v24  }
0xb9: {  	v15 =	vmax.f32 v16, v57;
	v50 =	vsel vm0, $0x3F800000, v0;
	vm7 =	vmor vm5, vm1  }
0xba: {  	vm0 =	vmand vm8, vm9;
	vm9 =	vgt.f32 v49, v24;
	vm5 =	vcmask $0x3F1C  }
0xbb: {  	vm8 =	veq.f32 v55, v24;
	v63 =	vperm.xlane v15, v20;
	v14 =	vadd.f32 v50, v14  }
0xbc: {  	v52 =	vsel vm7, $0x3F800000, v0;
	vm0 =	vmor vm9, vm0;
	vm7 =	vgt.f32 v8, v24  }
0xbd: {  	vm9 =	vcmask $0x3F20;
	v54 =	vsel vm0, $0x3F800000, v0;
	vm0 =	vmand vm4, vm5  }
0xbe: {  	vm4 =	vgt.f32 v55, v24;
	vm5 =	veq.f32 v59, v24;
	v9 =	vmax.f32 v15, v63  }
0xbf: {  	v14 =	vadd.f32 v52, v14;
	vm0 =	vmor vm7, vm0;
	vm7 =	vgt.f32 v59, v24;
	v12 =	vpop (erf)  }
0xc0: {  	v32 =	vperm.xlane v9, v21;
	v58 =	vsel vm0, $0x3F800000, v0;
	vm0 =	vmand vm8, vm9;
	v13 =	vpop (erf)  }
0xc1: {  	vm8 =	veq.f32 v6, v24;
	vm9 =	vgt.f32 v6, v24;
	v53 =	vperm.xlane v13, v17  }
0xc2: {  	v14 =	vadd.f32 v54, v14;
	vm0 =	vmor vm4, vm0;
	vm4 =	vgt.f32 v4, v24  }
0xc3: {  	v8 =	vmax.f32 v9, v32;
	v61 =	vsel vm0, $0x3F800000, v0;
	v56 =	vadd.f32 v13, v53  }
0xc4: {  	vm0 =	vmand vm5, vm11;
	vm11 =	vgt.f32 v28, v24;
	vm5 =	veq.f32 v34, v24  }
0xc5: {  	v14 =	vadd.f32 v58, v14;
	vm0 =	vmor vm7, vm0;
	v60 =	vperm.xlane v56, v18  }
0xc6: {  	v40 =	vsub.f32 v25, v8;
	vm7 =	vgt.f32 v34, v24;
	v27 =	vsel vm0, $0x3F800000, v0  }
0xc7: {  	vm0 =	vmand vm8, vm10;
	v26 =	vadd.f32 v61, v14;
	v62 =	vadd.f32 v56, v60  }
0xc8: {  	vm10 =	veq.f32 v28, v24;
	vm8 =	veq.f32 v38, v24;
	v43 =	vmul.f32 $1.442695020e+00, v40  }
0xc9: {  	vm0 =	vmor vm9, vm0;
	v10 =	vadd.f32 v27, v26;
	v29 =	vperm.xlane v62, v20  }
0xca: {  	v30 =	vsel vm0, $0x3F800000, v0;
	vm0 =	vmand vm10, vm12;
	vm12 =	veq.f32 v4, v24  }
0xcb: {  	vm0 =	vmor vm11, vm0;
	v10 =	vadd.f32 v30, v10;
	v31 =	vadd.f32 v62, v29  }
0xcc: {  	vm9 =	vgt.f32 v38, v24;
	v33 =	vsel vm0, $0x3F800000, v0;
	vm0 =	vmand vm12, vm3  }
0xcd: {  	vm0 =	vmor vm4, vm0;
	v36 =	vadd.f32 v33, v10;
	v35 =	vperm.xlane v31, v21  }
0xce: {  	vm10 =	veq.f32 v2, v24;
	v37 =	vsel vm0, $0x3F800000, v0;
	vm0 =	vmand vm5, vm13  }
0xcf: {  	vm0 =	vmor vm7, vm0;
	v41 =	vadd.f32 v37, v36;
	v39 =	vadd.f32 v31, v35  }
0xd0: {  	vm11 =	vgt.f32 v2, v24;
	v42 =	vsel vm0, $0x3F800000, v0;
	vm0 =	vmand vm8, vm14  }
0xd1: {  	vm0 =	vmor vm9, vm0;
	v44 =	vadd.f32 v42, v41;
	(erf) = vrcp.f32 v39  }
0xd2: {  	v45 =	vsel vm0, $0x3F800000, v0;
	vm0 =	vmand vm10, vm6;
	(erf) = vpow2.f32 v43  }
0xd3: {  	v3 =	vperm.xlane v24, v3;
	vm0 =	vmor vm11, vm0;
	v46 =	vadd.f32 v45, v44  }
0xd4: {  	v47 =	vsel vm0, $0x3F800000, v0  }
0xd5: {  	vm12 =	vgt.f32 v3, v24;
	v2 =	vadd.f32 v47, v46  }
0xd6: {  	v0 =	vsel vm12, $0x3F800000, v0  }
0xd7: {  	v1 =	vperm.xlane v19, v1;
	v0 =	vadd.f32 v2, v0;
	_ =	sdelay $0x1  }
0xd8: {  	vm14 =	vlt.f32 v1, v23;
	vm13 =	vlt.f32 v0, v1  }
0xd9: {  	vm1 =	vmand vm14, vm15;
	vm0 =	vmneg vm13;
	v48 =	vpop (erf)  }
0xda: {  	vm0 =	vmor vm1, vm0;
	v49 =	vpop (erf)  }
0xdb: {  	v50 =	vsel vm0, $0x0, v24;
	v51 =	vperm.xlane v49, v17  }
0xdc: {  	v52 =	vperm.xlane v50, v17  }
0xdd: {  	v3 =	vadd.f32 v49, v51  }
0xde: {  	v4 =	vmax.f32 v50, v52  }
0xdf: {  	v54 =	vperm.xlane v4, v18;
	v53 =	vperm.xlane v3, v18;
	_ =	sdelay $0x1  }
0xe0: {  	v4 =	vmax.f32 v4, v54;
	v3 =	vadd.f32 v3, v53  }
0xe1: {  	v55 =	vperm.xlane v4, v20  }
0xe2: {  	v56 =	vperm.xlane v3, v20  }
0xe3: {  	v4 =	vmax.f32 v4, v55  }
0xe4: {  	v5 =	vperm.xlane v4, v21;
	v3 =	vadd.f32 v3, v56;
	_ =	sdelay $0x1  }
0xe5: {  	v4 =	vmax.f32 v4, v5;
	v6 =	vperm.xlane v3, v21  }
0xe6: {  	v2 =	vsub.f32 v50, v4  }
0xe7: {  	v3 =	vadd.f32 v3, v6  }
0xe8: {  	v2 =	vmul.f32 $1.442695020e+00, v2  }
0xe9: {  	(erf) = vrcp.f32 v3  }
0xea: {  	(erf) = vpow2.f32 v2;
	_ =	sdelay $0x7  }
0xeb: {  	v57 =	vpop (erf)  }
0xec: {  	v58 =	vpop (erf)  }
0xed: {  	v59 =	vperm.xlane v58, v17;
	_ =	sdelay $0x1  }
0xee: {  	v4 =	vadd.f32 v58, v59;
	_ =	sdelay $0x1  }
0xef: {  	v60 =	vperm.xlane v4, v18;
	_ =	sdelay $0x1  }
0xf0: {  	v4 =	vadd.f32 v4, v60;
	_ =	sdelay $0x1  }
0xf1: {  	v5 =	vperm.xlane v4, v20;
	_ =	sdelay $0x1  }
0xf2: {  	v4 =	vadd.f32 v4, v5;
	_ =	sdelay $0x1  }
0xf3: {  	v5 =	vperm.xlane v4, v21;
	_ =	sdelay $0x1  }
0xf4: {  	v4 =	vadd.f32 v4, v5;
	_ =	sdelay $0x1  }
0xf5: {  	(erf) = vrcp.f32 v4;
	_ =	sdelay $0x6  }
0xf6: {  	v61 =	vmul.f32 v12, v22  }
0xf7: {  	v0 =	vmul.f32 v48, v13  }
0xf8: {  	[tilespmem:$0x400] =	vst v61;
	v1 =	vmul.f32 v57, v49;
	v62 =	vpop (erf)  }
0xf9: {  	[tilespmem:$0x480] =	vst v0;
	v63 =	vmul.f32 v62, v58  }
0xfa: {  	[tilespmem:$0x500] =	vst v1  }
0xfb: {  	s4 =	simm.s32 $0x400;
	[tilespmem:$0x580] =	vst v63  }
0xfc: {  	[hbm4b:s1+s3] =	stream.linear.scatter [tilespmem:s4], [sflag:$0x1], $0x200, $0x38;
	[tilespmem:$0x600] =	vst v63  }
0xfd: {  	_ =	swait.ge [sflag:s31], $0x200  }
0xfe: {  	[sflag:s31] =	ssyncset.done $0x0  }
0xff: {  	[sflag:s31] =	ssyncadd.s32 $0xFFFFFE00  }
.LBB2_2:
0x100: {  	_ =	sfence.sel $0x180000  }
0x101: {  	[bflag:$0x0] =	sbarrier.arrive $0xFFFF  }
0x102: {  	_ =	strace $0x90000047  }
0x103: {  	s0 =	sadd.s32 @!p0 $0x100000, s0;
	[bflag:$0x2] =	sbarrier.arrive $0xFFFF  }
0x104: {  	[sflag:s0] =	ssyncadd.tile.s32 @!p0 $0x1;
	_ =	shalt  }
.Lfunc_end2:
_tile_overlayer_lowered:
.L_overlay_start_2:
0x105: {  	(tag) =	ssettag $0x2  }
0x106: {  	s0 =	rddreg [dreg:$0x0];
	s2 =	stileid.u32  }
0x107: {  	s1 =	rddreg [dreg:$0x1];
	p0 =	sne.s32 s2, $0x0  }
0x108: {  	s3 =	rddreg [dreg:$0x2];
	[bflag:$0x3] =	sbarrier.arrive $0xFFFF;
	s2 =	simm.s32 @!p0 $0x1C01  }
0x109: {  	[timem:s3], [sflag:s2] =	dma.local @!p0 [hbm:s0], s1  }
0x10a: {  	s0 =	simm.s32 @!p0 $0x1  }
0x10b: {  	_ =	swait.ge @!p0 [sflag:s0], s1  }
0x10c: {  	s1 =	ssub.s32 @!p0 $0x0, s1;
	[sflag:s0] =	ssyncset.done @!p0 $0x0  }
0x10d: {  	[sflag:s0] =	ssyncadd.s32 @!p0 s1  }
0x10e: {  	[bflag:$0x3] =	sbarrier.arrive $0xFFFF  }
0x10f: {  	_ =	shalt  }

</sc_bundles>
